<compile_context>
chip_gen: v7x
topology: tpu7x:2x2x1
jax: 0.10.2.dev20260603
libtpu: 0.0.44.dev20260713+nightly
codegen_flags: <defaults>
</compile_context>

<pallas_src>
import jax
import jax.numpy as jnp
from jax import lax
from jax.experimental import pallas as pl
from jax.experimental.pallas import tpu as pltpu
from jax.experimental.pallas import tpu_sc as plsc

B = 16384
NC = 2
NS = 16
NW = NC * NS
BPW = B // NW
L = 16


def _sc_body(uid_hbm, iid_hbm, mu_hbm, ups_hbm,
             umu_hbm, imu_hbm, uups_hbm, iups_hbm,
             mu_out, ups_out, alpha_out, beta_out,
             uid_v, iid_v, mu_v, ups_v,
             umu_v, imu_v, uups_v, iups_v,
             omu_v, oups_v, oalpha_v, obeta_v,
             sem0, sem1, sem2, sem3):
    wid = lax.axis_index("s") * NC + lax.axis_index("c")
    base = wid * BPW

    pltpu.sync_copy(uid_hbm.at[pl.ds(base, BPW)], uid_v)
    pltpu.sync_copy(iid_hbm.at[pl.ds(base, BPW)], iid_v)

    c0 = pltpu.async_copy(umu_hbm.at[uid_v], umu_v, sem0)
    c1 = pltpu.async_copy(imu_hbm.at[iid_v], imu_v, sem1)
    c2 = pltpu.async_copy(uups_hbm.at[uid_v], uups_v, sem2)
    c3 = pltpu.async_copy(iups_hbm.at[iid_v], iups_v, sem3)

    pltpu.sync_copy(mu_hbm.at[pl.ds(base, BPW)], mu_v)
    pltpu.sync_copy(ups_hbm.at[pl.ds(base, BPW)], ups_v)
    c0.wait()
    c1.wait()
    c2.wait()
    c3.wait()

    eps = jnp.float32(1e-6)
    eps_param = jnp.float32(0.01)
    half = jnp.float32(0.5)
    one = jnp.float32(1.0)
    hi = jnp.float32(15.0)
    zero = jnp.float32(0.0)

    for i in range(BPW // L):
        s = pl.ds(i * L, L)
        mu = mu_v[s]
        ups = ups_v[s]
        umu = umu_v[s]
        imu = imu_v[s]
        uups = uups_v[s]
        iups = iups_v[s]

        ups2 = jnp.minimum(jnp.maximum(ups * (uups * iups), eps), hi)
        prod = umu * imu
        lt = mu < prod
        num = jnp.where(lt, half * mu, half * (mu - prod))
        den = jnp.where(lt, jnp.maximum(prod, eps),
                        jnp.maximum(one - prod, eps))
        off = jnp.where(lt, zero, half)
        mu2 = off + num / den
        alpha = jnp.maximum(mu2 * ups2, eps_param)
        beta = jnp.maximum(ups2 - alpha, eps_param)

        omu_v[s] = mu2
        oups_v[s] = ups2
        oalpha_v[s] = alpha
        obeta_v[s] = beta

    pltpu.sync_copy(omu_v, mu_out.at[pl.ds(base, BPW)])
    pltpu.sync_copy(oups_v, ups_out.at[pl.ds(base, BPW)])
    pltpu.sync_copy(oalpha_v, alpha_out.at[pl.ds(base, BPW)])
    pltpu.sync_copy(obeta_v, beta_out.at[pl.ds(base, BPW)])


@jax.jit
def kernel(uid, iid, mu, upsilon, uid_mu_emb, iid_mu_emb,
           uid_upsilon_emb, iid_upsilon_emb):
    mesh = plsc.VectorSubcoreMesh(core_axis_name="c", subcore_axis_name="s")
    f32 = jnp.float32
    run = pl.kernel(
        _sc_body,
        mesh=mesh,
        out_type=[jax.ShapeDtypeStruct((B,), f32) for _ in range(4)],
        scratch_types=[
            pltpu.VMEM((BPW,), jnp.int32),
            pltpu.VMEM((BPW,), jnp.int32),
            pltpu.VMEM((BPW,), f32),
            pltpu.VMEM((BPW,), f32),
            pltpu.VMEM((BPW,), f32),
            pltpu.VMEM((BPW,), f32),
            pltpu.VMEM((BPW,), f32),
            pltpu.VMEM((BPW,), f32),
            pltpu.VMEM((BPW,), f32),
            pltpu.VMEM((BPW,), f32),
            pltpu.VMEM((BPW,), f32),
            pltpu.VMEM((BPW,), f32),
            pltpu.SemaphoreType.DMA,
            pltpu.SemaphoreType.DMA,
            pltpu.SemaphoreType.DMA,
            pltpu.SemaphoreType.DMA,
        ],
    )
    mu_o, ups_o, al_o, be_o = run(
        uid.astype(jnp.int32),
        iid.astype(jnp.int32),
        mu.reshape(B),
        upsilon.reshape(B),
        uid_mu_emb.reshape(-1),
        iid_mu_emb.reshape(-1),
        uid_upsilon_emb.reshape(-1),
        iid_upsilon_emb.reshape(-1),
    )
    return (mu_o.reshape(B, 1), ups_o.reshape(B, 1),
            al_o.reshape(B, 1), be_o.reshape(B, 1))

# --- scband reference (transcript-rebuilt; emitter-appended) ---
"""Pipeline reference for scband-bias-mu-upsilon-35296041239077 (READ-ONLY COPY).

The authoritative reference and input builder live on the scoring server;
editing this copy changes nothing except your own understanding.
"""

import jax, jax.numpy as jnp
import numpy as np

B = 16384
U = 1000000
I = 1000000


def setup_inputs(seed: int = 0) -> dict:
    key = jax.random.key(seed)
    ks = jax.random.split(key, 8)
    lower_mu, upper_mu = np.sqrt(0.5) - 0.1, np.sqrt(0.5) + 0.1
    inp = {
        "uid": jax.random.randint(ks[0], (B,), 0, U),
        "iid": jax.random.randint(ks[1], (B,), 0, I),
        "mu": jax.random.uniform(ks[2], (B, 1), dtype=jnp.float32),
        "upsilon": jax.random.uniform(ks[3], (B, 1), dtype=jnp.float32),
        "uid_mu_emb": jax.random.uniform(ks[4], (U, 1), minval=lower_mu, maxval=upper_mu, dtype=jnp.float32),
        "iid_mu_emb": jax.random.uniform(ks[5], (I, 1), minval=lower_mu, maxval=upper_mu, dtype=jnp.float32),
        "uid_upsilon_emb": jax.random.uniform(ks[6], (U, 1), minval=0.9, maxval=1.1, dtype=jnp.float32),
        "iid_upsilon_emb": jax.random.uniform(ks[7], (I, 1), minval=0.9, maxval=1.1, dtype=jnp.float32),
    }
    return inp


def reference(uid, iid, mu, upsilon, uid_mu_emb, iid_mu_emb, uid_upsilon_emb, iid_upsilon_emb):
    eps = jnp.float32(1e-06)
    eps_param = jnp.float32(0.01)
    uid_mu_bias = jnp.take(uid_mu_emb, uid, axis=0)
    iid_mu_bias = jnp.take(iid_mu_emb, iid, axis=0)
    uid_upsilon_bias = jnp.take(uid_upsilon_emb, uid, axis=0)
    iid_upsilon_bias = jnp.take(iid_upsilon_emb, iid, axis=0)
    upsilon = jnp.clip(upsilon * (uid_upsilon_bias * iid_upsilon_bias), 1e-06, 15.0)
    prod_mu_bias = uid_mu_bias * iid_mu_bias
    mu = jnp.where(
        mu < prod_mu_bias,
        0.5 * mu / jnp.maximum(prod_mu_bias, eps),
        0.5 + 0.5 * (mu - prod_mu_bias) / jnp.maximum(1.0 - prod_mu_bias, eps),
    )
    alpha = jnp.maximum(mu * upsilon, eps_param)
    beta = jnp.maximum(upsilon - alpha, eps_param)
    return (mu, upsilon, alpha, beta)

if __name__ == "__main__":
    import jax
    _d = setup_inputs()
    print(jax.jit(kernel)(*tuple(_d.values())))

</pallas_src>

<mosaic_0001>
#map = affine_map<(d0, d1) -> (0)>
module attributes {stable_mosaic.version = 14 : i64} {
  func.func @_sc_body(%arg0: i32, %arg1: i32, %arg2: memref<16384xi32, #tpu.memory_space<hbm>>, %arg3: memref<16384xi32, #tpu.memory_space<hbm>>, %arg4: memref<16384xf32, #tpu.memory_space<hbm>>, %arg5: memref<16384xf32, #tpu.memory_space<hbm>>, %arg6: memref<1000000xf32, #tpu.memory_space<hbm>>, %arg7: memref<1000000xf32, #tpu.memory_space<hbm>>, %arg8: memref<1000000xf32, #tpu.memory_space<hbm>>, %arg9: memref<1000000xf32, #tpu.memory_space<hbm>>, %arg10: memref<16384xf32, #tpu.memory_space<hbm>>, %arg11: memref<16384xf32, #tpu.memory_space<hbm>>, %arg12: memref<16384xf32, #tpu.memory_space<hbm>>, %arg13: memref<16384xf32, #tpu.memory_space<hbm>>, %arg14: memref<512xi32, #tpu.memory_space<vmem>>, %arg15: memref<512xi32, #tpu.memory_space<vmem>>, %arg16: memref<512xf32, #tpu.memory_space<vmem>>, %arg17: memref<512xf32, #tpu.memory_space<vmem>>, %arg18: memref<512xf32, #tpu.memory_space<vmem>>, %arg19: memref<512xf32, #tpu.memory_space<vmem>>, %arg20: memref<512xf32, #tpu.memory_space<vmem>>, %arg21: memref<512xf32, #tpu.memory_space<vmem>>, %arg22: memref<512xf32, #tpu.memory_space<vmem>>, %arg23: memref<512xf32, #tpu.memory_space<vmem>>, %arg24: memref<512xf32, #tpu.memory_space<vmem>>, %arg25: memref<512xf32, #tpu.memory_space<vmem>>, %arg26: memref<!tpu.dma_semaphore, #tpu.memory_space<semaphore_mem>>, %arg27: memref<!tpu.dma_semaphore, #tpu.memory_space<semaphore_mem>>, %arg28: memref<!tpu.dma_semaphore, #tpu.memory_space<semaphore_mem>>, %arg29: memref<!tpu.dma_semaphore, #tpu.memory_space<semaphore_mem>>) attributes {dimension_semantics = [#tpu.dimension_semantics<core_parallel>, #tpu.dimension_semantics<subcore_parallel>], iteration_bounds = array<i64: 2, 16>, scalar_prefetch = 0 : i64, scratch_operands = 16 : i64, tpu.core_type = #tpu.core_type<sc_vector_subcore>, window_params = [{transform_indices = #map}, {transform_indices = #map}, {transform_indices = #map}, {transform_indices = #map}, {transform_indices = #map}, {transform_indices = #map}, {transform_indices = #map}, {transform_indices = #map}, {transform_indices = #map}, {transform_indices = #map}, {transform_indices = #map}, {transform_indices = #map}]} {
    %mul3A = arith.constant 2 : i32
    %mul3A_0 = arith.muli %arg1, %mul3A : i32
    %add3A = arith.addi %mul3A_0, %arg0 : i32
    %mul3A_1 = arith.constant 512 : i32
    %mul3A_2 = arith.muli %add3A, %mul3A_1 : i32
    "tpu.region"() ({
      %run_scoped3A = tpu.sem_alloc : memref<!tpu.dma_semaphore, #tpu.memory_space<semaphore_mem>>
      %dma_start3A_2471 = tpu.memref_slice %arg2[%mul3A_2] : memref<16384xi32, #tpu.memory_space<hbm>> -> memref<512xi32, #tpu.memory_space<hbm>>
      %dma_start3A_2472 = tpu.memref_slice %arg2[%mul3A_2] : memref<16384xi32, #tpu.memory_space<hbm>> -> memref<512xi32, #tpu.memory_space<hbm>>
      tpu.enqueue_dma source(%dma_start3A_2472 : memref<512xi32, #tpu.memory_space<hbm>>) target(%arg14 : memref<512xi32, #tpu.memory_space<vmem>>) target_semaphore(%run_scoped3A : memref<!tpu.dma_semaphore, #tpu.memory_space<semaphore_mem>>)
      %dma_wait3A_2473 = tpu.memref_slice %arg2[%mul3A_2] : memref<16384xi32, #tpu.memory_space<hbm>> -> memref<512xi32, #tpu.memory_space<hbm>>
      %dma_wait3A_2474 = tpu.memref_slice %arg2[%mul3A_2] : memref<16384xi32, #tpu.memory_space<hbm>> -> memref<512xi32, #tpu.memory_space<hbm>>
      tpu.wait_dma2 semaphore(%run_scoped3A : memref<!tpu.dma_semaphore, #tpu.memory_space<semaphore_mem>>) src(%dma_wait3A_2474 : memref<512xi32, #tpu.memory_space<hbm>>) dst(%arg14 : memref<512xi32, #tpu.memory_space<vmem>>)
      tpu.yield
    }) : () -> ()
    "tpu.region"() ({
      %run_scoped3A = tpu.sem_alloc : memref<!tpu.dma_semaphore, #tpu.memory_space<semaphore_mem>>
      %dma_start3A_2471 = tpu.memref_slice %arg3[%mul3A_2] : memref<16384xi32, #tpu.memory_space<hbm>> -> memref<512xi32, #tpu.memory_space<hbm>>
      %dma_start3A_2472 = tpu.memref_slice %arg3[%mul3A_2] : memref<16384xi32, #tpu.memory_space<hbm>> -> memref<512xi32, #tpu.memory_space<hbm>>
      tpu.enqueue_dma source(%dma_start3A_2472 : memref<512xi32, #tpu.memory_space<hbm>>) target(%arg15 : memref<512xi32, #tpu.memory_space<vmem>>) target_semaphore(%run_scoped3A : memref<!tpu.dma_semaphore, #tpu.memory_space<semaphore_mem>>)
      %dma_wait3A_2473 = tpu.memref_slice %arg3[%mul3A_2] : memref<16384xi32, #tpu.memory_space<hbm>> -> memref<512xi32, #tpu.memory_space<hbm>>
      %dma_wait3A_2474 = tpu.memref_slice %arg3[%mul3A_2] : memref<16384xi32, #tpu.memory_space<hbm>> -> memref<512xi32, #tpu.memory_space<hbm>>
      tpu.wait_dma2 semaphore(%run_scoped3A : memref<!tpu.dma_semaphore, #tpu.memory_space<semaphore_mem>>) src(%dma_wait3A_2474 : memref<512xi32, #tpu.memory_space<hbm>>) dst(%arg15 : memref<512xi32, #tpu.memory_space<vmem>>)
      tpu.yield
    }) : () -> ()
    %dma_start3A = arith.constant 0 : i32
    %dma_start3A_3 = tpu.memref_slice %arg6[%dma_start3A] : memref<1000000xf32, #tpu.memory_space<hbm>> -> memref<1000000xf32, #tpu.memory_space<hbm>>
    tpu.enqueue_indirect_dma source(%dma_start3A_3 : memref<1000000xf32, #tpu.memory_space<hbm>>) target(%arg18 : memref<512xf32, #tpu.memory_space<vmem>>) offsets(%arg14 : memref<512xi32, #tpu.memory_space<vmem>>) semaphore(%arg26 : memref<!tpu.dma_semaphore, #tpu.memory_space<semaphore_mem>>)
    %dma_start3A_4 = arith.constant 0 : i32
    %dma_start3A_5 = tpu.memref_slice %arg7[%dma_start3A_4] : memref<1000000xf32, #tpu.memory_space<hbm>> -> memref<1000000xf32, #tpu.memory_space<hbm>>
    tpu.enqueue_indirect_dma source(%dma_start3A_5 : memref<1000000xf32, #tpu.memory_space<hbm>>) target(%arg19 : memref<512xf32, #tpu.memory_space<vmem>>) offsets(%arg15 : memref<512xi32, #tpu.memory_space<vmem>>) semaphore(%arg27 : memref<!tpu.dma_semaphore, #tpu.memory_space<semaphore_mem>>)
    %dma_start3A_6 = arith.constant 0 : i32
    %dma_start3A_7 = tpu.memref_slice %arg8[%dma_start3A_6] : memref<1000000xf32, #tpu.memory_space<hbm>> -> memref<1000000xf32, #tpu.memory_space<hbm>>
    tpu.enqueue_indirect_dma source(%dma_start3A_7 : memref<1000000xf32, #tpu.memory_space<hbm>>) target(%arg20 : memref<512xf32, #tpu.memory_space<vmem>>) offsets(%arg14 : memref<512xi32, #tpu.memory_space<vmem>>) semaphore(%arg28 : memref<!tpu.dma_semaphore, #tpu.memory_space<semaphore_mem>>)
    %dma_start3A_8 = arith.constant 0 : i32
    %dma_start3A_9 = tpu.memref_slice %arg9[%dma_start3A_8] : memref<1000000xf32, #tpu.memory_space<hbm>> -> memref<1000000xf32, #tpu.memory_space<hbm>>
    tpu.enqueue_indirect_dma source(%dma_start3A_9 : memref<1000000xf32, #tpu.memory_space<hbm>>) target(%arg21 : memref<512xf32, #tpu.memory_space<vmem>>) offsets(%arg15 : memref<512xi32, #tpu.memory_space<vmem>>) semaphore(%arg29 : memref<!tpu.dma_semaphore, #tpu.memory_space<semaphore_mem>>)
    "tpu.region"() ({
      %run_scoped3A = tpu.sem_alloc : memref<!tpu.dma_semaphore, #tpu.memory_space<semaphore_mem>>
      %dma_start3A_2471 = tpu.memref_slice %arg4[%mul3A_2] : memref<16384xf32, #tpu.memory_space<hbm>> -> memref<512xf32, #tpu.memory_space<hbm>>
      %dma_start3A_2472 = tpu.memref_slice %arg4[%mul3A_2] : memref<16384xf32, #tpu.memory_space<hbm>> -> memref<512xf32, #tpu.memory_space<hbm>>
      tpu.enqueue_dma source(%dma_start3A_2472 : memref<512xf32, #tpu.memory_space<hbm>>) target(%arg16 : memref<512xf32, #tpu.memory_space<vmem>>) target_semaphore(%run_scoped3A : memref<!tpu.dma_semaphore, #tpu.memory_space<semaphore_mem>>)
      %dma_wait3A_2473 = tpu.memref_slice %arg4[%mul3A_2] : memref<16384xf32, #tpu.memory_space<hbm>> -> memref<512xf32, #tpu.memory_space<hbm>>
      %dma_wait3A_2474 = tpu.memref_slice %arg4[%mul3A_2] : memref<16384xf32, #tpu.memory_space<hbm>> -> memref<512xf32, #tpu.memory_space<hbm>>
      tpu.wait_dma2 semaphore(%run_scoped3A : memref<!tpu.dma_semaphore, #tpu.memory_space<semaphore_mem>>) src(%dma_wait3A_2474 : memref<512xf32, #tpu.memory_space<hbm>>) dst(%arg16 : memref<512xf32, #tpu.memory_space<vmem>>)
      tpu.yield
    }) : () -> ()
    "tpu.region"() ({
      %run_scoped3A = tpu.sem_alloc : memref<!tpu.dma_semaphore, #tpu.memory_space<semaphore_mem>>
      %dma_start3A_2471 = tpu.memref_slice %arg5[%mul3A_2] : memref<16384xf32, #tpu.memory_space<hbm>> -> memref<512xf32, #tpu.memory_space<hbm>>
      %dma_start3A_2472 = tpu.memref_slice %arg5[%mul3A_2] : memref<16384xf32, #tpu.memory_space<hbm>> -> memref<512xf32, #tpu.memory_space<hbm>>
      tpu.enqueue_dma source(%dma_start3A_2472 : memref<512xf32, #tpu.memory_space<hbm>>) target(%arg17 : memref<512xf32, #tpu.memory_space<vmem>>) target_semaphore(%run_scoped3A : memref<!tpu.dma_semaphore, #tpu.memory_space<semaphore_mem>>)
      %dma_wait3A_2473 = tpu.memref_slice %arg5[%mul3A_2] : memref<16384xf32, #tpu.memory_space<hbm>> -> memref<512xf32, #tpu.memory_space<hbm>>
      %dma_wait3A_2474 = tpu.memref_slice %arg5[%mul3A_2] : memref<16384xf32, #tpu.memory_space<hbm>> -> memref<512xf32, #tpu.memory_space<hbm>>
      tpu.wait_dma2 semaphore(%run_scoped3A : memref<!tpu.dma_semaphore, #tpu.memory_space<semaphore_mem>>) src(%dma_wait3A_2474 : memref<512xf32, #tpu.memory_space<hbm>>) dst(%arg17 : memref<512xf32, #tpu.memory_space<vmem>>)
      tpu.yield
    }) : () -> ()
    %dma_wait3A = arith.constant 0 : i32
    %dma_wait3A_10 = tpu.memref_slice %arg6[%dma_wait3A] : memref<1000000xf32, #tpu.memory_space<hbm>> -> memref<1000000xf32, #tpu.memory_space<hbm>>
    tpu.wait_indirect_dma semaphore(%arg26 : memref<!tpu.dma_semaphore, #tpu.memory_space<semaphore_mem>>) src(%dma_wait3A_10 : memref<1000000xf32, #tpu.memory_space<hbm>>) dst(%arg18 : memref<512xf32, #tpu.memory_space<vmem>>)
    %dma_wait3A_11 = arith.constant 0 : i32
    %dma_wait3A_12 = tpu.memref_slice %arg7[%dma_wait3A_11] : memref<1000000xf32, #tpu.memory_space<hbm>> -> memref<1000000xf32, #tpu.memory_space<hbm>>
    tpu.wait_indirect_dma semaphore(%arg27 : memref<!tpu.dma_semaphore, #tpu.memory_space<semaphore_mem>>) src(%dma_wait3A_12 : memref<1000000xf32, #tpu.memory_space<hbm>>) dst(%arg19 : memref<512xf32, #tpu.memory_space<vmem>>)
    %dma_wait3A_13 = arith.constant 0 : i32
    %dma_wait3A_14 = tpu.memref_slice %arg8[%dma_wait3A_13] : memref<1000000xf32, #tpu.memory_space<hbm>> -> memref<1000000xf32, #tpu.memory_space<hbm>>
    tpu.wait_indirect_dma semaphore(%arg28 : memref<!tpu.dma_semaphore, #tpu.memory_space<semaphore_mem>>) src(%dma_wait3A_14 : memref<1000000xf32, #tpu.memory_space<hbm>>) dst(%arg20 : memref<512xf32, #tpu.memory_space<vmem>>)
    %dma_wait3A_15 = arith.constant 0 : i32
    %dma_wait3A_16 = tpu.memref_slice %arg9[%dma_wait3A_15] : memref<1000000xf32, #tpu.memory_space<hbm>> -> memref<1000000xf32, #tpu.memory_space<hbm>>
    tpu.wait_indirect_dma semaphore(%arg29 : memref<!tpu.dma_semaphore, #tpu.memory_space<semaphore_mem>>) src(%dma_wait3A_16 : memref<1000000xf32, #tpu.memory_space<hbm>>) dst(%arg21 : memref<512xf32, #tpu.memory_space<vmem>>)
    %get3A = arith.constant 0 : index
    %get3A_17 = tpu.vector_load %arg16[%get3A] {strides = array<i32>} : memref<512xf32, #tpu.memory_space<vmem>>, vector<16xf32>,
    %get3A_18 = vector.shape_cast %get3A_17 : vector<16xf32> to vector<16xf32>
    %get3A_19 = arith.constant 0 : index
    %get3A_20 = tpu.vector_load %arg17[%get3A_19] {strides = array<i32>} : memref<512xf32, #tpu.memory_space<vmem>>, vector<16xf32>,
    %get3A_21 = vector.shape_cast %get3A_20 : vector<16xf32> to vector<16xf32>
    %get3A_22 = arith.constant 0 : index
    %get3A_23 = tpu.vector_load %arg18[%get3A_22] {strides = array<i32>} : memref<512xf32, #tpu.memory_space<vmem>>, vector<16xf32>,
    %get3A_24 = vector.shape_cast %get3A_23 : vector<16xf32> to vector<16xf32>
    %get3A_25 = arith.constant 0 : index
    %get3A_26 = tpu.vector_load %arg19[%get3A_25] {strides = array<i32>} : memref<512xf32, #tpu.memory_space<vmem>>, vector<16xf32>,
    %get3A_27 = vector.shape_cast %get3A_26 : vector<16xf32> to vector<16xf32>
    %get3A_28 = arith.constant 0 : index
    %get3A_29 = tpu.vector_load %arg20[%get3A_28] {strides = array<i32>} : memref<512xf32, #tpu.memory_space<vmem>>, vector<16xf32>,
    %get3A_30 = vector.shape_cast %get3A_29 : vector<16xf32> to vector<16xf32>
    %get3A_31 = arith.constant 0 : index
    %get3A_32 = tpu.vector_load %arg21[%get3A_31] {strides = array<i32>} : memref<512xf32, #tpu.memory_space<vmem>>, vector<16xf32>,
    %get3A_33 = vector.shape_cast %get3A_32 : vector<16xf32> to vector<16xf32>
    %mul3A_34 = arith.mulf %get3A_30, %get3A_33 : vector<16xf32>
    %mul3A_35 = arith.mulf %get3A_21, %mul3A_34 : vector<16xf32>
    %max3A = arith.constant 9.99999997E-7 : f32
    %max3A_36 = vector.broadcast %max3A : f32 to vector<16xf32>
    %max3A_37 = arith.maximumf %mul3A_35, %max3A_36 : vector<16xf32>
    %min3A = arith.constant 1.500000e+01 : f32
    %min3A_38 = vector.broadcast %min3A : f32 to vector<16xf32>
    %min3A_39 = arith.minimumf %max3A_37, %min3A_38 : vector<16xf32>
    %mul3A_40 = arith.mulf %get3A_24, %get3A_27 : vector<16xf32>
    %lt3A = arith.cmpf olt, %get3A_18, %mul3A_40 : vector<16xf32>
    %mul3A_41 = arith.constant 5.000000e-01 : f32
    %mul3A_42 = vector.broadcast %mul3A_41 : f32 to vector<16xf32>
    %mul3A_43 = arith.mulf %mul3A_42, %get3A_18 : vector<16xf32>
    %sub3A = arith.subf %get3A_18, %mul3A_40 : vector<16xf32>
    %mul3A_44 = arith.constant 5.000000e-01 : f32
    %mul3A_45 = vector.broadcast %mul3A_44 : f32 to vector<16xf32>
    %mul3A_46 = arith.mulf %mul3A_45, %sub3A : vector<16xf32>
    %select_n3A = arith.select %lt3A, %mul3A_43, %mul3A_46 : vector<16xi1>, vector<16xf32>
    %max3A_47 = arith.constant 9.99999997E-7 : f32
    %max3A_48 = vector.broadcast %max3A_47 : f32 to vector<16xf32>
    %max3A_49 = arith.maximumf %mul3A_40, %max3A_48 : vector<16xf32>
    %sub3A_50 = arith.constant 1.000000e+00 : f32
    %sub3A_51 = vector.broadcast %sub3A_50 : f32 to vector<16xf32>
    %sub3A_52 = arith.subf %sub3A_51, %mul3A_40 : vector<16xf32>
    %max3A_53 = arith.constant 9.99999997E-7 : f32
    %max3A_54 = vector.broadcast %max3A_53 : f32 to vector<16xf32>
    %max3A_55 = arith.maximumf %sub3A_52, %max3A_54 : vector<16xf32>
    %select_n3A_56 = arith.select %lt3A, %max3A_49, %max3A_55 : vector<16xi1>, vector<16xf32>
    %jit3A = arith.constant 0.000000e+00 : f32
    %jit3A_57 = arith.constant 5.000000e-01 : f32
    %broadcast_in_dim3A = vector.broadcast %jit3A : f32 to vector<16xf32>
    %broadcast_in_dim3A_58 = vector.broadcast %jit3A_57 : f32 to vector<16xf32>
    %select_n3A_59 = arith.select %lt3A, %broadcast_in_dim3A, %broadcast_in_dim3A_58 : vector<16xi1>, vector<16xf32>
    %div3A = arith.divf %select_n3A, %select_n3A_56 : vector<16xf32>
    %add3A_60 = arith.addf %select_n3A_59, %div3A : vector<16xf32>
    %mul3A_61 = arith.mulf %add3A_60, %min3A_39 : vector<16xf32>
    %max3A_62 = arith.constant 0.00999999977 : f32
    %max3A_63 = vector.broadcast %max3A_62 : f32 to vector<16xf32>
    %max3A_64 = arith.maximumf %mul3A_61, %max3A_63 : vector<16xf32>
    %sub3A_65 = arith.subf %min3A_39, %max3A_64 : vector<16xf32>
    %max3A_66 = arith.constant 0.00999999977 : f32
    %max3A_67 = vector.broadcast %max3A_66 : f32 to vector<16xf32>
    %max3A_68 = arith.maximumf %sub3A_65, %max3A_67 : vector<16xf32>
    %swap3A = arith.constant 0 : index
    %swap3A_69 = tpu.vector_load %arg22[%swap3A] {strides = array<i32>} : memref<512xf32, #tpu.memory_space<vmem>>, vector<16xf32>,
    %swap3A_70 = vector.shape_cast %swap3A_69 : vector<16xf32> to vector<16xf32>
    %swap3A_71 = vector.shape_cast %add3A_60 : vector<16xf32> to vector<16xf32>
    tpu.vector_store %arg22[%swap3A], %swap3A_71 {strides = array<i32>} : memref<512xf32, #tpu.memory_space<vmem>>, vector<16xf32>,
    %swap3A_72 = arith.constant 0 : index
    %swap3A_73 = tpu.vector_load %arg23[%swap3A_72] {strides = array<i32>} : memref<512xf32, #tpu.memory_space<vmem>>, vector<16xf32>,
    %swap3A_74 = vector.shape_cast %swap3A_73 : vector<16xf32> to vector<16xf32>
    %swap3A_75 = vector.shape_cast %min3A_39 : vector<16xf32> to vector<16xf32>
    tpu.vector_store %arg23[%swap3A_72], %swap3A_75 {strides = array<i32>} : memref<512xf32, #tpu.memory_space<vmem>>, vector<16xf32>,
    %swap3A_76 = arith.constant 0 : index
    %swap3A_77 = tpu.vector_load %arg24[%swap3A_76] {strides = array<i32>} : memref<512xf32, #tpu.memory_space<vmem>>, vector<16xf32>,
    %swap3A_78 = vector.shape_cast %swap3A_77 : vector<16xf32> to vector<16xf32>
    %swap3A_79 = vector.shape_cast %max3A_64 : vector<16xf32> to vector<16xf32>
    tpu.vector_store %arg24[%swap3A_76], %swap3A_79 {strides = array<i32>} : memref<512xf32, #tpu.memory_space<vmem>>, vector<16xf32>,
    %swap3A_80 = arith.constant 0 : index
    %swap3A_81 = tpu.vector_load %arg25[%swap3A_80] {strides = array<i32>} : memref<512xf32, #tpu.memory_space<vmem>>, vector<16xf32>,
    %swap3A_82 = vector.shape_cast %swap3A_81 : vector<16xf32> to vector<16xf32>
    %swap3A_83 = vector.shape_cast %max3A_68 : vector<16xf32> to vector<16xf32>
    tpu.vector_store %arg25[%swap3A_80], %swap3A_83 {strides = array<i32>} : memref<512xf32, #tpu.memory_space<vmem>>, vector<16xf32>,
    %get3A_84 = arith.constant 16 : index
    %get3A_85 = tpu.vector_load %arg16[%get3A_84] {strides = array<i32>} : memref<512xf32, #tpu.memory_space<vmem>>, vector<16xf32>,
    %get3A_86 = vector.shape_cast %get3A_85 : vector<16xf32> to vector<16xf32>
    %get3A_87 = arith.constant 16 : index
    %get3A_88 = tpu.vector_load %arg17[%get3A_87] {strides = array<i32>} : memref<512xf32, #tpu.memory_space<vmem>>, vector<16xf32>,
    %get3A_89 = vector.shape_cast %get3A_88 : vector<16xf32> to vector<16xf32>
    %get3A_90 = arith.constant 16 : index
    %get3A_91 = tpu.vector_load %arg18[%get3A_90] {strides = array<i32>} : memref<512xf32, #tpu.memory_space<vmem>>, vector<16xf32>,
    %get3A_92 = vector.shape_cast %get3A_91 : vector<16xf32> to vector<16xf32>
    %get3A_93 = arith.constant 16 : index
    %get3A_94 = tpu.vector_load %arg19[%get3A_93] {strides = array<i32>} : memref<512xf32, #tpu.memory_space<vmem>>, vector<16xf32>,
    %get3A_95 = vector.shape_cast %get3A_94 : vector<16xf32> to vector<16xf32>
    %get3A_96 = arith.constant 16 : index
    %get3A_97 = tpu.vector_load %arg20[%get3A_96] {strides = array<i32>} : memref<512xf32, #tpu.memory_space<vmem>>, vector<16xf32>,
    %get3A_98 = vector.shape_cast %get3A_97 : vector<16xf32> to vector<16xf32>
    %get3A_99 = arith.constant 16 : index
    %get3A_100 = tpu.vector_load %arg21[%get3A_99] {strides = array<i32>} : memref<512xf32, #tpu.memory_space<vmem>>, vector<16xf32>,
    %get3A_101 = vector.shape_cast %get3A_100 : vector<16xf32> to vector<16xf32>
    %mul3A_102 = arith.mulf %get3A_98, %get3A_101 : vector<16xf32>
    %mul3A_103 = arith.mulf %get3A_89, %mul3A_102 : vector<16xf32>
    %max3A_104 = arith.constant 9.99999997E-7 : f32
    %max3A_105 = vector.broadcast %max3A_104 : f32 to vector<16xf32>
    %max3A_106 = arith.maximumf %mul3A_103, %max3A_105 : vector<16xf32>
    %min3A_107 = arith.constant 1.500000e+01 : f32
    %min3A_108 = vector.broadcast %min3A_107 : f32 to vector<16xf32>
    %min3A_109 = arith.minimumf %max3A_106, %min3A_108 : vector<16xf32>
    %mul3A_110 = arith.mulf %get3A_92, %get3A_95 : vector<16xf32>
    %lt3A_111 = arith.cmpf olt, %get3A_86, %mul3A_110 : vector<16xf32>
    %mul3A_112 = arith.constant 5.000000e-01 : f32
    %mul3A_113 = vector.broadcast %mul3A_112 : f32 to vector<16xf32>
    %mul3A_114 = arith.mulf %mul3A_113, %get3A_86 : vector<16xf32>
    %sub3A_115 = arith.subf %get3A_86, %mul3A_110 : vector<16xf32>
    %mul3A_116 = arith.constant 5.000000e-01 : f32
    %mul3A_117 = vector.broadcast %mul3A_116 : f32 to vector<16xf32>
    %mul3A_118 = arith.mulf %mul3A_117, %sub3A_115 : vector<16xf32>
    %select_n3A_119 = arith.select %lt3A_111, %mul3A_114, %mul3A_118 : vector<16xi1>, vector<16xf32>
    %max3A_120 = arith.constant 9.99999997E-7 : f32
    %max3A_121 = vector.broadcast %max3A_120 : f32 to vector<16xf32>
    %max3A_122 = arith.maximumf %mul3A_110, %max3A_121 : vector<16xf32>
    %sub3A_123 = arith.constant 1.000000e+00 : f32
    %sub3A_124 = vector.broadcast %sub3A_123 : f32 to vector<16xf32>
    %sub3A_125 = arith.subf %sub3A_124, %mul3A_110 : vector<16xf32>
    %max3A_126 = arith.constant 9.99999997E-7 : f32
    %max3A_127 = vector.broadcast %max3A_126 : f32 to vector<16xf32>
    %max3A_128 = arith.maximumf %sub3A_125, %max3A_127 : vector<16xf32>
    %select_n3A_129 = arith.select %lt3A_111, %max3A_122, %max3A_128 : vector<16xi1>, vector<16xf32>
    %jit3A_130 = arith.constant 0.000000e+00 : f32
    %jit3A_131 = arith.constant 5.000000e-01 : f32
    %broadcast_in_dim3A_132 = vector.broadcast %jit3A_130 : f32 to vector<16xf32>
    %broadcast_in_dim3A_133 = vector.broadcast %jit3A_131 : f32 to vector<16xf32>
    %select_n3A_134 = arith.select %lt3A_111, %broadcast_in_dim3A_132, %broadcast_in_dim3A_133 : vector<16xi1>, vector<16xf32>
    %div3A_135 = arith.divf %select_n3A_119, %select_n3A_129 : vector<16xf32>
    %add3A_136 = arith.addf %select_n3A_134, %div3A_135 : vector<16xf32>
    %mul3A_137 = arith.mulf %add3A_136, %min3A_109 : vector<16xf32>
    %max3A_138 = arith.constant 0.00999999977 : f32
    %max3A_139 = vector.broadcast %max3A_138 : f32 to vector<16xf32>
    %max3A_140 = arith.maximumf %mul3A_137, %max3A_139 : vector<16xf32>
    %sub3A_141 = arith.subf %min3A_109, %max3A_140 : vector<16xf32>
    %max3A_142 = arith.constant 0.00999999977 : f32
    %max3A_143 = vector.broadcast %max3A_142 : f32 to vector<16xf32>
    %max3A_144 = arith.maximumf %sub3A_141, %max3A_143 : vector<16xf32>
    %swap3A_145 = arith.constant 16 : index
    %swap3A_146 = tpu.vector_load %arg22[%swap3A_145] {strides = array<i32>} : memref<512xf32, #tpu.memory_space<vmem>>, vector<16xf32>,
    %swap3A_147 = vector.shape_cast %swap3A_146 : vector<16xf32> to vector<16xf32>
    %swap3A_148 = vector.shape_cast %add3A_136 : vector<16xf32> to vector<16xf32>
    tpu.vector_store %arg22[%swap3A_145], %swap3A_148 {strides = array<i32>} : memref<512xf32, #tpu.memory_space<vmem>>, vector<16xf32>,
    %swap3A_149 = arith.constant 16 : index
    %swap3A_150 = tpu.vector_load %arg23[%swap3A_149] {strides = array<i32>} : memref<512xf32, #tpu.memory_space<vmem>>, vector<16xf32>,
    %swap3A_151 = vector.shape_cast %swap3A_150 : vector<16xf32> to vector<16xf32>
    %swap3A_152 = vector.shape_cast %min3A_109 : vector<16xf32> to vector<16xf32>
    tpu.vector_store %arg23[%swap3A_149], %swap3A_152 {strides = array<i32>} : memref<512xf32, #tpu.memory_space<vmem>>, vector<16xf32>,
    %swap3A_153 = arith.constant 16 : index
    %swap3A_154 = tpu.vector_load %arg24[%swap3A_153] {strides = array<i32>} : memref<512xf32, #tpu.memory_space<vmem>>, vector<16xf32>,
    %swap3A_155 = vector.shape_cast %swap3A_154 : vector<16xf32> to vector<16xf32>
    %swap3A_156 = vector.shape_cast %max3A_140 : vector<16xf32> to vector<16xf32>
    tpu.vector_store %arg24[%swap3A_153], %swap3A_156 {strides = array<i32>} : memref<512xf32, #tpu.memory_space<vmem>>, vector<16xf32>,
    %swap3A_157 = arith.constant 16 : index
    %swap3A_158 = tpu.vector_load %arg25[%swap3A_157] {strides = array<i32>} : memref<512xf32, #tpu.memory_space<vmem>>, vector<16xf32>,
    %swap3A_159 = vector.shape_cast %swap3A_158 : vector<16xf32> to vector<16xf32>
    %swap3A_160 = vector.shape_cast %max3A_144 : vector<16xf32> to vector<16xf32>
    tpu.vector_store %arg25[%swap3A_157], %swap3A_160 {strides = array<i32>} : memref<512xf32, #tpu.memory_space<vmem>>, vector<16xf32>,
    %get3A_161 = arith.constant 32 : index
    %get3A_162 = tpu.vector_load %arg16[%get3A_161] {strides = array<i32>} : memref<512xf32, #tpu.memory_space<vmem>>, vector<16xf32>,
    %get3A_163 = vector.shape_cast %get3A_162 : vector<16xf32> to vector<16xf32>
    %get3A_164 = arith.constant 32 : index
    %get3A_165 = tpu.vector_load %arg17[%get3A_164] {strides = array<i32>} : memref<512xf32, #tpu.memory_space<vmem>>, vector<16xf32>,
    %get3A_166 = vector.shape_cast %get3A_165 : vector<16xf32> to vector<16xf32>
    %get3A_167 = arith.constant 32 : index
    %get3A_168 = tpu.vector_load %arg18[%get3A_167] {strides = array<i32>} : memref<512xf32, #tpu.memory_space<vmem>>, vector<16xf32>,
    %get3A_169 = vector.shape_cast %get3A_168 : vector<16xf32> to vector<16xf32>
    %get3A_170 = arith.constant 32 : index
    %get3A_171 = tpu.vector_load %arg19[%get3A_170] {strides = array<i32>} : memref<512xf32, #tpu.memory_space<vmem>>, vector<16xf32>,
    %get3A_172 = vector.shape_cast %get3A_171 : vector<16xf32> to vector<16xf32>
    %get3A_173 = arith.constant 32 : index
    %get3A_174 = tpu.vector_load %arg20[%get3A_173] {strides = array<i32>} : memref<512xf32, #tpu.memory_space<vmem>>, vector<16xf32>,
    %get3A_175 = vector.shape_cast %get3A_174 : vector<16xf32> to vector<16xf32>
    %get3A_176 = arith.constant 32 : index
    %get3A_177 = tpu.vector_load %arg21[%get3A_176] {strides = array<i32>} : memref<512xf32, #tpu.memory_space<vmem>>, vector<16xf32>,
    %get3A_178 = vector.shape_cast %get3A_177 : vector<16xf32> to vector<16xf32>
    %mul3A_179 = arith.mulf %get3A_175, %get3A_178 : vector<16xf32>
    %mul3A_180 = arith.mulf %get3A_166, %mul3A_179 : vector<16xf32>
    %max3A_181 = arith.constant 9.99999997E-7 : f32
    %max3A_182 = vector.broadcast %max3A_181 : f32 to vector<16xf32>
    %max3A_183 = arith.maximumf %mul3A_180, %max3A_182 : vector<16xf32>
    %min3A_184 = arith.constant 1.500000e+01 : f32
    %min3A_185 = vector.broadcast %min3A_184 : f32 to vector<16xf32>
    %min3A_186 = arith.minimumf %max3A_183, %min3A_185 : vector<16xf32>
    %mul3A_187 = arith.mulf %get3A_169, %get3A_172 : vector<16xf32>
    %lt3A_188 = arith.cmpf olt, %get3A_163, %mul3A_187 : vector<16xf32>
    %mul3A_189 = arith.constant 5.000000e-01 : f32
    %mul3A_190 = vector.broadcast %mul3A_189 : f32 to vector<16xf32>
    %mul3A_191 = arith.mulf %mul3A_190, %get3A_163 : vector<16xf32>
    %sub3A_192 = arith.subf %get3A_163, %mul3A_187 : vector<16xf32>
    %mul3A_193 = arith.constant 5.000000e-01 : f32
    %mul3A_194 = vector.broadcast %mul3A_193 : f32 to vector<16xf32>
    %mul3A_195 = arith.mulf %mul3A_194, %sub3A_192 : vector<16xf32>
    %select_n3A_196 = arith.select %lt3A_188, %mul3A_191, %mul3A_195 : vector<16xi1>, vector<16xf32>
    %max3A_197 = arith.constant 9.99999997E-7 : f32
    %max3A_198 = vector.broadcast %max3A_197 : f32 to vector<16xf32>
    %max3A_199 = arith.maximumf %mul3A_187, %max3A_198 : vector<16xf32>
    %sub3A_200 = arith.constant 1.000000e+00 : f32
    %sub3A_201 = vector.broadcast %sub3A_200 : f32 to vector<16xf32>
    %sub3A_202 = arith.subf %sub3A_201, %mul3A_187 : vector<16xf32>
    %max3A_203 = arith.constant 9.99999997E-7 : f32
    %max3A_204 = vector.broadcast %max3A_203 : f32 to vector<16xf32>
    %max3A_205 = arith.maximumf %sub3A_202, %max3A_204 : vector<16xf32>
    %select_n3A_206 = arith.select %lt3A_188, %max3A_199, %max3A_205 : vector<16xi1>, vector<16xf32>
    %jit3A_207 = arith.constant 0.000000e+00 : f32
    %jit3A_208 = arith.constant 5.000000e-01 : f32
    %broadcast_in_dim3A_209 = vector.broadcast %jit3A_207 : f32 to vector<16xf32>
    %broadcast_in_dim3A_210 = vector.broadcast %jit3A_208 : f32 to vector<16xf32>
    %select_n3A_211 = arith.select %lt3A_188, %broadcast_in_dim3A_209, %broadcast_in_dim3A_210 : vector<16xi1>, vector<16xf32>
    %div3A_212 = arith.divf %select_n3A_196, %select_n3A_206 : vector<16xf32>
    %add3A_213 = arith.addf %select_n3A_211, %div3A_212 : vector<16xf32>
    %mul3A_214 = arith.mulf %add3A_213, %min3A_186 : vector<16xf32>
    %max3A_215 = arith.constant 0.00999999977 : f32
    %max3A_216 = vector.broadcast %max3A_215 : f32 to vector<16xf32>
    %max3A_217 = arith.maximumf %mul3A_214, %max3A_216 : vector<16xf32>
    %sub3A_218 = arith.subf %min3A_186, %max3A_217 : vector<16xf32>
    %max3A_219 = arith.constant 0.00999999977 : f32
    %max3A_220 = vector.broadcast %max3A_219 : f32 to vector<16xf32>
    %max3A_221 = arith.maximumf %sub3A_218, %max3A_220 : vector<16xf32>
    %swap3A_222 = arith.constant 32 : index
    %swap3A_223 = tpu.vector_load %arg22[%swap3A_222] {strides = array<i32>} : memref<512xf32, #tpu.memory_space<vmem>>, vector<16xf32>,
    %swap3A_224 = vector.shape_cast %swap3A_223 : vector<16xf32> to vector<16xf32>
    %swap3A_225 = vector.shape_cast %add3A_213 : vector<16xf32> to vector<16xf32>
    tpu.vector_store %arg22[%swap3A_222], %swap3A_225 {strides = array<i32>} : memref<512xf32, #tpu.memory_space<vmem>>, vector<16xf32>,
    %swap3A_226 = arith.constant 32 : index
    %swap3A_227 = tpu.vector_load %arg23[%swap3A_226] {strides = array<i32>} : memref<512xf32, #tpu.memory_space<vmem>>, vector<16xf32>,
    %swap3A_228 = vector.shape_cast %swap3A_227 : vector<16xf32> to vector<16xf32>
    %swap3A_229 = vector.shape_cast %min3A_186 : vector<16xf32> to vector<16xf32>
    tpu.vector_store %arg23[%swap3A_226], %swap3A_229 {strides = array<i32>} : memref<512xf32, #tpu.memory_space<vmem>>, vector<16xf32>,
    %swap3A_230 = arith.constant 32 : index
    %swap3A_231 = tpu.vector_load %arg24[%swap3A_230] {strides = array<i32>} : memref<512xf32, #tpu.memory_space<vmem>>, vector<16xf32>,
    %swap3A_232 = vector.shape_cast %swap3A_231 : vector<16xf32> to vector<16xf32>
    %swap3A_233 = vector.shape_cast %max3A_217 : vector<16xf32> to vector<16xf32>
    tpu.vector_store %arg24[%swap3A_230], %swap3A_233 {strides = array<i32>} : memref<512xf32, #tpu.memory_space<vmem>>, vector<16xf32>,
    %swap3A_234 = arith.constant 32 : index
    %swap3A_235 = tpu.vector_load %arg25[%swap3A_234] {strides = array<i32>} : memref<512xf32, #tpu.memory_space<vmem>>, vector<16xf32>,
    %swap3A_236 = vector.shape_cast %swap3A_235 : vector<16xf32> to vector<16xf32>
    %swap3A_237 = vector.shape_cast %max3A_221 : vector<16xf32> to vector<16xf32>
    tpu.vector_store %arg25[%swap3A_234], %swap3A_237 {strides = array<i32>} : memref<512xf32, #tpu.memory_space<vmem>>, vector<16xf32>,
    %get3A_238 = arith.constant 48 : index
    %get3A_239 = tpu.vector_load %arg16[%get3A_238] {strides = array<i32>} : memref<512xf32, #tpu.memory_space<vmem>>, vector<16xf32>,
    %get3A_240 = vector.shape_cast %get3A_239 : vector<16xf32> to vector<16xf32>
    %get3A_241 = arith.constant 48 : index
    %get3A_242 = tpu.vector_load %arg17[%get3A_241] {strides = array<i32>} : memref<512xf32, #tpu.memory_space<vmem>>, vector<16xf32>,
    %get3A_243 = vector.shape_cast %get3A_242 : vector<16xf32> to vector<16xf32>
    %get3A_244 = arith.constant 48 : index
    %get3A_245 = tpu.vector_load %arg18[%get3A_244] {strides = array<i32>} : memref<512xf32, #tpu.memory_space<vmem>>, vector<16xf32>,
    %get3A_246 = vector.shape_cast %get3A_245 : vector<16xf32> to vector<16xf32>
    %get3A_247 = arith.constant 48 : index
    %get3A_248 = tpu.vector_load %arg19[%get3A_247] {strides = array<i32>} : memref<512xf32, #tpu.memory_space<vmem>>, vector<16xf32>,
    %get3A_249 = vector.shape_cast %get3A_248 : vector<16xf32> to vector<16xf32>
    %get3A_250 = arith.constant 48 : index
    %get3A_251 = tpu.vector_load %arg20[%get3A_250] {strides = array<i32>} : memref<512xf32, #tpu.memory_space<vmem>>, vector<16xf32>,
    %get3A_252 = vector.shape_cast %get3A_251 : vector<16xf32> to vector<16xf32>
    %get3A_253 = arith.constant 48 : index
    %get3A_254 = tpu.vector_load %arg21[%get3A_253] {strides = array<i32>} : memref<512xf32, #tpu.memory_space<vmem>>, vector<16xf32>,
    %get3A_255 = vector.shape_cast %get3A_254 : vector<16xf32> to vector<16xf32>
    %mul3A_256 = arith.mulf %get3A_252, %get3A_255 : vector<16xf32>
    %mul3A_257 = arith.mulf %get3A_243, %mul3A_256 : vector<16xf32>
    %max3A_258 = arith.constant 9.99999997E-7 : f32
    %max3A_259 = vector.broadcast %max3A_258 : f32 to vector<16xf32>
    %max3A_260 = arith.maximumf %mul3A_257, %max3A_259 : vector<16xf32>
    %min3A_261 = arith.constant 1.500000e+01 : f32
    %min3A_262 = vector.broadcast %min3A_261 : f32 to vector<16xf32>
    %min3A_263 = arith.minimumf %max3A_260, %min3A_262 : vector<16xf32>
    %mul3A_264 = arith.mulf %get3A_246, %get3A_249 : vector<16xf32>
    %lt3A_265 = arith.cmpf olt, %get3A_240, %mul3A_264 : vector<16xf32>
    %mul3A_266 = arith.constant 5.000000e-01 : f32
    %mul3A_267 = vector.broadcast %mul3A_266 : f32 to vector<16xf32>
    %mul3A_268 = arith.mulf %mul3A_267, %get3A_240 : vector<16xf32>
    %sub3A_269 = arith.subf %get3A_240, %mul3A_264 : vector<16xf32>
    %mul3A_270 = arith.constant 5.000000e-01 : f32
    %mul3A_271 = vector.broadcast %mul3A_270 : f32 to vector<16xf32>
    %mul3A_272 = arith.mulf %mul3A_271, %sub3A_269 : vector<16xf32>
    %select_n3A_273 = arith.select %lt3A_265, %mul3A_268, %mul3A_272 : vector<16xi1>, vector<16xf32>
    %max3A_274 = arith.constant 9.99999997E-7 : f32
    %max3A_275 = vector.broadcast %max3A_274 : f32 to vector<16xf32>
    %max3A_276 = arith.maximumf %mul3A_264, %max3A_275 : vector<16xf32>
    %sub3A_277 = arith.constant 1.000000e+00 : f32
    %sub3A_278 = vector.broadcast %sub3A_277 : f32 to vector<16xf32>
    %sub3A_279 = arith.subf %sub3A_278, %mul3A_264 : vector<16xf32>
    %max3A_280 = arith.constant 9.99999997E-7 : f32
    %max3A_281 = vector.broadcast %max3A_280 : f32 to vector<16xf32>
    %max3A_282 = arith.maximumf %sub3A_279, %max3A_281 : vector<16xf32>
    %select_n3A_283 = arith.select %lt3A_265, %max3A_276, %max3A_282 : vector<16xi1>, vector<16xf32>
    %jit3A_284 = arith.constant 0.000000e+00 : f32
    %jit3A_285 = arith.constant 5.000000e-01 : f32
    %broadcast_in_dim3A_286 = vector.broadcast %jit3A_284 : f32 to vector<16xf32>
    %broadcast_in_dim3A_287 = vector.broadcast %jit3A_285 : f32 to vector<16xf32>
    %select_n3A_288 = arith.select %lt3A_265, %broadcast_in_dim3A_286, %broadcast_in_dim3A_287 : vector<16xi1>, vector<16xf32>
    %div3A_289 = arith.divf %select_n3A_273, %select_n3A_283 : vector<16xf32>
    %add3A_290 = arith.addf %select_n3A_288, %div3A_289 : vector<16xf32>
    %mul3A_291 = arith.mulf %add3A_290, %min3A_263 : vector<16xf32>
    %max3A_292 = arith.constant 0.00999999977 : f32
    %max3A_293 = vector.broadcast %max3A_292 : f32 to vector<16xf32>
    %max3A_294 = arith.maximumf %mul3A_291, %max3A_293 : vector<16xf32>
    %sub3A_295 = arith.subf %min3A_263, %max3A_294 : vector<16xf32>
    %max3A_296 = arith.constant 0.00999999977 : f32
    %max3A_297 = vector.broadcast %max3A_296 : f32 to vector<16xf32>
    %max3A_298 = arith.maximumf %sub3A_295, %max3A_297 : vector<16xf32>
    %swap3A_299 = arith.constant 48 : index
    %swap3A_300 = tpu.vector_load %arg22[%swap3A_299] {strides = array<i32>} : memref<512xf32, #tpu.memory_space<vmem>>, vector<16xf32>,
    %swap3A_301 = vector.shape_cast %swap3A_300 : vector<16xf32> to vector<16xf32>
    %swap3A_302 = vector.shape_cast %add3A_290 : vector<16xf32> to vector<16xf32>
    tpu.vector_store %arg22[%swap3A_299], %swap3A_302 {strides = array<i32>} : memref<512xf32, #tpu.memory_space<vmem>>, vector<16xf32>,
    %swap3A_303 = arith.constant 48 : index
    %swap3A_304 = tpu.vector_load %arg23[%swap3A_303] {strides = array<i32>} : memref<512xf32, #tpu.memory_space<vmem>>, vector<16xf32>,
    %swap3A_305 = vector.shape_cast %swap3A_304 : vector<16xf32> to vector<16xf32>
    %swap3A_306 = vector.shape_cast %min3A_263 : vector<16xf32> to vector<16xf32>
    tpu.vector_store %arg23[%swap3A_303], %swap3A_306 {strides = array<i32>} : memref<512xf32, #tpu.memory_space<vmem>>, vector<16xf32>,
    %swap3A_307 = arith.constant 48 : index
    %swap3A_308 = tpu.vector_load %arg24[%swap3A_307] {strides = array<i32>} : memref<512xf32, #tpu.memory_space<vmem>>, vector<16xf32>,
    %swap3A_309 = vector.shape_cast %swap3A_308 : vector<16xf32> to vector<16xf32>
    %swap3A_310 = vector.shape_cast %max3A_294 : vector<16xf32> to vector<16xf32>
    tpu.vector_store %arg24[%swap3A_307], %swap3A_310 {strides = array<i32>} : memref<512xf32, #tpu.memory_space<vmem>>, vector<16xf32>,
    %swap3A_311 = arith.constant 48 : index
    %swap3A_312 = tpu.vector_load %arg25[%swap3A_311] {strides = array<i32>} : memref<512xf32, #tpu.memory_space<vmem>>, vector<16xf32>,
    %swap3A_313 = vector.shape_cast %swap3A_312 : vector<16xf32> to vector<16xf32>
    %swap3A_314 = vector.shape_cast %max3A_298 : vector<16xf32> to vector<16xf32>
    tpu.vector_store %arg25[%swap3A_311], %swap3A_314 {strides = array<i32>} : memref<512xf32, #tpu.memory_space<vmem>>, vector<16xf32>,
    %get3A_315 = arith.constant 64 : index
    %get3A_316 = tpu.vector_load %arg16[%get3A_315] {strides = array<i32>} : memref<512xf32, #tpu.memory_space<vmem>>, vector<16xf32>,
    %get3A_317 = vector.shape_cast %get3A_316 : vector<16xf32> to vector<16xf32>
    %get3A_318 = arith.constant 64 : index
    %get3A_319 = tpu.vector_load %arg17[%get3A_318] {strides = array<i32>} : memref<512xf32, #tpu.memory_space<vmem>>, vector<16xf32>,
    %get3A_320 = vector.shape_cast %get3A_319 : vector<16xf32> to vector<16xf32>
    %get3A_321 = arith.constant 64 : index
    %get3A_322 = tpu.vector_load %arg18[%get3A_321] {strides = array<i32>} : memref<512xf32, #tpu.memory_space<vmem>>, vector<16xf32>,
    %get3A_323 = vector.shape_cast %get3A_322 : vector<16xf32> to vector<16xf32>
    %get3A_324 = arith.constant 64 : index
    %get3A_325 = tpu.vector_load %arg19[%get3A_324] {strides = array<i32>} : memref<512xf32, #tpu.memory_space<vmem>>, vector<16xf32>,
    %get3A_326 = vector.shape_cast %get3A_325 : vector<16xf32> to vector<16xf32>
    %get3A_327 = arith.constant 64 : index
    %get3A_328 = tpu.vector_load %arg20[%get3A_327] {strides = array<i32>} : memref<512xf32, #tpu.memory_space<vmem>>, vector<16xf32>,
    %get3A_329 = vector.shape_cast %get3A_328 : vector<16xf32> to vector<16xf32>
    %get3A_330 = arith.constant 64 : index
    %get3A_331 = tpu.vector_load %arg21[%get3A_330] {strides = array<i32>} : memref<512xf32, #tpu.memory_space<vmem>>, vector<16xf32>,
    %get3A_332 = vector.shape_cast %get3A_331 : vector<16xf32> to vector<16xf32>
    %mul3A_333 = arith.mulf %get3A_329, %get3A_332 : vector<16xf32>
    %mul3A_334 = arith.mulf %get3A_320, %mul3A_333 : vector<16xf32>
    %max3A_335 = arith.constant 9.99999997E-7 : f32
    %max3A_336 = vector.broadcast %max3A_335 : f32 to vector<16xf32>
    %max3A_337 = arith.maximumf %mul3A_334, %max3A_336 : vector<16xf32>
    %min3A_338 = arith.constant 1.500000e+01 : f32
    %min3A_339 = vector.broadcast %min3A_338 : f32 to vector<16xf32>
    %min3A_340 = arith.minimumf %max3A_337, %min3A_339 : vector<16xf32>
    %mul3A_341 = arith.mulf %get3A_323, %get3A_326 : vector<16xf32>
    %lt3A_342 = arith.cmpf olt, %get3A_317, %mul3A_341 : vector<16xf32>
    %mul3A_343 = arith.constant 5.000000e-01 : f32
    %mul3A_344 = vector.broadcast %mul3A_343 : f32 to vector<16xf32>
    %mul3A_345 = arith.mulf %mul3A_344, %get3A_317 : vector<16xf32>
    %sub3A_346 = arith.subf %get3A_317, %mul3A_341 : vector<16xf32>
    %mul3A_347 = arith.constant 5.000000e-01 : f32
    %mul3A_348 = vector.broadcast %mul3A_347 : f32 to vector<16xf32>
    %mul3A_349 = arith.mulf %mul3A_348, %sub3A_346 : vector<16xf32>
    %select_n3A_350 = arith.select %lt3A_342, %mul3A_345, %mul3A_349 : vector<16xi1>, vector<16xf32>
    %max3A_351 = arith.constant 9.99999997E-7 : f32
    %max3A_352 = vector.broadcast %max3A_351 : f32 to vector<16xf32>
    %max3A_353 = arith.maximumf %mul3A_341, %max3A_352 : vector<16xf32>
    %sub3A_354 = arith.constant 1.000000e+00 : f32
    %sub3A_355 = vector.broadcast %sub3A_354 : f32 to vector<16xf32>
    %sub3A_356 = arith.subf %sub3A_355, %mul3A_341 : vector<16xf32>
    %max3A_357 = arith.constant 9.99999997E-7 : f32
    %max3A_358 = vector.broadcast %max3A_357 : f32 to vector<16xf32>
    %max3A_359 = arith.maximumf %sub3A_356, %max3A_358 : vector<16xf32>
    %select_n3A_360 = arith.select %lt3A_342, %max3A_353, %max3A_359 : vector<16xi1>, vector<16xf32>
    %jit3A_361 = arith.constant 0.000000e+00 : f32
    %jit3A_362 = arith.constant 5.000000e-01 : f32
    %broadcast_in_dim3A_363 = vector.broadcast %jit3A_361 : f32 to vector<16xf32>
    %broadcast_in_dim3A_364 = vector.broadcast %jit3A_362 : f32 to vector<16xf32>
    %select_n3A_365 = arith.select %lt3A_342, %broadcast_in_dim3A_363, %broadcast_in_dim3A_364 : vector<16xi1>, vector<16xf32>
    %div3A_366 = arith.divf %select_n3A_350, %select_n3A_360 : vector<16xf32>
    %add3A_367 = arith.addf %select_n3A_365, %div3A_366 : vector<16xf32>
    %mul3A_368 = arith.mulf %add3A_367, %min3A_340 : vector<16xf32>
    %max3A_369 = arith.constant 0.00999999977 : f32
    %max3A_370 = vector.broadcast %max3A_369 : f32 to vector<16xf32>
    %max3A_371 = arith.maximumf %mul3A_368, %max3A_370 : vector<16xf32>
    %sub3A_372 = arith.subf %min3A_340, %max3A_371 : vector<16xf32>
    %max3A_373 = arith.constant 0.00999999977 : f32
    %max3A_374 = vector.broadcast %max3A_373 : f32 to vector<16xf32>
    %max3A_375 = arith.maximumf %sub3A_372, %max3A_374 : vector<16xf32>
    %swap3A_376 = arith.constant 64 : index
    %swap3A_377 = tpu.vector_load %arg22[%swap3A_376] {strides = array<i32>} : memref<512xf32, #tpu.memory_space<vmem>>, vector<16xf32>,
    %swap3A_378 = vector.shape_cast %swap3A_377 : vector<16xf32> to vector<16xf32>
    %swap3A_379 = vector.shape_cast %add3A_367 : vector<16xf32> to vector<16xf32>
    tpu.vector_store %arg22[%swap3A_376], %swap3A_379 {strides = array<i32>} : memref<512xf32, #tpu.memory_space<vmem>>, vector<16xf32>,
    %swap3A_380 = arith.constant 64 : index
    %swap3A_381 = tpu.vector_load %arg23[%swap3A_380] {strides = array<i32>} : memref<512xf32, #tpu.memory_space<vmem>>, vector<16xf32>,
    %swap3A_382 = vector.shape_cast %swap3A_381 : vector<16xf32> to vector<16xf32>
    %swap3A_383 = vector.shape_cast %min3A_340 : vector<16xf32> to vector<16xf32>
    tpu.vector_store %arg23[%swap3A_380], %swap3A_383 {strides = array<i32>} : memref<512xf32, #tpu.memory_space<vmem>>, vector<16xf32>,
    %swap3A_384 = arith.constant 64 : index
    %swap3A_385 = tpu.vector_load %arg24[%swap3A_384] {strides = array<i32>} : memref<512xf32, #tpu.memory_space<vmem>>, vector<16xf32>,
    %swap3A_386 = vector.shape_cast %swap3A_385 : vector<16xf32> to vector<16xf32>
    %swap3A_387 = vector.shape_cast %max3A_371 : vector<16xf32> to vector<16xf32>
    tpu.vector_store %arg24[%swap3A_384], %swap3A_387 {strides = array<i32>} : memref<512xf32, #tpu.memory_space<vmem>>, vector<16xf32>,
    %swap3A_388 = arith.constant 64 : index
    %swap3A_389 = tpu.vector_load %arg25[%swap3A_388] {strides = array<i32>} : memref<512xf32, #tpu.memory_space<vmem>>, vector<16xf32>,
    %swap3A_390 = vector.shape_cast %swap3A_389 : vector<16xf32> to vector<16xf32>
    %swap3A_391 = vector.shape_cast %max3A_375 : vector<16xf32> to vector<16xf32>
    tpu.vector_store %arg25[%swap3A_388], %swap3A_391 {strides = array<i32>} : memref<512xf32, #tpu.memory_space<vmem>>, vector<16xf32>,
    %get3A_392 = arith.constant 80 : index
    %get3A_393 = tpu.vector_load %arg16[%get3A_392] {strides = array<i32>} : memref<512xf32, #tpu.memory_space<vmem>>, vector<16xf32>,
    %get3A_394 = vector.shape_cast %get3A_393 : vector<16xf32> to vector<16xf32>
    %get3A_395 = arith.constant 80 : index
    %get3A_396 = tpu.vector_load %arg17[%get3A_395] {strides = array<i32>} : memref<512xf32, #tpu.memory_space<vmem>>, vector<16xf32>,
    %get3A_397 = vector.shape_cast %get3A_396 : vector<16xf32> to vector<16xf32>
    %get3A_398 = arith.constant 80 : index
    %get3A_399 = tpu.vector_load %arg18[%get3A_398] {strides = array<i32>} : memref<512xf32, #tpu.memory_space<vmem>>, vector<16xf32>,
    %get3A_400 = vector.shape_cast %get3A_399 : vector<16xf32> to vector<16xf32>
    %get3A_401 = arith.constant 80 : index
    %get3A_402 = tpu.vector_load %arg19[%get3A_401] {strides = array<i32>} : memref<512xf32, #tpu.memory_space<vmem>>, vector<16xf32>,
    %get3A_403 = vector.shape_cast %get3A_402 : vector<16xf32> to vector<16xf32>
    %get3A_404 = arith.constant 80 : index
    %get3A_405 = tpu.vector_load %arg20[%get3A_404] {strides = array<i32>} : memref<512xf32, #tpu.memory_space<vmem>>, vector<16xf32>,
    %get3A_406 = vector.shape_cast %get3A_405 : vector<16xf32> to vector<16xf32>
    %get3A_407 = arith.constant 80 : index
    %get3A_408 = tpu.vector_load %arg21[%get3A_407] {strides = array<i32>} : memref<512xf32, #tpu.memory_space<vmem>>, vector<16xf32>,
    %get3A_409 = vector.shape_cast %get3A_408 : vector<16xf32> to vector<16xf32>
    %mul3A_410 = arith.mulf %get3A_406, %get3A_409 : vector<16xf32>
    %mul3A_411 = arith.mulf %get3A_397, %mul3A_410 : vector<16xf32>
    %max3A_412 = arith.constant 9.99999997E-7 : f32
    %max3A_413 = vector.broadcast %max3A_412 : f32 to vector<16xf32>
    %max3A_414 = arith.maximumf %mul3A_411, %max3A_413 : vector<16xf32>
    %min3A_415 = arith.constant 1.500000e+01 : f32
    %min3A_416 = vector.broadcast %min3A_415 : f32 to vector<16xf32>
    %min3A_417 = arith.minimumf %max3A_414, %min3A_416 : vector<16xf32>
    %mul3A_418 = arith.mulf %get3A_400, %get3A_403 : vector<16xf32>
    %lt3A_419 = arith.cmpf olt, %get3A_394, %mul3A_418 : vector<16xf32>
    %mul3A_420 = arith.constant 5.000000e-01 : f32
    %mul3A_421 = vector.broadcast %mul3A_420 : f32 to vector<16xf32>
    %mul3A_422 = arith.mulf %mul3A_421, %get3A_394 : vector<16xf32>
    %sub3A_423 = arith.subf %get3A_394, %mul3A_418 : vector<16xf32>
    %mul3A_424 = arith.constant 5.000000e-01 : f32
    %mul3A_425 = vector.broadcast %mul3A_424 : f32 to vector<16xf32>
    %mul3A_426 = arith.mulf %mul3A_425, %sub3A_423 : vector<16xf32>
    %select_n3A_427 = arith.select %lt3A_419, %mul3A_422, %mul3A_426 : vector<16xi1>, vector<16xf32>
    %max3A_428 = arith.constant 9.99999997E-7 : f32
    %max3A_429 = vector.broadcast %max3A_428 : f32 to vector<16xf32>
    %max3A_430 = arith.maximumf %mul3A_418, %max3A_429 : vector<16xf32>
    %sub3A_431 = arith.constant 1.000000e+00 : f32
    %sub3A_432 = vector.broadcast %sub3A_431 : f32 to vector<16xf32>
    %sub3A_433 = arith.subf %sub3A_432, %mul3A_418 : vector<16xf32>
    %max3A_434 = arith.constant 9.99999997E-7 : f32
    %max3A_435 = vector.broadcast %max3A_434 : f32 to vector<16xf32>
    %max3A_436 = arith.maximumf %sub3A_433, %max3A_435 : vector<16xf32>
    %select_n3A_437 = arith.select %lt3A_419, %max3A_430, %max3A_436 : vector<16xi1>, vector<16xf32>
    %jit3A_438 = arith.constant 0.000000e+00 : f32
    %jit3A_439 = arith.constant 5.000000e-01 : f32
    %broadcast_in_dim3A_440 = vector.broadcast %jit3A_438 : f32 to vector<16xf32>
    %broadcast_in_dim3A_441 = vector.broadcast %jit3A_439 : f32 to vector<16xf32>
    %select_n3A_442 = arith.select %lt3A_419, %broadcast_in_dim3A_440, %broadcast_in_dim3A_441 : vector<16xi1>, vector<16xf32>
    %div3A_443 = arith.divf %select_n3A_427, %select_n3A_437 : vector<16xf32>
    %add3A_444 = arith.addf %select_n3A_442, %div3A_443 : vector<16xf32>
    %mul3A_445 = arith.mulf %add3A_444, %min3A_417 : vector<16xf32>
    %max3A_446 = arith.constant 0.00999999977 : f32
    %max3A_447 = vector.broadcast %max3A_446 : f32 to vector<16xf32>
    %max3A_448 = arith.maximumf %mul3A_445, %max3A_447 : vector<16xf32>
    %sub3A_449 = arith.subf %min3A_417, %max3A_448 : vector<16xf32>
    %max3A_450 = arith.constant 0.00999999977 : f32
    %max3A_451 = vector.broadcast %max3A_450 : f32 to vector<16xf32>
    %max3A_452 = arith.maximumf %sub3A_449, %max3A_451 : vector<16xf32>
    %swap3A_453 = arith.constant 80 : index
    %swap3A_454 = tpu.vector_load %arg22[%swap3A_453] {strides = array<i32>} : memref<512xf32, #tpu.memory_space<vmem>>, vector<16xf32>,
    %swap3A_455 = vector.shape_cast %swap3A_454 : vector<16xf32> to vector<16xf32>
    %swap3A_456 = vector.shape_cast %add3A_444 : vector<16xf32> to vector<16xf32>
    tpu.vector_store %arg22[%swap3A_453], %swap3A_456 {strides = array<i32>} : memref<512xf32, #tpu.memory_space<vmem>>, vector<16xf32>,
    %swap3A_457 = arith.constant 80 : index
    %swap3A_458 = tpu.vector_load %arg23[%swap3A_457] {strides = array<i32>} : memref<512xf32, #tpu.memory_space<vmem>>, vector<16xf32>,
    %swap3A_459 = vector.shape_cast %swap3A_458 : vector<16xf32> to vector<16xf32>
    %swap3A_460 = vector.shape_cast %min3A_417 : vector<16xf32> to vector<16xf32>
    tpu.vector_store %arg23[%swap3A_457], %swap3A_460 {strides = array<i32>} : memref<512xf32, #tpu.memory_space<vmem>>, vector<16xf32>,
    %swap3A_461 = arith.constant 80 : index
    %swap3A_462 = tpu.vector_load %arg24[%swap3A_461] {strides = array<i32>} : memref<512xf32, #tpu.memory_space<vmem>>, vector<16xf32>,
    %swap3A_463 = vector.shape_cast %swap3A_462 : vector<16xf32> to vector<16xf32>
    %swap3A_464 = vector.shape_cast %max3A_448 : vector<16xf32> to vector<16xf32>
    tpu.vector_store %arg24[%swap3A_461], %swap3A_464 {strides = array<i32>} : memref<512xf32, #tpu.memory_space<vmem>>, vector<16xf32>,
    %swap3A_465 = arith.constant 80 : index
    %swap3A_466 = tpu.vector_load %arg25[%swap3A_465] {strides = array<i32>} : memref<512xf32, #tpu.memory_space<vmem>>, vector<16xf32>,
    %swap3A_467 = vector.shape_cast %swap3A_466 : vector<16xf32> to vector<16xf32>
    %swap3A_468 = vector.shape_cast %max3A_452 : vector<16xf32> to vector<16xf32>
    tpu.vector_store %arg25[%swap3A_465], %swap3A_468 {strides = array<i32>} : memref<512xf32, #tpu.memory_space<vmem>>, vector<16xf32>,
    %get3A_469 = arith.constant 96 : index
    %get3A_470 = tpu.vector_load %arg16[%get3A_469] {strides = array<i32>} : memref<512xf32, #tpu.memory_space<vmem>>, vector<16xf32>,
    %get3A_471 = vector.shape_cast %get3A_470 : vector<16xf32> to vector<16xf32>
    %get3A_472 = arith.constant 96 : index
    %get3A_473 = tpu.vector_load %arg17[%get3A_472] {strides = array<i32>} : memref<512xf32, #tpu.memory_space<vmem>>, vector<16xf32>,
    %get3A_474 = vector.shape_cast %get3A_473 : vector<16xf32> to vector<16xf32>
    %get3A_475 = arith.constant 96 : index
    %get3A_476 = tpu.vector_load %arg18[%get3A_475] {strides = array<i32>} : memref<512xf32, #tpu.memory_space<vmem>>, vector<16xf32>,
    %get3A_477 = vector.shape_cast %get3A_476 : vector<16xf32> to vector<16xf32>
    %get3A_478 = arith.constant 96 : index
    %get3A_479 = tpu.vector_load %arg19[%get3A_478] {strides = array<i32>} : memref<512xf32, #tpu.memory_space<vmem>>, vector<16xf32>,
    %get3A_480 = vector.shape_cast %get3A_479 : vector<16xf32> to vector<16xf32>
    %get3A_481 = arith.constant 96 : index
    %get3A_482 = tpu.vector_load %arg20[%get3A_481] {strides = array<i32>} : memref<512xf32, #tpu.memory_space<vmem>>, vector<16xf32>,
    %get3A_483 = vector.shape_cast %get3A_482 : vector<16xf32> to vector<16xf32>
    %get3A_484 = arith.constant 96 : index
    %get3A_485 = tpu.vector_load %arg21[%get3A_484] {strides = array<i32>} : memref<512xf32, #tpu.memory_space<vmem>>, vector<16xf32>,
    %get3A_486 = vector.shape_cast %get3A_485 : vector<16xf32> to vector<16xf32>
    %mul3A_487 = arith.mulf %get3A_483, %get3A_486 : vector<16xf32>
    %mul3A_488 = arith.mulf %get3A_474, %mul3A_487 : vector<16xf32>
    %max3A_489 = arith.constant 9.99999997E-7 : f32
    %max3A_490 = vector.broadcast %max3A_489 : f32 to vector<16xf32>
    %max3A_491 = arith.maximumf %mul3A_488, %max3A_490 : vector<16xf32>
    %min3A_492 = arith.constant 1.500000e+01 : f32
    %min3A_493 = vector.broadcast %min3A_492 : f32 to vector<16xf32>
    %min3A_494 = arith.minimumf %max3A_491, %min3A_493 : vector<16xf32>
    %mul3A_495 = arith.mulf %get3A_477, %get3A_480 : vector<16xf32>
    %lt3A_496 = arith.cmpf olt, %get3A_471, %mul3A_495 : vector<16xf32>
    %mul3A_497 = arith.constant 5.000000e-01 : f32
    %mul3A_498 = vector.broadcast %mul3A_497 : f32 to vector<16xf32>
    %mul3A_499 = arith.mulf %mul3A_498, %get3A_471 : vector<16xf32>
    %sub3A_500 = arith.subf %get3A_471, %mul3A_495 : vector<16xf32>
    %mul3A_501 = arith.constant 5.000000e-01 : f32
    %mul3A_502 = vector.broadcast %mul3A_501 : f32 to vector<16xf32>
    %mul3A_503 = arith.mulf %mul3A_502, %sub3A_500 : vector<16xf32>
    %select_n3A_504 = arith.select %lt3A_496, %mul3A_499, %mul3A_503 : vector<16xi1>, vector<16xf32>
    %max3A_505 = arith.constant 9.99999997E-7 : f32
    %max3A_506 = vector.broadcast %max3A_505 : f32 to vector<16xf32>
    %max3A_507 = arith.maximumf %mul3A_495, %max3A_506 : vector<16xf32>
    %sub3A_508 = arith.constant 1.000000e+00 : f32
    %sub3A_509 = vector.broadcast %sub3A_508 : f32 to vector<16xf32>
    %sub3A_510 = arith.subf %sub3A_509, %mul3A_495 : vector<16xf32>
    %max3A_511 = arith.constant 9.99999997E-7 : f32
    %max3A_512 = vector.broadcast %max3A_511 : f32 to vector<16xf32>
    %max3A_513 = arith.maximumf %sub3A_510, %max3A_512 : vector<16xf32>
    %select_n3A_514 = arith.select %lt3A_496, %max3A_507, %max3A_513 : vector<16xi1>, vector<16xf32>
    %jit3A_515 = arith.constant 0.000000e+00 : f32
    %jit3A_516 = arith.constant 5.000000e-01 : f32
    %broadcast_in_dim3A_517 = vector.broadcast %jit3A_515 : f32 to vector<16xf32>
    %broadcast_in_dim3A_518 = vector.broadcast %jit3A_516 : f32 to vector<16xf32>
    %select_n3A_519 = arith.select %lt3A_496, %broadcast_in_dim3A_517, %broadcast_in_dim3A_518 : vector<16xi1>, vector<16xf32>
    %div3A_520 = arith.divf %select_n3A_504, %select_n3A_514 : vector<16xf32>
    %add3A_521 = arith.addf %select_n3A_519, %div3A_520 : vector<16xf32>
    %mul3A_522 = arith.mulf %add3A_521, %min3A_494 : vector<16xf32>
    %max3A_523 = arith.constant 0.00999999977 : f32
    %max3A_524 = vector.broadcast %max3A_523 : f32 to vector<16xf32>
    %max3A_525 = arith.maximumf %mul3A_522, %max3A_524 : vector<16xf32>
    %sub3A_526 = arith.subf %min3A_494, %max3A_525 : vector<16xf32>
    %max3A_527 = arith.constant 0.00999999977 : f32
    %max3A_528 = vector.broadcast %max3A_527 : f32 to vector<16xf32>
    %max3A_529 = arith.maximumf %sub3A_526, %max3A_528 : vector<16xf32>
    %swap3A_530 = arith.constant 96 : index
    %swap3A_531 = tpu.vector_load %arg22[%swap3A_530] {strides = array<i32>} : memref<512xf32, #tpu.memory_space<vmem>>, vector<16xf32>,
    %swap3A_532 = vector.shape_cast %swap3A_531 : vector<16xf32> to vector<16xf32>
    %swap3A_533 = vector.shape_cast %add3A_521 : vector<16xf32> to vector<16xf32>
    tpu.vector_store %arg22[%swap3A_530], %swap3A_533 {strides = array<i32>} : memref<512xf32, #tpu.memory_space<vmem>>, vector<16xf32>,
    %swap3A_534 = arith.constant 96 : index
    %swap3A_535 = tpu.vector_load %arg23[%swap3A_534] {strides = array<i32>} : memref<512xf32, #tpu.memory_space<vmem>>, vector<16xf32>,
    %swap3A_536 = vector.shape_cast %swap3A_535 : vector<16xf32> to vector<16xf32>
    %swap3A_537 = vector.shape_cast %min3A_494 : vector<16xf32> to vector<16xf32>
    tpu.vector_store %arg23[%swap3A_534], %swap3A_537 {strides = array<i32>} : memref<512xf32, #tpu.memory_space<vmem>>, vector<16xf32>,
    %swap3A_538 = arith.constant 96 : index
    %swap3A_539 = tpu.vector_load %arg24[%swap3A_538] {strides = array<i32>} : memref<512xf32, #tpu.memory_space<vmem>>, vector<16xf32>,
    %swap3A_540 = vector.shape_cast %swap3A_539 : vector<16xf32> to vector<16xf32>
    %swap3A_541 = vector.shape_cast %max3A_525 : vector<16xf32> to vector<16xf32>
    tpu.vector_store %arg24[%swap3A_538], %swap3A_541 {strides = array<i32>} : memref<512xf32, #tpu.memory_space<vmem>>, vector<16xf32>,
    %swap3A_542 = arith.constant 96 : index
    %swap3A_543 = tpu.vector_load %arg25[%swap3A_542] {strides = array<i32>} : memref<512xf32, #tpu.memory_space<vmem>>, vector<16xf32>,
    %swap3A_544 = vector.shape_cast %swap3A_543 : vector<16xf32> to vector<16xf32>
    %swap3A_545 = vector.shape_cast %max3A_529 : vector<16xf32> to vector<16xf32>
    tpu.vector_store %arg25[%swap3A_542], %swap3A_545 {strides = array<i32>} : memref<512xf32, #tpu.memory_space<vmem>>, vector<16xf32>,
    %get3A_546 = arith.constant 112 : index
    %get3A_547 = tpu.vector_load %arg16[%get3A_546] {strides = array<i32>} : memref<512xf32, #tpu.memory_space<vmem>>, vector<16xf32>,
    %get3A_548 = vector.shape_cast %get3A_547 : vector<16xf32> to vector<16xf32>
    %get3A_549 = arith.constant 112 : index
    %get3A_550 = tpu.vector_load %arg17[%get3A_549] {strides = array<i32>} : memref<512xf32, #tpu.memory_space<vmem>>, vector<16xf32>,
    %get3A_551 = vector.shape_cast %get3A_550 : vector<16xf32> to vector<16xf32>
    %get3A_552 = arith.constant 112 : index
    %get3A_553 = tpu.vector_load %arg18[%get3A_552] {strides = array<i32>} : memref<512xf32, #tpu.memory_space<vmem>>, vector<16xf32>,
    %get3A_554 = vector.shape_cast %get3A_553 : vector<16xf32> to vector<16xf32>
    %get3A_555 = arith.constant 112 : index
    %get3A_556 = tpu.vector_load %arg19[%get3A_555] {strides = array<i32>} : memref<512xf32, #tpu.memory_space<vmem>>, vector<16xf32>,
    %get3A_557 = vector.shape_cast %get3A_556 : vector<16xf32> to vector<16xf32>
    %get3A_558 = arith.constant 112 : index
    %get3A_559 = tpu.vector_load %arg20[%get3A_558] {strides = array<i32>} : memref<512xf32, #tpu.memory_space<vmem>>, vector<16xf32>,
    %get3A_560 = vector.shape_cast %get3A_559 : vector<16xf32> to vector<16xf32>
    %get3A_561 = arith.constant 112 : index
    %get3A_562 = tpu.vector_load %arg21[%get3A_561] {strides = array<i32>} : memref<512xf32, #tpu.memory_space<vmem>>, vector<16xf32>,
    %get3A_563 = vector.shape_cast %get3A_562 : vector<16xf32> to vector<16xf32>
    %mul3A_564 = arith.mulf %get3A_560, %get3A_563 : vector<16xf32>
    %mul3A_565 = arith.mulf %get3A_551, %mul3A_564 : vector<16xf32>
    %max3A_566 = arith.constant 9.99999997E-7 : f32
    %max3A_567 = vector.broadcast %max3A_566 : f32 to vector<16xf32>
    %max3A_568 = arith.maximumf %mul3A_565, %max3A_567 : vector<16xf32>
    %min3A_569 = arith.constant 1.500000e+01 : f32
    %min3A_570 = vector.broadcast %min3A_569 : f32 to vector<16xf32>
    %min3A_571 = arith.minimumf %max3A_568, %min3A_570 : vector<16xf32>
    %mul3A_572 = arith.mulf %get3A_554, %get3A_557 : vector<16xf32>
    %lt3A_573 = arith.cmpf olt, %get3A_548, %mul3A_572 : vector<16xf32>
    %mul3A_574 = arith.constant 5.000000e-01 : f32
    %mul3A_575 = vector.broadcast %mul3A_574 : f32 to vector<16xf32>
    %mul3A_576 = arith.mulf %mul3A_575, %get3A_548 : vector<16xf32>
    %sub3A_577 = arith.subf %get3A_548, %mul3A_572 : vector<16xf32>
    %mul3A_578 = arith.constant 5.000000e-01 : f32
    %mul3A_579 = vector.broadcast %mul3A_578 : f32 to vector<16xf32>
    %mul3A_580 = arith.mulf %mul3A_579, %sub3A_577 : vector<16xf32>
    %select_n3A_581 = arith.select %lt3A_573, %mul3A_576, %mul3A_580 : vector<16xi1>, vector<16xf32>
    %max3A_582 = arith.constant 9.99999997E-7 : f32
    %max3A_583 = vector.broadcast %max3A_582 : f32 to vector<16xf32>
    %max3A_584 = arith.maximumf %mul3A_572, %max3A_583 : vector<16xf32>
    %sub3A_585 = arith.constant 1.000000e+00 : f32
    %sub3A_586 = vector.broadcast %sub3A_585 : f32 to vector<16xf32>
    %sub3A_587 = arith.subf %sub3A_586, %mul3A_572 : vector<16xf32>
    %max3A_588 = arith.constant 9.99999997E-7 : f32
    %max3A_589 = vector.broadcast %max3A_588 : f32 to vector<16xf32>
    %max3A_590 = arith.maximumf %sub3A_587, %max3A_589 : vector<16xf32>
    %select_n3A_591 = arith.select %lt3A_573, %max3A_584, %max3A_590 : vector<16xi1>, vector<16xf32>
    %jit3A_592 = arith.constant 0.000000e+00 : f32
    %jit3A_593 = arith.constant 5.000000e-01 : f32
    %broadcast_in_dim3A_594 = vector.broadcast %jit3A_592 : f32 to vector<16xf32>
    %broadcast_in_dim3A_595 = vector.broadcast %jit3A_593 : f32 to vector<16xf32>
    %select_n3A_596 = arith.select %lt3A_573, %broadcast_in_dim3A_594, %broadcast_in_dim3A_595 : vector<16xi1>, vector<16xf32>
    %div3A_597 = arith.divf %select_n3A_581, %select_n3A_591 : vector<16xf32>
    %add3A_598 = arith.addf %select_n3A_596, %div3A_597 : vector<16xf32>
    %mul3A_599 = arith.mulf %add3A_598, %min3A_571 : vector<16xf32>
    %max3A_600 = arith.constant 0.00999999977 : f32
    %max3A_601 = vector.broadcast %max3A_600 : f32 to vector<16xf32>
    %max3A_602 = arith.maximumf %mul3A_599, %max3A_601 : vector<16xf32>
    %sub3A_603 = arith.subf %min3A_571, %max3A_602 : vector<16xf32>
    %max3A_604 = arith.constant 0.00999999977 : f32
    %max3A_605 = vector.broadcast %max3A_604 : f32 to vector<16xf32>
    %max3A_606 = arith.maximumf %sub3A_603, %max3A_605 : vector<16xf32>
    %swap3A_607 = arith.constant 112 : index
    %swap3A_608 = tpu.vector_load %arg22[%swap3A_607] {strides = array<i32>} : memref<512xf32, #tpu.memory_space<vmem>>, vector<16xf32>,
    %swap3A_609 = vector.shape_cast %swap3A_608 : vector<16xf32> to vector<16xf32>
    %swap3A_610 = vector.shape_cast %add3A_598 : vector<16xf32> to vector<16xf32>
    tpu.vector_store %arg22[%swap3A_607], %swap3A_610 {strides = array<i32>} : memref<512xf32, #tpu.memory_space<vmem>>, vector<16xf32>,
    %swap3A_611 = arith.constant 112 : index
    %swap3A_612 = tpu.vector_load %arg23[%swap3A_611] {strides = array<i32>} : memref<512xf32, #tpu.memory_space<vmem>>, vector<16xf32>,
    %swap3A_613 = vector.shape_cast %swap3A_612 : vector<16xf32> to vector<16xf32>
    %swap3A_614 = vector.shape_cast %min3A_571 : vector<16xf32> to vector<16xf32>
    tpu.vector_store %arg23[%swap3A_611], %swap3A_614 {strides = array<i32>} : memref<512xf32, #tpu.memory_space<vmem>>, vector<16xf32>,
    %swap3A_615 = arith.constant 112 : index
    %swap3A_616 = tpu.vector_load %arg24[%swap3A_615] {strides = array<i32>} : memref<512xf32, #tpu.memory_space<vmem>>, vector<16xf32>,
    %swap3A_617 = vector.shape_cast %swap3A_616 : vector<16xf32> to vector<16xf32>
    %swap3A_618 = vector.shape_cast %max3A_602 : vector<16xf32> to vector<16xf32>
    tpu.vector_store %arg24[%swap3A_615], %swap3A_618 {strides = array<i32>} : memref<512xf32, #tpu.memory_space<vmem>>, vector<16xf32>,
    %swap3A_619 = arith.constant 112 : index
    %swap3A_620 = tpu.vector_load %arg25[%swap3A_619] {strides = array<i32>} : memref<512xf32, #tpu.memory_space<vmem>>, vector<16xf32>,
    %swap3A_621 = vector.shape_cast %swap3A_620 : vector<16xf32> to vector<16xf32>
    %swap3A_622 = vector.shape_cast %max3A_606 : vector<16xf32> to vector<16xf32>
    tpu.vector_store %arg25[%swap3A_619], %swap3A_622 {strides = array<i32>} : memref<512xf32, #tpu.memory_space<vmem>>, vector<16xf32>,
    %get3A_623 = arith.constant 128 : index
    %get3A_624 = tpu.vector_load %arg16[%get3A_623] {strides = array<i32>} : memref<512xf32, #tpu.memory_space<vmem>>, vector<16xf32>,
    %get3A_625 = vector.shape_cast %get3A_624 : vector<16xf32> to vector<16xf32>
    %get3A_626 = arith.constant 128 : index
    %get3A_627 = tpu.vector_load %arg17[%get3A_626] {strides = array<i32>} : memref<512xf32, #tpu.memory_space<vmem>>, vector<16xf32>,
    %get3A_628 = vector.shape_cast %get3A_627 : vector<16xf32> to vector<16xf32>
    %get3A_629 = arith.constant 128 : index
    %get3A_630 = tpu.vector_load %arg18[%get3A_629] {strides = array<i32>} : memref<512xf32, #tpu.memory_space<vmem>>, vector<16xf32>,
    %get3A_631 = vector.shape_cast %get3A_630 : vector<16xf32> to vector<16xf32>
    %get3A_632 = arith.constant 128 : index
    %get3A_633 = tpu.vector_load %arg19[%get3A_632] {strides = array<i32>} : memref<512xf32, #tpu.memory_space<vmem>>, vector<16xf32>,
    %get3A_634 = vector.shape_cast %get3A_633 : vector<16xf32> to vector<16xf32>
    %get3A_635 = arith.constant 128 : index
    %get3A_636 = tpu.vector_load %arg20[%get3A_635] {strides = array<i32>} : memref<512xf32, #tpu.memory_space<vmem>>, vector<16xf32>,
    %get3A_637 = vector.shape_cast %get3A_636 : vector<16xf32> to vector<16xf32>
    %get3A_638 = arith.constant 128 : index
    %get3A_639 = tpu.vector_load %arg21[%get3A_638] {strides = array<i32>} : memref<512xf32, #tpu.memory_space<vmem>>, vector<16xf32>,
    %get3A_640 = vector.shape_cast %get3A_639 : vector<16xf32> to vector<16xf32>
    %mul3A_641 = arith.mulf %get3A_637, %get3A_640 : vector<16xf32>
    %mul3A_642 = arith.mulf %get3A_628, %mul3A_641 : vector<16xf32>
    %max3A_643 = arith.constant 9.99999997E-7 : f32
    %max3A_644 = vector.broadcast %max3A_643 : f32 to vector<16xf32>
    %max3A_645 = arith.maximumf %mul3A_642, %max3A_644 : vector<16xf32>
    %min3A_646 = arith.constant 1.500000e+01 : f32
    %min3A_647 = vector.broadcast %min3A_646 : f32 to vector<16xf32>
    %min3A_648 = arith.minimumf %max3A_645, %min3A_647 : vector<16xf32>
    %mul3A_649 = arith.mulf %get3A_631, %get3A_634 : vector<16xf32>
    %lt3A_650 = arith.cmpf olt, %get3A_625, %mul3A_649 : vector<16xf32>
    %mul3A_651 = arith.constant 5.000000e-01 : f32
    %mul3A_652 = vector.broadcast %mul3A_651 : f32 to vector<16xf32>
    %mul3A_653 = arith.mulf %mul3A_652, %get3A_625 : vector<16xf32>
    %sub3A_654 = arith.subf %get3A_625, %mul3A_649 : vector<16xf32>
    %mul3A_655 = arith.constant 5.000000e-01 : f32
    %mul3A_656 = vector.broadcast %mul3A_655 : f32 to vector<16xf32>
    %mul3A_657 = arith.mulf %mul3A_656, %sub3A_654 : vector<16xf32>
    %select_n3A_658 = arith.select %lt3A_650, %mul3A_653, %mul3A_657 : vector<16xi1>, vector<16xf32>
    %max3A_659 = arith.constant 9.99999997E-7 : f32
    %max3A_660 = vector.broadcast %max3A_659 : f32 to vector<16xf32>
    %max3A_661 = arith.maximumf %mul3A_649, %max3A_660 : vector<16xf32>
    %sub3A_662 = arith.constant 1.000000e+00 : f32
    %sub3A_663 = vector.broadcast %sub3A_662 : f32 to vector<16xf32>
    %sub3A_664 = arith.subf %sub3A_663, %mul3A_649 : vector<16xf32>
    %max3A_665 = arith.constant 9.99999997E-7 : f32
    %max3A_666 = vector.broadcast %max3A_665 : f32 to vector<16xf32>
    %max3A_667 = arith.maximumf %sub3A_664, %max3A_666 : vector<16xf32>
    %select_n3A_668 = arith.select %lt3A_650, %max3A_661, %max3A_667 : vector<16xi1>, vector<16xf32>
    %jit3A_669 = arith.constant 0.000000e+00 : f32
    %jit3A_670 = arith.constant 5.000000e-01 : f32
    %broadcast_in_dim3A_671 = vector.broadcast %jit3A_669 : f32 to vector<16xf32>
    %broadcast_in_dim3A_672 = vector.broadcast %jit3A_670 : f32 to vector<16xf32>
    %select_n3A_673 = arith.select %lt3A_650, %broadcast_in_dim3A_671, %broadcast_in_dim3A_672 : vector<16xi1>, vector<16xf32>
    %div3A_674 = arith.divf %select_n3A_658, %select_n3A_668 : vector<16xf32>
    %add3A_675 = arith.addf %select_n3A_673, %div3A_674 : vector<16xf32>
    %mul3A_676 = arith.mulf %add3A_675, %min3A_648 : vector<16xf32>
    %max3A_677 = arith.constant 0.00999999977 : f32
    %max3A_678 = vector.broadcast %max3A_677 : f32 to vector<16xf32>
    %max3A_679 = arith.maximumf %mul3A_676, %max3A_678 : vector<16xf32>
    %sub3A_680 = arith.subf %min3A_648, %max3A_679 : vector<16xf32>
    %max3A_681 = arith.constant 0.00999999977 : f32
    %max3A_682 = vector.broadcast %max3A_681 : f32 to vector<16xf32>
    %max3A_683 = arith.maximumf %sub3A_680, %max3A_682 : vector<16xf32>
    %swap3A_684 = arith.constant 128 : index
    %swap3A_685 = tpu.vector_load %arg22[%swap3A_684] {strides = array<i32>} : memref<512xf32, #tpu.memory_space<vmem>>, vector<16xf32>,
    %swap3A_686 = vector.shape_cast %swap3A_685 : vector<16xf32> to vector<16xf32>
    %swap3A_687 = vector.shape_cast %add3A_675 : vector<16xf32> to vector<16xf32>
    tpu.vector_store %arg22[%swap3A_684], %swap3A_687 {strides = array<i32>} : memref<512xf32, #tpu.memory_space<vmem>>, vector<16xf32>,
    %swap3A_688 = arith.constant 128 : index
    %swap3A_689 = tpu.vector_load %arg23[%swap3A_688] {strides = array<i32>} : memref<512xf32, #tpu.memory_space<vmem>>, vector<16xf32>,
    %swap3A_690 = vector.shape_cast %swap3A_689 : vector<16xf32> to vector<16xf32>
    %swap3A_691 = vector.shape_cast %min3A_648 : vector<16xf32> to vector<16xf32>
    tpu.vector_store %arg23[%swap3A_688], %swap3A_691 {strides = array<i32>} : memref<512xf32, #tpu.memory_space<vmem>>, vector<16xf32>,
    %swap3A_692 = arith.constant 128 : index
    %swap3A_693 = tpu.vector_load %arg24[%swap3A_692] {strides = array<i32>} : memref<512xf32, #tpu.memory_space<vmem>>, vector<16xf32>,
    %swap3A_694 = vector.shape_cast %swap3A_693 : vector<16xf32> to vector<16xf32>
    %swap3A_695 = vector.shape_cast %max3A_679 : vector<16xf32> to vector<16xf32>
    tpu.vector_store %arg24[%swap3A_692], %swap3A_695 {strides = array<i32>} : memref<512xf32, #tpu.memory_space<vmem>>, vector<16xf32>,
    %swap3A_696 = arith.constant 128 : index
    %swap3A_697 = tpu.vector_load %arg25[%swap3A_696] {strides = array<i32>} : memref<512xf32, #tpu.memory_space<vmem>>, vector<16xf32>,
    %swap3A_698 = vector.shape_cast %swap3A_697 : vector<16xf32> to vector<16xf32>
    %swap3A_699 = vector.shape_cast %max3A_683 : vector<16xf32> to vector<16xf32>
    tpu.vector_store %arg25[%swap3A_696], %swap3A_699 {strides = array<i32>} : memref<512xf32, #tpu.memory_space<vmem>>, vector<16xf32>,
    %get3A_700 = arith.constant 144 : index
    %get3A_701 = tpu.vector_load %arg16[%get3A_700] {strides = array<i32>} : memref<512xf32, #tpu.memory_space<vmem>>, vector<16xf32>,
    %get3A_702 = vector.shape_cast %get3A_701 : vector<16xf32> to vector<16xf32>
    %get3A_703 = arith.constant 144 : index
    %get3A_704 = tpu.vector_load %arg17[%get3A_703] {strides = array<i32>} : memref<512xf32, #tpu.memory_space<vmem>>, vector<16xf32>,
    %get3A_705 = vector.shape_cast %get3A_704 : vector<16xf32> to vector<16xf32>
    %get3A_706 = arith.constant 144 : index
    %get3A_707 = tpu.vector_load %arg18[%get3A_706] {strides = array<i32>} : memref<512xf32, #tpu.memory_space<vmem>>, vector<16xf32>,
    %get3A_708 = vector.shape_cast %get3A_707 : vector<16xf32> to vector<16xf32>
    %get3A_709 = arith.constant 144 : index
    %get3A_710 = tpu.vector_load %arg19[%get3A_709] {strides = array<i32>} : memref<512xf32, #tpu.memory_space<vmem>>, vector<16xf32>,
    %get3A_711 = vector.shape_cast %get3A_710 : vector<16xf32> to vector<16xf32>
    %get3A_712 = arith.constant 144 : index
    %get3A_713 = tpu.vector_load %arg20[%get3A_712] {strides = array<i32>} : memref<512xf32, #tpu.memory_space<vmem>>, vector<16xf32>,
    %get3A_714 = vector.shape_cast %get3A_713 : vector<16xf32> to vector<16xf32>
    %get3A_715 = arith.constant 144 : index
    %get3A_716 = tpu.vector_load %arg21[%get3A_715] {strides = array<i32>} : memref<512xf32, #tpu.memory_space<vmem>>, vector<16xf32>,
    %get3A_717 = vector.shape_cast %get3A_716 : vector<16xf32> to vector<16xf32>
    %mul3A_718 = arith.mulf %get3A_714, %get3A_717 : vector<16xf32>
    %mul3A_719 = arith.mulf %get3A_705, %mul3A_718 : vector<16xf32>
    %max3A_720 = arith.constant 9.99999997E-7 : f32
    %max3A_721 = vector.broadcast %max3A_720 : f32 to vector<16xf32>
    %max3A_722 = arith.maximumf %mul3A_719, %max3A_721 : vector<16xf32>
    %min3A_723 = arith.constant 1.500000e+01 : f32
    %min3A_724 = vector.broadcast %min3A_723 : f32 to vector<16xf32>
    %min3A_725 = arith.minimumf %max3A_722, %min3A_724 : vector<16xf32>
    %mul3A_726 = arith.mulf %get3A_708, %get3A_711 : vector<16xf32>
    %lt3A_727 = arith.cmpf olt, %get3A_702, %mul3A_726 : vector<16xf32>
    %mul3A_728 = arith.constant 5.000000e-01 : f32
    %mul3A_729 = vector.broadcast %mul3A_728 : f32 to vector<16xf32>
    %mul3A_730 = arith.mulf %mul3A_729, %get3A_702 : vector<16xf32>
    %sub3A_731 = arith.subf %get3A_702, %mul3A_726 : vector<16xf32>
    %mul3A_732 = arith.constant 5.000000e-01 : f32
    %mul3A_733 = vector.broadcast %mul3A_732 : f32 to vector<16xf32>
    %mul3A_734 = arith.mulf %mul3A_733, %sub3A_731 : vector<16xf32>
    %select_n3A_735 = arith.select %lt3A_727, %mul3A_730, %mul3A_734 : vector<16xi1>, vector<16xf32>
    %max3A_736 = arith.constant 9.99999997E-7 : f32
    %max3A_737 = vector.broadcast %max3A_736 : f32 to vector<16xf32>
    %max3A_738 = arith.maximumf %mul3A_726, %max3A_737 : vector<16xf32>
    %sub3A_739 = arith.constant 1.000000e+00 : f32
    %sub3A_740 = vector.broadcast %sub3A_739 : f32 to vector<16xf32>
    %sub3A_741 = arith.subf %sub3A_740, %mul3A_726 : vector<16xf32>
    %max3A_742 = arith.constant 9.99999997E-7 : f32
    %max3A_743 = vector.broadcast %max3A_742 : f32 to vector<16xf32>
    %max3A_744 = arith.maximumf %sub3A_741, %max3A_743 : vector<16xf32>
    %select_n3A_745 = arith.select %lt3A_727, %max3A_738, %max3A_744 : vector<16xi1>, vector<16xf32>
    %jit3A_746 = arith.constant 0.000000e+00 : f32
    %jit3A_747 = arith.constant 5.000000e-01 : f32
    %broadcast_in_dim3A_748 = vector.broadcast %jit3A_746 : f32 to vector<16xf32>
    %broadcast_in_dim3A_749 = vector.broadcast %jit3A_747 : f32 to vector<16xf32>
    %select_n3A_750 = arith.select %lt3A_727, %broadcast_in_dim3A_748, %broadcast_in_dim3A_749 : vector<16xi1>, vector<16xf32>
    %div3A_751 = arith.divf %select_n3A_735, %select_n3A_745 : vector<16xf32>
    %add3A_752 = arith.addf %select_n3A_750, %div3A_751 : vector<16xf32>
    %mul3A_753 = arith.mulf %add3A_752, %min3A_725 : vector<16xf32>
    %max3A_754 = arith.constant 0.00999999977 : f32
    %max3A_755 = vector.broadcast %max3A_754 : f32 to vector<16xf32>
    %max3A_756 = arith.maximumf %mul3A_753, %max3A_755 : vector<16xf32>
    %sub3A_757 = arith.subf %min3A_725, %max3A_756 : vector<16xf32>
    %max3A_758 = arith.constant 0.00999999977 : f32
    %max3A_759 = vector.broadcast %max3A_758 : f32 to vector<16xf32>
    %max3A_760 = arith.maximumf %sub3A_757, %max3A_759 : vector<16xf32>
    %swap3A_761 = arith.constant 144 : index
    %swap3A_762 = tpu.vector_load %arg22[%swap3A_761] {strides = array<i32>} : memref<512xf32, #tpu.memory_space<vmem>>, vector<16xf32>,
    %swap3A_763 = vector.shape_cast %swap3A_762 : vector<16xf32> to vector<16xf32>
    %swap3A_764 = vector.shape_cast %add3A_752 : vector<16xf32> to vector<16xf32>
    tpu.vector_store %arg22[%swap3A_761], %swap3A_764 {strides = array<i32>} : memref<512xf32, #tpu.memory_space<vmem>>, vector<16xf32>,
    %swap3A_765 = arith.constant 144 : index
    %swap3A_766 = tpu.vector_load %arg23[%swap3A_765] {strides = array<i32>} : memref<512xf32, #tpu.memory_space<vmem>>, vector<16xf32>,
    %swap3A_767 = vector.shape_cast %swap3A_766 : vector<16xf32> to vector<16xf32>
    %swap3A_768 = vector.shape_cast %min3A_725 : vector<16xf32> to vector<16xf32>
    tpu.vector_store %arg23[%swap3A_765], %swap3A_768 {strides = array<i32>} : memref<512xf32, #tpu.memory_space<vmem>>, vector<16xf32>,
    %swap3A_769 = arith.constant 144 : index
    %swap3A_770 = tpu.vector_load %arg24[%swap3A_769] {strides = array<i32>} : memref<512xf32, #tpu.memory_space<vmem>>, vector<16xf32>,
    %swap3A_771 = vector.shape_cast %swap3A_770 : vector<16xf32> to vector<16xf32>
    %swap3A_772 = vector.shape_cast %max3A_756 : vector<16xf32> to vector<16xf32>
    tpu.vector_store %arg24[%swap3A_769], %swap3A_772 {strides = array<i32>} : memref<512xf32, #tpu.memory_space<vmem>>, vector<16xf32>,
    %swap3A_773 = arith.constant 144 : index
    %swap3A_774 = tpu.vector_load %arg25[%swap3A_773] {strides = array<i32>} : memref<512xf32, #tpu.memory_space<vmem>>, vector<16xf32>,
    %swap3A_775 = vector.shape_cast %swap3A_774 : vector<16xf32> to vector<16xf32>
    %swap3A_776 = vector.shape_cast %max3A_760 : vector<16xf32> to vector<16xf32>
    tpu.vector_store %arg25[%swap3A_773], %swap3A_776 {strides = array<i32>} : memref<512xf32, #tpu.memory_space<vmem>>, vector<16xf32>,
    %get3A_777 = arith.constant 160 : index
    %get3A_778 = tpu.vector_load %arg16[%get3A_777] {strides = array<i32>} : memref<512xf32, #tpu.memory_space<vmem>>, vector<16xf32>,
    %get3A_779 = vector.shape_cast %get3A_778 : vector<16xf32> to vector<16xf32>
    %get3A_780 = arith.constant 160 : index
    %get3A_781 = tpu.vector_load %arg17[%get3A_780] {strides = array<i32>} : memref<512xf32, #tpu.memory_space<vmem>>, vector<16xf32>,
    %get3A_782 = vector.shape_cast %get3A_781 : vector<16xf32> to vector<16xf32>
    %get3A_783 = arith.constant 160 : index
    %get3A_784 = tpu.vector_load %arg18[%get3A_783] {strides = array<i32>} : memref<512xf32, #tpu.memory_space<vmem>>, vector<16xf32>,
    %get3A_785 = vector.shape_cast %get3A_784 : vector<16xf32> to vector<16xf32>
    %get3A_786 = arith.constant 160 : index
    %get3A_787 = tpu.vector_load %arg19[%get3A_786] {strides = array<i32>} : memref<512xf32, #tpu.memory_space<vmem>>, vector<16xf32>,
    %get3A_788 = vector.shape_cast %get3A_787 : vector<16xf32> to vector<16xf32>
    %get3A_789 = arith.constant 160 : index
    %get3A_790 = tpu.vector_load %arg20[%get3A_789] {strides = array<i32>} : memref<512xf32, #tpu.memory_space<vmem>>, vector<16xf32>,
    %get3A_791 = vector.shape_cast %get3A_790 : vector<16xf32> to vector<16xf32>
    %get3A_792 = arith.constant 160 : index
    %get3A_793 = tpu.vector_load %arg21[%get3A_792] {strides = array<i32>} : memref<512xf32, #tpu.memory_space<vmem>>, vector<16xf32>,
    %get3A_794 = vector.shape_cast %get3A_793 : vector<16xf32> to vector<16xf32>
    %mul3A_795 = arith.mulf %get3A_791, %get3A_794 : vector<16xf32>
    %mul3A_796 = arith.mulf %get3A_782, %mul3A_795 : vector<16xf32>
    %max3A_797 = arith.constant 9.99999997E-7 : f32
    %max3A_798 = vector.broadcast %max3A_797 : f32 to vector<16xf32>
    %max3A_799 = arith.maximumf %mul3A_796, %max3A_798 : vector<16xf32>
    %min3A_800 = arith.constant 1.500000e+01 : f32
    %min3A_801 = vector.broadcast %min3A_800 : f32 to vector<16xf32>
    %min3A_802 = arith.minimumf %max3A_799, %min3A_801 : vector<16xf32>
    %mul3A_803 = arith.mulf %get3A_785, %get3A_788 : vector<16xf32>
    %lt3A_804 = arith.cmpf olt, %get3A_779, %mul3A_803 : vector<16xf32>
    %mul3A_805 = arith.constant 5.000000e-01 : f32
    %mul3A_806 = vector.broadcast %mul3A_805 : f32 to vector<16xf32>
    %mul3A_807 = arith.mulf %mul3A_806, %get3A_779 : vector<16xf32>
    %sub3A_808 = arith.subf %get3A_779, %mul3A_803 : vector<16xf32>
    %mul3A_809 = arith.constant 5.000000e-01 : f32
    %mul3A_810 = vector.broadcast %mul3A_809 : f32 to vector<16xf32>
    %mul3A_811 = arith.mulf %mul3A_810, %sub3A_808 : vector<16xf32>
    %select_n3A_812 = arith.select %lt3A_804, %mul3A_807, %mul3A_811 : vector<16xi1>, vector<16xf32>
    %max3A_813 = arith.constant 9.99999997E-7 : f32
    %max3A_814 = vector.broadcast %max3A_813 : f32 to vector<16xf32>
    %max3A_815 = arith.maximumf %mul3A_803, %max3A_814 : vector<16xf32>
    %sub3A_816 = arith.constant 1.000000e+00 : f32
    %sub3A_817 = vector.broadcast %sub3A_816 : f32 to vector<16xf32>
    %sub3A_818 = arith.subf %sub3A_817, %mul3A_803 : vector<16xf32>
    %max3A_819 = arith.constant 9.99999997E-7 : f32
    %max3A_820 = vector.broadcast %max3A_819 : f32 to vector<16xf32>
    %max3A_821 = arith.maximumf %sub3A_818, %max3A_820 : vector<16xf32>
    %select_n3A_822 = arith.select %lt3A_804, %max3A_815, %max3A_821 : vector<16xi1>, vector<16xf32>
    %jit3A_823 = arith.constant 0.000000e+00 : f32
    %jit3A_824 = arith.constant 5.000000e-01 : f32
    %broadcast_in_dim3A_825 = vector.broadcast %jit3A_823 : f32 to vector<16xf32>
    %broadcast_in_dim3A_826 = vector.broadcast %jit3A_824 : f32 to vector<16xf32>
    %select_n3A_827 = arith.select %lt3A_804, %broadcast_in_dim3A_825, %broadcast_in_dim3A_826 : vector<16xi1>, vector<16xf32>
    %div3A_828 = arith.divf %select_n3A_812, %select_n3A_822 : vector<16xf32>
    %add3A_829 = arith.addf %select_n3A_827, %div3A_828 : vector<16xf32>
    %mul3A_830 = arith.mulf %add3A_829, %min3A_802 : vector<16xf32>
    %max3A_831 = arith.constant 0.00999999977 : f32
    %max3A_832 = vector.broadcast %max3A_831 : f32 to vector<16xf32>
    %max3A_833 = arith.maximumf %mul3A_830, %max3A_832 : vector<16xf32>
    %sub3A_834 = arith.subf %min3A_802, %max3A_833 : vector<16xf32>
    %max3A_835 = arith.constant 0.00999999977 : f32
    %max3A_836 = vector.broadcast %max3A_835 : f32 to vector<16xf32>
    %max3A_837 = arith.maximumf %sub3A_834, %max3A_836 : vector<16xf32>
    %swap3A_838 = arith.constant 160 : index
    %swap3A_839 = tpu.vector_load %arg22[%swap3A_838] {strides = array<i32>} : memref<512xf32, #tpu.memory_space<vmem>>, vector<16xf32>,
    %swap3A_840 = vector.shape_cast %swap3A_839 : vector<16xf32> to vector<16xf32>
    %swap3A_841 = vector.shape_cast %add3A_829 : vector<16xf32> to vector<16xf32>
    tpu.vector_store %arg22[%swap3A_838], %swap3A_841 {strides = array<i32>} : memref<512xf32, #tpu.memory_space<vmem>>, vector<16xf32>,
    %swap3A_842 = arith.constant 160 : index
    %swap3A_843 = tpu.vector_load %arg23[%swap3A_842] {strides = array<i32>} : memref<512xf32, #tpu.memory_space<vmem>>, vector<16xf32>,
    %swap3A_844 = vector.shape_cast %swap3A_843 : vector<16xf32> to vector<16xf32>
    %swap3A_845 = vector.shape_cast %min3A_802 : vector<16xf32> to vector<16xf32>
    tpu.vector_store %arg23[%swap3A_842], %swap3A_845 {strides = array<i32>} : memref<512xf32, #tpu.memory_space<vmem>>, vector<16xf32>,
    %swap3A_846 = arith.constant 160 : index
    %swap3A_847 = tpu.vector_load %arg24[%swap3A_846] {strides = array<i32>} : memref<512xf32, #tpu.memory_space<vmem>>, vector<16xf32>,
    %swap3A_848 = vector.shape_cast %swap3A_847 : vector<16xf32> to vector<16xf32>
    %swap3A_849 = vector.shape_cast %max3A_833 : vector<16xf32> to vector<16xf32>
    tpu.vector_store %arg24[%swap3A_846], %swap3A_849 {strides = array<i32>} : memref<512xf32, #tpu.memory_space<vmem>>, vector<16xf32>,
    %swap3A_850 = arith.constant 160 : index
    %swap3A_851 = tpu.vector_load %arg25[%swap3A_850] {strides = array<i32>} : memref<512xf32, #tpu.memory_space<vmem>>, vector<16xf32>,
    %swap3A_852 = vector.shape_cast %swap3A_851 : vector<16xf32> to vector<16xf32>
    %swap3A_853 = vector.shape_cast %max3A_837 : vector<16xf32> to vector<16xf32>
    tpu.vector_store %arg25[%swap3A_850], %swap3A_853 {strides = array<i32>} : memref<512xf32, #tpu.memory_space<vmem>>, vector<16xf32>,
    %get3A_854 = arith.constant 176 : index
    %get3A_855 = tpu.vector_load %arg16[%get3A_854] {strides = array<i32>} : memref<512xf32, #tpu.memory_space<vmem>>, vector<16xf32>,
    %get3A_856 = vector.shape_cast %get3A_855 : vector<16xf32> to vector<16xf32>
    %get3A_857 = arith.constant 176 : index
    %get3A_858 = tpu.vector_load %arg17[%get3A_857] {strides = array<i32>} : memref<512xf32, #tpu.memory_space<vmem>>, vector<16xf32>,
    %get3A_859 = vector.shape_cast %get3A_858 : vector<16xf32> to vector<16xf32>
    %get3A_860 = arith.constant 176 : index
    %get3A_861 = tpu.vector_load %arg18[%get3A_860] {strides = array<i32>} : memref<512xf32, #tpu.memory_space<vmem>>, vector<16xf32>,
    %get3A_862 = vector.shape_cast %get3A_861 : vector<16xf32> to vector<16xf32>
    %get3A_863 = arith.constant 176 : index
    %get3A_864 = tpu.vector_load %arg19[%get3A_863] {strides = array<i32>} : memref<512xf32, #tpu.memory_space<vmem>>, vector<16xf32>,
    %get3A_865 = vector.shape_cast %get3A_864 : vector<16xf32> to vector<16xf32>
    %get3A_866 = arith.constant 176 : index
    %get3A_867 = tpu.vector_load %arg20[%get3A_866] {strides = array<i32>} : memref<512xf32, #tpu.memory_space<vmem>>, vector<16xf32>,
    %get3A_868 = vector.shape_cast %get3A_867 : vector<16xf32> to vector<16xf32>
    %get3A_869 = arith.constant 176 : index
    %get3A_870 = tpu.vector_load %arg21[%get3A_869] {strides = array<i32>} : memref<512xf32, #tpu.memory_space<vmem>>, vector<16xf32>,
    %get3A_871 = vector.shape_cast %get3A_870 : vector<16xf32> to vector<16xf32>
    %mul3A_872 = arith.mulf %get3A_868, %get3A_871 : vector<16xf32>
    %mul3A_873 = arith.mulf %get3A_859, %mul3A_872 : vector<16xf32>
    %max3A_874 = arith.constant 9.99999997E-7 : f32
    %max3A_875 = vector.broadcast %max3A_874 : f32 to vector<16xf32>
    %max3A_876 = arith.maximumf %mul3A_873, %max3A_875 : vector<16xf32>
    %min3A_877 = arith.constant 1.500000e+01 : f32
    %min3A_878 = vector.broadcast %min3A_877 : f32 to vector<16xf32>
    %min3A_879 = arith.minimumf %max3A_876, %min3A_878 : vector<16xf32>
    %mul3A_880 = arith.mulf %get3A_862, %get3A_865 : vector<16xf32>
    %lt3A_881 = arith.cmpf olt, %get3A_856, %mul3A_880 : vector<16xf32>
    %mul3A_882 = arith.constant 5.000000e-01 : f32
    %mul3A_883 = vector.broadcast %mul3A_882 : f32 to vector<16xf32>
    %mul3A_884 = arith.mulf %mul3A_883, %get3A_856 : vector<16xf32>
    %sub3A_885 = arith.subf %get3A_856, %mul3A_880 : vector<16xf32>
    %mul3A_886 = arith.constant 5.000000e-01 : f32
    %mul3A_887 = vector.broadcast %mul3A_886 : f32 to vector<16xf32>
    %mul3A_888 = arith.mulf %mul3A_887, %sub3A_885 : vector<16xf32>
    %select_n3A_889 = arith.select %lt3A_881, %mul3A_884, %mul3A_888 : vector<16xi1>, vector<16xf32>
    %max3A_890 = arith.constant 9.99999997E-7 : f32
    %max3A_891 = vector.broadcast %max3A_890 : f32 to vector<16xf32>
    %max3A_892 = arith.maximumf %mul3A_880, %max3A_891 : vector<16xf32>
    %sub3A_893 = arith.constant 1.000000e+00 : f32
    %sub3A_894 = vector.broadcast %sub3A_893 : f32 to vector<16xf32>
    %sub3A_895 = arith.subf %sub3A_894, %mul3A_880 : vector<16xf32>
    %max3A_896 = arith.constant 9.99999997E-7 : f32
    %max3A_897 = vector.broadcast %max3A_896 : f32 to vector<16xf32>
    %max3A_898 = arith.maximumf %sub3A_895, %max3A_897 : vector<16xf32>
    %select_n3A_899 = arith.select %lt3A_881, %max3A_892, %max3A_898 : vector<16xi1>, vector<16xf32>
    %jit3A_900 = arith.constant 0.000000e+00 : f32
    %jit3A_901 = arith.constant 5.000000e-01 : f32
    %broadcast_in_dim3A_902 = vector.broadcast %jit3A_900 : f32 to vector<16xf32>
    %broadcast_in_dim3A_903 = vector.broadcast %jit3A_901 : f32 to vector<16xf32>
    %select_n3A_904 = arith.select %lt3A_881, %broadcast_in_dim3A_902, %broadcast_in_dim3A_903 : vector<16xi1>, vector<16xf32>
    %div3A_905 = arith.divf %select_n3A_889, %select_n3A_899 : vector<16xf32>
    %add3A_906 = arith.addf %select_n3A_904, %div3A_905 : vector<16xf32>
    %mul3A_907 = arith.mulf %add3A_906, %min3A_879 : vector<16xf32>
    %max3A_908 = arith.constant 0.00999999977 : f32
    %max3A_909 = vector.broadcast %max3A_908 : f32 to vector<16xf32>
    %max3A_910 = arith.maximumf %mul3A_907, %max3A_909 : vector<16xf32>
    %sub3A_911 = arith.subf %min3A_879, %max3A_910 : vector<16xf32>
    %max3A_912 = arith.constant 0.00999999977 : f32
    %max3A_913 = vector.broadcast %max3A_912 : f32 to vector<16xf32>
    %max3A_914 = arith.maximumf %sub3A_911, %max3A_913 : vector<16xf32>
    %swap3A_915 = arith.constant 176 : index
    %swap3A_916 = tpu.vector_load %arg22[%swap3A_915] {strides = array<i32>} : memref<512xf32, #tpu.memory_space<vmem>>, vector<16xf32>,
    %swap3A_917 = vector.shape_cast %swap3A_916 : vector<16xf32> to vector<16xf32>
    %swap3A_918 = vector.shape_cast %add3A_906 : vector<16xf32> to vector<16xf32>
    tpu.vector_store %arg22[%swap3A_915], %swap3A_918 {strides = array<i32>} : memref<512xf32, #tpu.memory_space<vmem>>, vector<16xf32>,
    %swap3A_919 = arith.constant 176 : index
    %swap3A_920 = tpu.vector_load %arg23[%swap3A_919] {strides = array<i32>} : memref<512xf32, #tpu.memory_space<vmem>>, vector<16xf32>,
    %swap3A_921 = vector.shape_cast %swap3A_920 : vector<16xf32> to vector<16xf32>
    %swap3A_922 = vector.shape_cast %min3A_879 : vector<16xf32> to vector<16xf32>
    tpu.vector_store %arg23[%swap3A_919], %swap3A_922 {strides = array<i32>} : memref<512xf32, #tpu.memory_space<vmem>>, vector<16xf32>,
    %swap3A_923 = arith.constant 176 : index
    %swap3A_924 = tpu.vector_load %arg24[%swap3A_923] {strides = array<i32>} : memref<512xf32, #tpu.memory_space<vmem>>, vector<16xf32>,
    %swap3A_925 = vector.shape_cast %swap3A_924 : vector<16xf32> to vector<16xf32>
    %swap3A_926 = vector.shape_cast %max3A_910 : vector<16xf32> to vector<16xf32>
    tpu.vector_store %arg24[%swap3A_923], %swap3A_926 {strides = array<i32>} : memref<512xf32, #tpu.memory_space<vmem>>, vector<16xf32>,
    %swap3A_927 = arith.constant 176 : index
    %swap3A_928 = tpu.vector_load %arg25[%swap3A_927] {strides = array<i32>} : memref<512xf32, #tpu.memory_space<vmem>>, vector<16xf32>,
    %swap3A_929 = vector.shape_cast %swap3A_928 : vector<16xf32> to vector<16xf32>
    %swap3A_930 = vector.shape_cast %max3A_914 : vector<16xf32> to vector<16xf32>
    tpu.vector_store %arg25[%swap3A_927], %swap3A_930 {strides = array<i32>} : memref<512xf32, #tpu.memory_space<vmem>>, vector<16xf32>,
    %get3A_931 = arith.constant 192 : index
    %get3A_932 = tpu.vector_load %arg16[%get3A_931] {strides = array<i32>} : memref<512xf32, #tpu.memory_space<vmem>>, vector<16xf32>,
    %get3A_933 = vector.shape_cast %get3A_932 : vector<16xf32> to vector<16xf32>
    %get3A_934 = arith.constant 192 : index
    %get3A_935 = tpu.vector_load %arg17[%get3A_934] {strides = array<i32>} : memref<512xf32, #tpu.memory_space<vmem>>, vector<16xf32>,
    %get3A_936 = vector.shape_cast %get3A_935 : vector<16xf32> to vector<16xf32>
    %get3A_937 = arith.constant 192 : index
    %get3A_938 = tpu.vector_load %arg18[%get3A_937] {strides = array<i32>} : memref<512xf32, #tpu.memory_space<vmem>>, vector<16xf32>,
    %get3A_939 = vector.shape_cast %get3A_938 : vector<16xf32> to vector<16xf32>
    %get3A_940 = arith.constant 192 : index
    %get3A_941 = tpu.vector_load %arg19[%get3A_940] {strides = array<i32>} : memref<512xf32, #tpu.memory_space<vmem>>, vector<16xf32>,
    %get3A_942 = vector.shape_cast %get3A_941 : vector<16xf32> to vector<16xf32>
    %get3A_943 = arith.constant 192 : index
    %get3A_944 = tpu.vector_load %arg20[%get3A_943] {strides = array<i32>} : memref<512xf32, #tpu.memory_space<vmem>>, vector<16xf32>,
    %get3A_945 = vector.shape_cast %get3A_944 : vector<16xf32> to vector<16xf32>
    %get3A_946 = arith.constant 192 : index
    %get3A_947 = tpu.vector_load %arg21[%get3A_946] {strides = array<i32>} : memref<512xf32, #tpu.memory_space<vmem>>, vector<16xf32>,
    %get3A_948 = vector.shape_cast %get3A_947 : vector<16xf32> to vector<16xf32>
    %mul3A_949 = arith.mulf %get3A_945, %get3A_948 : vector<16xf32>
    %mul3A_950 = arith.mulf %get3A_936, %mul3A_949 : vector<16xf32>
    %max3A_951 = arith.constant 9.99999997E-7 : f32
    %max3A_952 = vector.broadcast %max3A_951 : f32 to vector<16xf32>
    %max3A_953 = arith.maximumf %mul3A_950, %max3A_952 : vector<16xf32>
    %min3A_954 = arith.constant 1.500000e+01 : f32
    %min3A_955 = vector.broadcast %min3A_954 : f32 to vector<16xf32>
    %min3A_956 = arith.minimumf %max3A_953, %min3A_955 : vector<16xf32>
    %mul3A_957 = arith.mulf %get3A_939, %get3A_942 : vector<16xf32>
    %lt3A_958 = arith.cmpf olt, %get3A_933, %mul3A_957 : vector<16xf32>
    %mul3A_959 = arith.constant 5.000000e-01 : f32
    %mul3A_960 = vector.broadcast %mul3A_959 : f32 to vector<16xf32>
    %mul3A_961 = arith.mulf %mul3A_960, %get3A_933 : vector<16xf32>
    %sub3A_962 = arith.subf %get3A_933, %mul3A_957 : vector<16xf32>
    %mul3A_963 = arith.constant 5.000000e-01 : f32
    %mul3A_964 = vector.broadcast %mul3A_963 : f32 to vector<16xf32>
    %mul3A_965 = arith.mulf %mul3A_964, %sub3A_962 : vector<16xf32>
    %select_n3A_966 = arith.select %lt3A_958, %mul3A_961, %mul3A_965 : vector<16xi1>, vector<16xf32>
    %max3A_967 = arith.constant 9.99999997E-7 : f32
    %max3A_968 = vector.broadcast %max3A_967 : f32 to vector<16xf32>
    %max3A_969 = arith.maximumf %mul3A_957, %max3A_968 : vector<16xf32>
    %sub3A_970 = arith.constant 1.000000e+00 : f32
    %sub3A_971 = vector.broadcast %sub3A_970 : f32 to vector<16xf32>
    %sub3A_972 = arith.subf %sub3A_971, %mul3A_957 : vector<16xf32>
    %max3A_973 = arith.constant 9.99999997E-7 : f32
    %max3A_974 = vector.broadcast %max3A_973 : f32 to vector<16xf32>
    %max3A_975 = arith.maximumf %sub3A_972, %max3A_974 : vector<16xf32>
    %select_n3A_976 = arith.select %lt3A_958, %max3A_969, %max3A_975 : vector<16xi1>, vector<16xf32>
    %jit3A_977 = arith.constant 0.000000e+00 : f32
    %jit3A_978 = arith.constant 5.000000e-01 : f32
    %broadcast_in_dim3A_979 = vector.broadcast %jit3A_977 : f32 to vector<16xf32>
    %broadcast_in_dim3A_980 = vector.broadcast %jit3A_978 : f32 to vector<16xf32>
    %select_n3A_981 = arith.select %lt3A_958, %broadcast_in_dim3A_979, %broadcast_in_dim3A_980 : vector<16xi1>, vector<16xf32>
    %div3A_982 = arith.divf %select_n3A_966, %select_n3A_976 : vector<16xf32>
    %add3A_983 = arith.addf %select_n3A_981, %div3A_982 : vector<16xf32>
    %mul3A_984 = arith.mulf %add3A_983, %min3A_956 : vector<16xf32>
    %max3A_985 = arith.constant 0.00999999977 : f32
    %max3A_986 = vector.broadcast %max3A_985 : f32 to vector<16xf32>
    %max3A_987 = arith.maximumf %mul3A_984, %max3A_986 : vector<16xf32>
    %sub3A_988 = arith.subf %min3A_956, %max3A_987 : vector<16xf32>
    %max3A_989 = arith.constant 0.00999999977 : f32
    %max3A_990 = vector.broadcast %max3A_989 : f32 to vector<16xf32>
    %max3A_991 = arith.maximumf %sub3A_988, %max3A_990 : vector<16xf32>
    %swap3A_992 = arith.constant 192 : index
    %swap3A_993 = tpu.vector_load %arg22[%swap3A_992] {strides = array<i32>} : memref<512xf32, #tpu.memory_space<vmem>>, vector<16xf32>,
    %swap3A_994 = vector.shape_cast %swap3A_993 : vector<16xf32> to vector<16xf32>
    %swap3A_995 = vector.shape_cast %add3A_983 : vector<16xf32> to vector<16xf32>
    tpu.vector_store %arg22[%swap3A_992], %swap3A_995 {strides = array<i32>} : memref<512xf32, #tpu.memory_space<vmem>>, vector<16xf32>,
    %swap3A_996 = arith.constant 192 : index
    %swap3A_997 = tpu.vector_load %arg23[%swap3A_996] {strides = array<i32>} : memref<512xf32, #tpu.memory_space<vmem>>, vector<16xf32>,
    %swap3A_998 = vector.shape_cast %swap3A_997 : vector<16xf32> to vector<16xf32>
    %swap3A_999 = vector.shape_cast %min3A_956 : vector<16xf32> to vector<16xf32>
    tpu.vector_store %arg23[%swap3A_996], %swap3A_999 {strides = array<i32>} : memref<512xf32, #tpu.memory_space<vmem>>, vector<16xf32>,
    %swap3A_1000 = arith.constant 192 : index
    %swap3A_1001 = tpu.vector_load %arg24[%swap3A_1000] {strides = array<i32>} : memref<512xf32, #tpu.memory_space<vmem>>, vector<16xf32>,
    %swap3A_1002 = vector.shape_cast %swap3A_1001 : vector<16xf32> to vector<16xf32>
    %swap3A_1003 = vector.shape_cast %max3A_987 : vector<16xf32> to vector<16xf32>
    tpu.vector_store %arg24[%swap3A_1000], %swap3A_1003 {strides = array<i32>} : memref<512xf32, #tpu.memory_space<vmem>>, vector<16xf32>,
    %swap3A_1004 = arith.constant 192 : index
    %swap3A_1005 = tpu.vector_load %arg25[%swap3A_1004] {strides = array<i32>} : memref<512xf32, #tpu.memory_space<vmem>>, vector<16xf32>,
    %swap3A_1006 = vector.shape_cast %swap3A_1005 : vector<16xf32> to vector<16xf32>
    %swap3A_1007 = vector.shape_cast %max3A_991 : vector<16xf32> to vector<16xf32>
    tpu.vector_store %arg25[%swap3A_1004], %swap3A_1007 {strides = array<i32>} : memref<512xf32, #tpu.memory_space<vmem>>, vector<16xf32>,
    %get3A_1008 = arith.constant 208 : index
    %get3A_1009 = tpu.vector_load %arg16[%get3A_1008] {strides = array<i32>} : memref<512xf32, #tpu.memory_space<vmem>>, vector<16xf32>,
    %get3A_1010 = vector.shape_cast %get3A_1009 : vector<16xf32> to vector<16xf32>
    %get3A_1011 = arith.constant 208 : index
    %get3A_1012 = tpu.vector_load %arg17[%get3A_1011] {strides = array<i32>} : memref<512xf32, #tpu.memory_space<vmem>>, vector<16xf32>,
    %get3A_1013 = vector.shape_cast %get3A_1012 : vector<16xf32> to vector<16xf32>
    %get3A_1014 = arith.constant 208 : index
    %get3A_1015 = tpu.vector_load %arg18[%get3A_1014] {strides = array<i32>} : memref<512xf32, #tpu.memory_space<vmem>>, vector<16xf32>,
    %get3A_1016 = vector.shape_cast %get3A_1015 : vector<16xf32> to vector<16xf32>
    %get3A_1017 = arith.constant 208 : index
    %get3A_1018 = tpu.vector_load %arg19[%get3A_1017] {strides = array<i32>} : memref<512xf32, #tpu.memory_space<vmem>>, vector<16xf32>,
    %get3A_1019 = vector.shape_cast %get3A_1018 : vector<16xf32> to vector<16xf32>
    %get3A_1020 = arith.constant 208 : index
    %get3A_1021 = tpu.vector_load %arg20[%get3A_1020] {strides = array<i32>} : memref<512xf32, #tpu.memory_space<vmem>>, vector<16xf32>,
    %get3A_1022 = vector.shape_cast %get3A_1021 : vector<16xf32> to vector<16xf32>
    %get3A_1023 = arith.constant 208 : index
    %get3A_1024 = tpu.vector_load %arg21[%get3A_1023] {strides = array<i32>} : memref<512xf32, #tpu.memory_space<vmem>>, vector<16xf32>,
    %get3A_1025 = vector.shape_cast %get3A_1024 : vector<16xf32> to vector<16xf32>
    %mul3A_1026 = arith.mulf %get3A_1022, %get3A_1025 : vector<16xf32>
    %mul3A_1027 = arith.mulf %get3A_1013, %mul3A_1026 : vector<16xf32>
    %max3A_1028 = arith.constant 9.99999997E-7 : f32
    %max3A_1029 = vector.broadcast %max3A_1028 : f32 to vector<16xf32>
    %max3A_1030 = arith.maximumf %mul3A_1027, %max3A_1029 : vector<16xf32>
    %min3A_1031 = arith.constant 1.500000e+01 : f32
    %min3A_1032 = vector.broadcast %min3A_1031 : f32 to vector<16xf32>
    %min3A_1033 = arith.minimumf %max3A_1030, %min3A_1032 : vector<16xf32>
    %mul3A_1034 = arith.mulf %get3A_1016, %get3A_1019 : vector<16xf32>
    %lt3A_1035 = arith.cmpf olt, %get3A_1010, %mul3A_1034 : vector<16xf32>
    %mul3A_1036 = arith.constant 5.000000e-01 : f32
    %mul3A_1037 = vector.broadcast %mul3A_1036 : f32 to vector<16xf32>
    %mul3A_1038 = arith.mulf %mul3A_1037, %get3A_1010 : vector<16xf32>
    %sub3A_1039 = arith.subf %get3A_1010, %mul3A_1034 : vector<16xf32>
    %mul3A_1040 = arith.constant 5.000000e-01 : f32
    %mul3A_1041 = vector.broadcast %mul3A_1040 : f32 to vector<16xf32>
    %mul3A_1042 = arith.mulf %mul3A_1041, %sub3A_1039 : vector<16xf32>
    %select_n3A_1043 = arith.select %lt3A_1035, %mul3A_1038, %mul3A_1042 : vector<16xi1>, vector<16xf32>
    %max3A_1044 = arith.constant 9.99999997E-7 : f32
    %max3A_1045 = vector.broadcast %max3A_1044 : f32 to vector<16xf32>
    %max3A_1046 = arith.maximumf %mul3A_1034, %max3A_1045 : vector<16xf32>
    %sub3A_1047 = arith.constant 1.000000e+00 : f32
    %sub3A_1048 = vector.broadcast %sub3A_1047 : f32 to vector<16xf32>
    %sub3A_1049 = arith.subf %sub3A_1048, %mul3A_1034 : vector<16xf32>
    %max3A_1050 = arith.constant 9.99999997E-7 : f32
    %max3A_1051 = vector.broadcast %max3A_1050 : f32 to vector<16xf32>
    %max3A_1052 = arith.maximumf %sub3A_1049, %max3A_1051 : vector<16xf32>
    %select_n3A_1053 = arith.select %lt3A_1035, %max3A_1046, %max3A_1052 : vector<16xi1>, vector<16xf32>
    %jit3A_1054 = arith.constant 0.000000e+00 : f32
    %jit3A_1055 = arith.constant 5.000000e-01 : f32
    %broadcast_in_dim3A_1056 = vector.broadcast %jit3A_1054 : f32 to vector<16xf32>
    %broadcast_in_dim3A_1057 = vector.broadcast %jit3A_1055 : f32 to vector<16xf32>
    %select_n3A_1058 = arith.select %lt3A_1035, %broadcast_in_dim3A_1056, %broadcast_in_dim3A_1057 : vector<16xi1>, vector<16xf32>
    %div3A_1059 = arith.divf %select_n3A_1043, %select_n3A_1053 : vector<16xf32>
    %add3A_1060 = arith.addf %select_n3A_1058, %div3A_1059 : vector<16xf32>
    %mul3A_1061 = arith.mulf %add3A_1060, %min3A_1033 : vector<16xf32>
    %max3A_1062 = arith.constant 0.00999999977 : f32
    %max3A_1063 = vector.broadcast %max3A_1062 : f32 to vector<16xf32>
    %max3A_1064 = arith.maximumf %mul3A_1061, %max3A_1063 : vector<16xf32>
    %sub3A_1065 = arith.subf %min3A_1033, %max3A_1064 : vector<16xf32>
    %max3A_1066 = arith.constant 0.00999999977 : f32
    %max3A_1067 = vector.broadcast %max3A_1066 : f32 to vector<16xf32>
    %max3A_1068 = arith.maximumf %sub3A_1065, %max3A_1067 : vector<16xf32>
    %swap3A_1069 = arith.constant 208 : index
    %swap3A_1070 = tpu.vector_load %arg22[%swap3A_1069] {strides = array<i32>} : memref<512xf32, #tpu.memory_space<vmem>>, vector<16xf32>,
    %swap3A_1071 = vector.shape_cast %swap3A_1070 : vector<16xf32> to vector<16xf32>
    %swap3A_1072 = vector.shape_cast %add3A_1060 : vector<16xf32> to vector<16xf32>
    tpu.vector_store %arg22[%swap3A_1069], %swap3A_1072 {strides = array<i32>} : memref<512xf32, #tpu.memory_space<vmem>>, vector<16xf32>,
    %swap3A_1073 = arith.constant 208 : index
    %swap3A_1074 = tpu.vector_load %arg23[%swap3A_1073] {strides = array<i32>} : memref<512xf32, #tpu.memory_space<vmem>>, vector<16xf32>,
    %swap3A_1075 = vector.shape_cast %swap3A_1074 : vector<16xf32> to vector<16xf32>
    %swap3A_1076 = vector.shape_cast %min3A_1033 : vector<16xf32> to vector<16xf32>
    tpu.vector_store %arg23[%swap3A_1073], %swap3A_1076 {strides = array<i32>} : memref<512xf32, #tpu.memory_space<vmem>>, vector<16xf32>,
    %swap3A_1077 = arith.constant 208 : index
    %swap3A_1078 = tpu.vector_load %arg24[%swap3A_1077] {strides = array<i32>} : memref<512xf32, #tpu.memory_space<vmem>>, vector<16xf32>,
    %swap3A_1079 = vector.shape_cast %swap3A_1078 : vector<16xf32> to vector<16xf32>
    %swap3A_1080 = vector.shape_cast %max3A_1064 : vector<16xf32> to vector<16xf32>
    tpu.vector_store %arg24[%swap3A_1077], %swap3A_1080 {strides = array<i32>} : memref<512xf32, #tpu.memory_space<vmem>>, vector<16xf32>,
    %swap3A_1081 = arith.constant 208 : index
    %swap3A_1082 = tpu.vector_load %arg25[%swap3A_1081] {strides = array<i32>} : memref<512xf32, #tpu.memory_space<vmem>>, vector<16xf32>,
    %swap3A_1083 = vector.shape_cast %swap3A_1082 : vector<16xf32> to vector<16xf32>
    %swap3A_1084 = vector.shape_cast %max3A_1068 : vector<16xf32> to vector<16xf32>
    tpu.vector_store %arg25[%swap3A_1081], %swap3A_1084 {strides = array<i32>} : memref<512xf32, #tpu.memory_space<vmem>>, vector<16xf32>,
    %get3A_1085 = arith.constant 224 : index
    %get3A_1086 = tpu.vector_load %arg16[%get3A_1085] {strides = array<i32>} : memref<512xf32, #tpu.memory_space<vmem>>, vector<16xf32>,
    %get3A_1087 = vector.shape_cast %get3A_1086 : vector<16xf32> to vector<16xf32>
    %get3A_1088 = arith.constant 224 : index
    %get3A_1089 = tpu.vector_load %arg17[%get3A_1088] {strides = array<i32>} : memref<512xf32, #tpu.memory_space<vmem>>, vector<16xf32>,
    %get3A_1090 = vector.shape_cast %get3A_1089 : vector<16xf32> to vector<16xf32>
    %get3A_1091 = arith.constant 224 : index
    %get3A_1092 = tpu.vector_load %arg18[%get3A_1091] {strides = array<i32>} : memref<512xf32, #tpu.memory_space<vmem>>, vector<16xf32>,
    %get3A_1093 = vector.shape_cast %get3A_1092 : vector<16xf32> to vector<16xf32>
    %get3A_1094 = arith.constant 224 : index
    %get3A_1095 = tpu.vector_load %arg19[%get3A_1094] {strides = array<i32>} : memref<512xf32, #tpu.memory_space<vmem>>, vector<16xf32>,
    %get3A_1096 = vector.shape_cast %get3A_1095 : vector<16xf32> to vector<16xf32>
    %get3A_1097 = arith.constant 224 : index
    %get3A_1098 = tpu.vector_load %arg20[%get3A_1097] {strides = array<i32>} : memref<512xf32, #tpu.memory_space<vmem>>, vector<16xf32>,
    %get3A_1099 = vector.shape_cast %get3A_1098 : vector<16xf32> to vector<16xf32>
    %get3A_1100 = arith.constant 224 : index
    %get3A_1101 = tpu.vector_load %arg21[%get3A_1100] {strides = array<i32>} : memref<512xf32, #tpu.memory_space<vmem>>, vector<16xf32>,
    %get3A_1102 = vector.shape_cast %get3A_1101 : vector<16xf32> to vector<16xf32>
    %mul3A_1103 = arith.mulf %get3A_1099, %get3A_1102 : vector<16xf32>
    %mul3A_1104 = arith.mulf %get3A_1090, %mul3A_1103 : vector<16xf32>
    %max3A_1105 = arith.constant 9.99999997E-7 : f32
    %max3A_1106 = vector.broadcast %max3A_1105 : f32 to vector<16xf32>
    %max3A_1107 = arith.maximumf %mul3A_1104, %max3A_1106 : vector<16xf32>
    %min3A_1108 = arith.constant 1.500000e+01 : f32
    %min3A_1109 = vector.broadcast %min3A_1108 : f32 to vector<16xf32>
    %min3A_1110 = arith.minimumf %max3A_1107, %min3A_1109 : vector<16xf32>
    %mul3A_1111 = arith.mulf %get3A_1093, %get3A_1096 : vector<16xf32>
    %lt3A_1112 = arith.cmpf olt, %get3A_1087, %mul3A_1111 : vector<16xf32>
    %mul3A_1113 = arith.constant 5.000000e-01 : f32
    %mul3A_1114 = vector.broadcast %mul3A_1113 : f32 to vector<16xf32>
    %mul3A_1115 = arith.mulf %mul3A_1114, %get3A_1087 : vector<16xf32>
    %sub3A_1116 = arith.subf %get3A_1087, %mul3A_1111 : vector<16xf32>
    %mul3A_1117 = arith.constant 5.000000e-01 : f32
    %mul3A_1118 = vector.broadcast %mul3A_1117 : f32 to vector<16xf32>
    %mul3A_1119 = arith.mulf %mul3A_1118, %sub3A_1116 : vector<16xf32>
    %select_n3A_1120 = arith.select %lt3A_1112, %mul3A_1115, %mul3A_1119 : vector<16xi1>, vector<16xf32>
    %max3A_1121 = arith.constant 9.99999997E-7 : f32
    %max3A_1122 = vector.broadcast %max3A_1121 : f32 to vector<16xf32>
    %max3A_1123 = arith.maximumf %mul3A_1111, %max3A_1122 : vector<16xf32>
    %sub3A_1124 = arith.constant 1.000000e+00 : f32
    %sub3A_1125 = vector.broadcast %sub3A_1124 : f32 to vector<16xf32>
    %sub3A_1126 = arith.subf %sub3A_1125, %mul3A_1111 : vector<16xf32>
    %max3A_1127 = arith.constant 9.99999997E-7 : f32
    %max3A_1128 = vector.broadcast %max3A_1127 : f32 to vector<16xf32>
    %max3A_1129 = arith.maximumf %sub3A_1126, %max3A_1128 : vector<16xf32>
    %select_n3A_1130 = arith.select %lt3A_1112, %max3A_1123, %max3A_1129 : vector<16xi1>, vector<16xf32>
    %jit3A_1131 = arith.constant 0.000000e+00 : f32
    %jit3A_1132 = arith.constant 5.000000e-01 : f32
    %broadcast_in_dim3A_1133 = vector.broadcast %jit3A_1131 : f32 to vector<16xf32>
    %broadcast_in_dim3A_1134 = vector.broadcast %jit3A_1132 : f32 to vector<16xf32>
    %select_n3A_1135 = arith.select %lt3A_1112, %broadcast_in_dim3A_1133, %broadcast_in_dim3A_1134 : vector<16xi1>, vector<16xf32>
    %div3A_1136 = arith.divf %select_n3A_1120, %select_n3A_1130 : vector<16xf32>
    %add3A_1137 = arith.addf %select_n3A_1135, %div3A_1136 : vector<16xf32>
    %mul3A_1138 = arith.mulf %add3A_1137, %min3A_1110 : vector<16xf32>
    %max3A_1139 = arith.constant 0.00999999977 : f32
    %max3A_1140 = vector.broadcast %max3A_1139 : f32 to vector<16xf32>
    %max3A_1141 = arith.maximumf %mul3A_1138, %max3A_1140 : vector<16xf32>
    %sub3A_1142 = arith.subf %min3A_1110, %max3A_1141 : vector<16xf32>
    %max3A_1143 = arith.constant 0.00999999977 : f32
    %max3A_1144 = vector.broadcast %max3A_1143 : f32 to vector<16xf32>
    %max3A_1145 = arith.maximumf %sub3A_1142, %max3A_1144 : vector<16xf32>
    %swap3A_1146 = arith.constant 224 : index
    %swap3A_1147 = tpu.vector_load %arg22[%swap3A_1146] {strides = array<i32>} : memref<512xf32, #tpu.memory_space<vmem>>, vector<16xf32>,
    %swap3A_1148 = vector.shape_cast %swap3A_1147 : vector<16xf32> to vector<16xf32>
    %swap3A_1149 = vector.shape_cast %add3A_1137 : vector<16xf32> to vector<16xf32>
    tpu.vector_store %arg22[%swap3A_1146], %swap3A_1149 {strides = array<i32>} : memref<512xf32, #tpu.memory_space<vmem>>, vector<16xf32>,
    %swap3A_1150 = arith.constant 224 : index
    %swap3A_1151 = tpu.vector_load %arg23[%swap3A_1150] {strides = array<i32>} : memref<512xf32, #tpu.memory_space<vmem>>, vector<16xf32>,
    %swap3A_1152 = vector.shape_cast %swap3A_1151 : vector<16xf32> to vector<16xf32>
    %swap3A_1153 = vector.shape_cast %min3A_1110 : vector<16xf32> to vector<16xf32>
    tpu.vector_store %arg23[%swap3A_1150], %swap3A_1153 {strides = array<i32>} : memref<512xf32, #tpu.memory_space<vmem>>, vector<16xf32>,
    %swap3A_1154 = arith.constant 224 : index
    %swap3A_1155 = tpu.vector_load %arg24[%swap3A_1154] {strides = array<i32>} : memref<512xf32, #tpu.memory_space<vmem>>, vector<16xf32>,
    %swap3A_1156 = vector.shape_cast %swap3A_1155 : vector<16xf32> to vector<16xf32>
    %swap3A_1157 = vector.shape_cast %max3A_1141 : vector<16xf32> to vector<16xf32>
    tpu.vector_store %arg24[%swap3A_1154], %swap3A_1157 {strides = array<i32>} : memref<512xf32, #tpu.memory_space<vmem>>, vector<16xf32>,
    %swap3A_1158 = arith.constant 224 : index
    %swap3A_1159 = tpu.vector_load %arg25[%swap3A_1158] {strides = array<i32>} : memref<512xf32, #tpu.memory_space<vmem>>, vector<16xf32>,
    %swap3A_1160 = vector.shape_cast %swap3A_1159 : vector<16xf32> to vector<16xf32>
    %swap3A_1161 = vector.shape_cast %max3A_1145 : vector<16xf32> to vector<16xf32>
    tpu.vector_store %arg25[%swap3A_1158], %swap3A_1161 {strides = array<i32>} : memref<512xf32, #tpu.memory_space<vmem>>, vector<16xf32>,
    %get3A_1162 = arith.constant 240 : index
    %get3A_1163 = tpu.vector_load %arg16[%get3A_1162] {strides = array<i32>} : memref<512xf32, #tpu.memory_space<vmem>>, vector<16xf32>,
    %get3A_1164 = vector.shape_cast %get3A_1163 : vector<16xf32> to vector<16xf32>
    %get3A_1165 = arith.constant 240 : index
    %get3A_1166 = tpu.vector_load %arg17[%get3A_1165] {strides = array<i32>} : memref<512xf32, #tpu.memory_space<vmem>>, vector<16xf32>,
    %get3A_1167 = vector.shape_cast %get3A_1166 : vector<16xf32> to vector<16xf32>
    %get3A_1168 = arith.constant 240 : index
    %get3A_1169 = tpu.vector_load %arg18[%get3A_1168] {strides = array<i32>} : memref<512xf32, #tpu.memory_space<vmem>>, vector<16xf32>,
    %get3A_1170 = vector.shape_cast %get3A_1169 : vector<16xf32> to vector<16xf32>
    %get3A_1171 = arith.constant 240 : index
    %get3A_1172 = tpu.vector_load %arg19[%get3A_1171] {strides = array<i32>} : memref<512xf32, #tpu.memory_space<vmem>>, vector<16xf32>,
    %get3A_1173 = vector.shape_cast %get3A_1172 : vector<16xf32> to vector<16xf32>
    %get3A_1174 = arith.constant 240 : index
    %get3A_1175 = tpu.vector_load %arg20[%get3A_1174] {strides = array<i32>} : memref<512xf32, #tpu.memory_space<vmem>>, vector<16xf32>,
    %get3A_1176 = vector.shape_cast %get3A_1175 : vector<16xf32> to vector<16xf32>
    %get3A_1177 = arith.constant 240 : index
    %get3A_1178 = tpu.vector_load %arg21[%get3A_1177] {strides = array<i32>} : memref<512xf32, #tpu.memory_space<vmem>>, vector<16xf32>,
    %get3A_1179 = vector.shape_cast %get3A_1178 : vector<16xf32> to vector<16xf32>
    %mul3A_1180 = arith.mulf %get3A_1176, %get3A_1179 : vector<16xf32>
    %mul3A_1181 = arith.mulf %get3A_1167, %mul3A_1180 : vector<16xf32>
    %max3A_1182 = arith.constant 9.99999997E-7 : f32
    %max3A_1183 = vector.broadcast %max3A_1182 : f32 to vector<16xf32>
    %max3A_1184 = arith.maximumf %mul3A_1181, %max3A_1183 : vector<16xf32>
    %min3A_1185 = arith.constant 1.500000e+01 : f32
    %min3A_1186 = vector.broadcast %min3A_1185 : f32 to vector<16xf32>
    %min3A_1187 = arith.minimumf %max3A_1184, %min3A_1186 : vector<16xf32>
    %mul3A_1188 = arith.mulf %get3A_1170, %get3A_1173 : vector<16xf32>
    %lt3A_1189 = arith.cmpf olt, %get3A_1164, %mul3A_1188 : vector<16xf32>
    %mul3A_1190 = arith.constant 5.000000e-01 : f32
    %mul3A_1191 = vector.broadcast %mul3A_1190 : f32 to vector<16xf32>
    %mul3A_1192 = arith.mulf %mul3A_1191, %get3A_1164 : vector<16xf32>
    %sub3A_1193 = arith.subf %get3A_1164, %mul3A_1188 : vector<16xf32>
    %mul3A_1194 = arith.constant 5.000000e-01 : f32
    %mul3A_1195 = vector.broadcast %mul3A_1194 : f32 to vector<16xf32>
    %mul3A_1196 = arith.mulf %mul3A_1195, %sub3A_1193 : vector<16xf32>
    %select_n3A_1197 = arith.select %lt3A_1189, %mul3A_1192, %mul3A_1196 : vector<16xi1>, vector<16xf32>
    %max3A_1198 = arith.constant 9.99999997E-7 : f32
    %max3A_1199 = vector.broadcast %max3A_1198 : f32 to vector<16xf32>
    %max3A_1200 = arith.maximumf %mul3A_1188, %max3A_1199 : vector<16xf32>
    %sub3A_1201 = arith.constant 1.000000e+00 : f32
    %sub3A_1202 = vector.broadcast %sub3A_1201 : f32 to vector<16xf32>
    %sub3A_1203 = arith.subf %sub3A_1202, %mul3A_1188 : vector<16xf32>
    %max3A_1204 = arith.constant 9.99999997E-7 : f32
    %max3A_1205 = vector.broadcast %max3A_1204 : f32 to vector<16xf32>
    %max3A_1206 = arith.maximumf %sub3A_1203, %max3A_1205 : vector<16xf32>
    %select_n3A_1207 = arith.select %lt3A_1189, %max3A_1200, %max3A_1206 : vector<16xi1>, vector<16xf32>
    %jit3A_1208 = arith.constant 0.000000e+00 : f32
    %jit3A_1209 = arith.constant 5.000000e-01 : f32
    %broadcast_in_dim3A_1210 = vector.broadcast %jit3A_1208 : f32 to vector<16xf32>
    %broadcast_in_dim3A_1211 = vector.broadcast %jit3A_1209 : f32 to vector<16xf32>
    %select_n3A_1212 = arith.select %lt3A_1189, %broadcast_in_dim3A_1210, %broadcast_in_dim3A_1211 : vector<16xi1>, vector<16xf32>
    %div3A_1213 = arith.divf %select_n3A_1197, %select_n3A_1207 : vector<16xf32>
    %add3A_1214 = arith.addf %select_n3A_1212, %div3A_1213 : vector<16xf32>
    %mul3A_1215 = arith.mulf %add3A_1214, %min3A_1187 : vector<16xf32>
    %max3A_1216 = arith.constant 0.00999999977 : f32
    %max3A_1217 = vector.broadcast %max3A_1216 : f32 to vector<16xf32>
    %max3A_1218 = arith.maximumf %mul3A_1215, %max3A_1217 : vector<16xf32>
    %sub3A_1219 = arith.subf %min3A_1187, %max3A_1218 : vector<16xf32>
    %max3A_1220 = arith.constant 0.00999999977 : f32
    %max3A_1221 = vector.broadcast %max3A_1220 : f32 to vector<16xf32>
    %max3A_1222 = arith.maximumf %sub3A_1219, %max3A_1221 : vector<16xf32>
    %swap3A_1223 = arith.constant 240 : index
    %swap3A_1224 = tpu.vector_load %arg22[%swap3A_1223] {strides = array<i32>} : memref<512xf32, #tpu.memory_space<vmem>>, vector<16xf32>,
    %swap3A_1225 = vector.shape_cast %swap3A_1224 : vector<16xf32> to vector<16xf32>
    %swap3A_1226 = vector.shape_cast %add3A_1214 : vector<16xf32> to vector<16xf32>
    tpu.vector_store %arg22[%swap3A_1223], %swap3A_1226 {strides = array<i32>} : memref<512xf32, #tpu.memory_space<vmem>>, vector<16xf32>,
    %swap3A_1227 = arith.constant 240 : index
    %swap3A_1228 = tpu.vector_load %arg23[%swap3A_1227] {strides = array<i32>} : memref<512xf32, #tpu.memory_space<vmem>>, vector<16xf32>,
    %swap3A_1229 = vector.shape_cast %swap3A_1228 : vector<16xf32> to vector<16xf32>
    %swap3A_1230 = vector.shape_cast %min3A_1187 : vector<16xf32> to vector<16xf32>
    tpu.vector_store %arg23[%swap3A_1227], %swap3A_1230 {strides = array<i32>} : memref<512xf32, #tpu.memory_space<vmem>>, vector<16xf32>,
    %swap3A_1231 = arith.constant 240 : index
    %swap3A_1232 = tpu.vector_load %arg24[%swap3A_1231] {strides = array<i32>} : memref<512xf32, #tpu.memory_space<vmem>>, vector<16xf32>,
    %swap3A_1233 = vector.shape_cast %swap3A_1232 : vector<16xf32> to vector<16xf32>
    %swap3A_1234 = vector.shape_cast %max3A_1218 : vector<16xf32> to vector<16xf32>
    tpu.vector_store %arg24[%swap3A_1231], %swap3A_1234 {strides = array<i32>} : memref<512xf32, #tpu.memory_space<vmem>>, vector<16xf32>,
    %swap3A_1235 = arith.constant 240 : index
    %swap3A_1236 = tpu.vector_load %arg25[%swap3A_1235] {strides = array<i32>} : memref<512xf32, #tpu.memory_space<vmem>>, vector<16xf32>,
    %swap3A_1237 = vector.shape_cast %swap3A_1236 : vector<16xf32> to vector<16xf32>
    %swap3A_1238 = vector.shape_cast %max3A_1222 : vector<16xf32> to vector<16xf32>
    tpu.vector_store %arg25[%swap3A_1235], %swap3A_1238 {strides = array<i32>} : memref<512xf32, #tpu.memory_space<vmem>>, vector<16xf32>,
    %get3A_1239 = arith.constant 256 : index
    %get3A_1240 = tpu.vector_load %arg16[%get3A_1239] {strides = array<i32>} : memref<512xf32, #tpu.memory_space<vmem>>, vector<16xf32>,
    %get3A_1241 = vector.shape_cast %get3A_1240 : vector<16xf32> to vector<16xf32>
    %get3A_1242 = arith.constant 256 : index
    %get3A_1243 = tpu.vector_load %arg17[%get3A_1242] {strides = array<i32>} : memref<512xf32, #tpu.memory_space<vmem>>, vector<16xf32>,
    %get3A_1244 = vector.shape_cast %get3A_1243 : vector<16xf32> to vector<16xf32>
    %get3A_1245 = arith.constant 256 : index
    %get3A_1246 = tpu.vector_load %arg18[%get3A_1245] {strides = array<i32>} : memref<512xf32, #tpu.memory_space<vmem>>, vector<16xf32>,
    %get3A_1247 = vector.shape_cast %get3A_1246 : vector<16xf32> to vector<16xf32>
    %get3A_1248 = arith.constant 256 : index
    %get3A_1249 = tpu.vector_load %arg19[%get3A_1248] {strides = array<i32>} : memref<512xf32, #tpu.memory_space<vmem>>, vector<16xf32>,
    %get3A_1250 = vector.shape_cast %get3A_1249 : vector<16xf32> to vector<16xf32>
    %get3A_1251 = arith.constant 256 : index
    %get3A_1252 = tpu.vector_load %arg20[%get3A_1251] {strides = array<i32>} : memref<512xf32, #tpu.memory_space<vmem>>, vector<16xf32>,
    %get3A_1253 = vector.shape_cast %get3A_1252 : vector<16xf32> to vector<16xf32>
    %get3A_1254 = arith.constant 256 : index
    %get3A_1255 = tpu.vector_load %arg21[%get3A_1254] {strides = array<i32>} : memref<512xf32, #tpu.memory_space<vmem>>, vector<16xf32>,
    %get3A_1256 = vector.shape_cast %get3A_1255 : vector<16xf32> to vector<16xf32>
    %mul3A_1257 = arith.mulf %get3A_1253, %get3A_1256 : vector<16xf32>
    %mul3A_1258 = arith.mulf %get3A_1244, %mul3A_1257 : vector<16xf32>
    %max3A_1259 = arith.constant 9.99999997E-7 : f32
    %max3A_1260 = vector.broadcast %max3A_1259 : f32 to vector<16xf32>
    %max3A_1261 = arith.maximumf %mul3A_1258, %max3A_1260 : vector<16xf32>
    %min3A_1262 = arith.constant 1.500000e+01 : f32
    %min3A_1263 = vector.broadcast %min3A_1262 : f32 to vector<16xf32>
    %min3A_1264 = arith.minimumf %max3A_1261, %min3A_1263 : vector<16xf32>
    %mul3A_1265 = arith.mulf %get3A_1247, %get3A_1250 : vector<16xf32>
    %lt3A_1266 = arith.cmpf olt, %get3A_1241, %mul3A_1265 : vector<16xf32>
    %mul3A_1267 = arith.constant 5.000000e-01 : f32
    %mul3A_1268 = vector.broadcast %mul3A_1267 : f32 to vector<16xf32>
    %mul3A_1269 = arith.mulf %mul3A_1268, %get3A_1241 : vector<16xf32>
    %sub3A_1270 = arith.subf %get3A_1241, %mul3A_1265 : vector<16xf32>
    %mul3A_1271 = arith.constant 5.000000e-01 : f32
    %mul3A_1272 = vector.broadcast %mul3A_1271 : f32 to vector<16xf32>
    %mul3A_1273 = arith.mulf %mul3A_1272, %sub3A_1270 : vector<16xf32>
    %select_n3A_1274 = arith.select %lt3A_1266, %mul3A_1269, %mul3A_1273 : vector<16xi1>, vector<16xf32>
    %max3A_1275 = arith.constant 9.99999997E-7 : f32
    %max3A_1276 = vector.broadcast %max3A_1275 : f32 to vector<16xf32>
    %max3A_1277 = arith.maximumf %mul3A_1265, %max3A_1276 : vector<16xf32>
    %sub3A_1278 = arith.constant 1.000000e+00 : f32
    %sub3A_1279 = vector.broadcast %sub3A_1278 : f32 to vector<16xf32>
    %sub3A_1280 = arith.subf %sub3A_1279, %mul3A_1265 : vector<16xf32>
    %max3A_1281 = arith.constant 9.99999997E-7 : f32
    %max3A_1282 = vector.broadcast %max3A_1281 : f32 to vector<16xf32>
    %max3A_1283 = arith.maximumf %sub3A_1280, %max3A_1282 : vector<16xf32>
    %select_n3A_1284 = arith.select %lt3A_1266, %max3A_1277, %max3A_1283 : vector<16xi1>, vector<16xf32>
    %jit3A_1285 = arith.constant 0.000000e+00 : f32
    %jit3A_1286 = arith.constant 5.000000e-01 : f32
    %broadcast_in_dim3A_1287 = vector.broadcast %jit3A_1285 : f32 to vector<16xf32>
    %broadcast_in_dim3A_1288 = vector.broadcast %jit3A_1286 : f32 to vector<16xf32>
    %select_n3A_1289 = arith.select %lt3A_1266, %broadcast_in_dim3A_1287, %broadcast_in_dim3A_1288 : vector<16xi1>, vector<16xf32>
    %div3A_1290 = arith.divf %select_n3A_1274, %select_n3A_1284 : vector<16xf32>
    %add3A_1291 = arith.addf %select_n3A_1289, %div3A_1290 : vector<16xf32>
    %mul3A_1292 = arith.mulf %add3A_1291, %min3A_1264 : vector<16xf32>
    %max3A_1293 = arith.constant 0.00999999977 : f32
    %max3A_1294 = vector.broadcast %max3A_1293 : f32 to vector<16xf32>
    %max3A_1295 = arith.maximumf %mul3A_1292, %max3A_1294 : vector<16xf32>
    %sub3A_1296 = arith.subf %min3A_1264, %max3A_1295 : vector<16xf32>
    %max3A_1297 = arith.constant 0.00999999977 : f32
    %max3A_1298 = vector.broadcast %max3A_1297 : f32 to vector<16xf32>
    %max3A_1299 = arith.maximumf %sub3A_1296, %max3A_1298 : vector<16xf32>
    %swap3A_1300 = arith.constant 256 : index
    %swap3A_1301 = tpu.vector_load %arg22[%swap3A_1300] {strides = array<i32>} : memref<512xf32, #tpu.memory_space<vmem>>, vector<16xf32>,
    %swap3A_1302 = vector.shape_cast %swap3A_1301 : vector<16xf32> to vector<16xf32>
    %swap3A_1303 = vector.shape_cast %add3A_1291 : vector<16xf32> to vector<16xf32>
    tpu.vector_store %arg22[%swap3A_1300], %swap3A_1303 {strides = array<i32>} : memref<512xf32, #tpu.memory_space<vmem>>, vector<16xf32>,
    %swap3A_1304 = arith.constant 256 : index
    %swap3A_1305 = tpu.vector_load %arg23[%swap3A_1304] {strides = array<i32>} : memref<512xf32, #tpu.memory_space<vmem>>, vector<16xf32>,
    %swap3A_1306 = vector.shape_cast %swap3A_1305 : vector<16xf32> to vector<16xf32>
    %swap3A_1307 = vector.shape_cast %min3A_1264 : vector<16xf32> to vector<16xf32>
    tpu.vector_store %arg23[%swap3A_1304], %swap3A_1307 {strides = array<i32>} : memref<512xf32, #tpu.memory_space<vmem>>, vector<16xf32>,
    %swap3A_1308 = arith.constant 256 : index
    %swap3A_1309 = tpu.vector_load %arg24[%swap3A_1308] {strides = array<i32>} : memref<512xf32, #tpu.memory_space<vmem>>, vector<16xf32>,
    %swap3A_1310 = vector.shape_cast %swap3A_1309 : vector<16xf32> to vector<16xf32>
    %swap3A_1311 = vector.shape_cast %max3A_1295 : vector<16xf32> to vector<16xf32>
    tpu.vector_store %arg24[%swap3A_1308], %swap3A_1311 {strides = array<i32>} : memref<512xf32, #tpu.memory_space<vmem>>, vector<16xf32>,
    %swap3A_1312 = arith.constant 256 : index
    %swap3A_1313 = tpu.vector_load %arg25[%swap3A_1312] {strides = array<i32>} : memref<512xf32, #tpu.memory_space<vmem>>, vector<16xf32>,
    %swap3A_1314 = vector.shape_cast %swap3A_1313 : vector<16xf32> to vector<16xf32>
    %swap3A_1315 = vector.shape_cast %max3A_1299 : vector<16xf32> to vector<16xf32>
    tpu.vector_store %arg25[%swap3A_1312], %swap3A_1315 {strides = array<i32>} : memref<512xf32, #tpu.memory_space<vmem>>, vector<16xf32>,
    %get3A_1316 = arith.constant 272 : index
    %get3A_1317 = tpu.vector_load %arg16[%get3A_1316] {strides = array<i32>} : memref<512xf32, #tpu.memory_space<vmem>>, vector<16xf32>,
    %get3A_1318 = vector.shape_cast %get3A_1317 : vector<16xf32> to vector<16xf32>
    %get3A_1319 = arith.constant 272 : index
    %get3A_1320 = tpu.vector_load %arg17[%get3A_1319] {strides = array<i32>} : memref<512xf32, #tpu.memory_space<vmem>>, vector<16xf32>,
    %get3A_1321 = vector.shape_cast %get3A_1320 : vector<16xf32> to vector<16xf32>
    %get3A_1322 = arith.constant 272 : index
    %get3A_1323 = tpu.vector_load %arg18[%get3A_1322] {strides = array<i32>} : memref<512xf32, #tpu.memory_space<vmem>>, vector<16xf32>,
    %get3A_1324 = vector.shape_cast %get3A_1323 : vector<16xf32> to vector<16xf32>
    %get3A_1325 = arith.constant 272 : index
    %get3A_1326 = tpu.vector_load %arg19[%get3A_1325] {strides = array<i32>} : memref<512xf32, #tpu.memory_space<vmem>>, vector<16xf32>,
    %get3A_1327 = vector.shape_cast %get3A_1326 : vector<16xf32> to vector<16xf32>
    %get3A_1328 = arith.constant 272 : index
    %get3A_1329 = tpu.vector_load %arg20[%get3A_1328] {strides = array<i32>} : memref<512xf32, #tpu.memory_space<vmem>>, vector<16xf32>,
    %get3A_1330 = vector.shape_cast %get3A_1329 : vector<16xf32> to vector<16xf32>
    %get3A_1331 = arith.constant 272 : index
    %get3A_1332 = tpu.vector_load %arg21[%get3A_1331] {strides = array<i32>} : memref<512xf32, #tpu.memory_space<vmem>>, vector<16xf32>,
    %get3A_1333 = vector.shape_cast %get3A_1332 : vector<16xf32> to vector<16xf32>
    %mul3A_1334 = arith.mulf %get3A_1330, %get3A_1333 : vector<16xf32>
    %mul3A_1335 = arith.mulf %get3A_1321, %mul3A_1334 : vector<16xf32>
    %max3A_1336 = arith.constant 9.99999997E-7 : f32
    %max3A_1337 = vector.broadcast %max3A_1336 : f32 to vector<16xf32>
    %max3A_1338 = arith.maximumf %mul3A_1335, %max3A_1337 : vector<16xf32>
    %min3A_1339 = arith.constant 1.500000e+01 : f32
    %min3A_1340 = vector.broadcast %min3A_1339 : f32 to vector<16xf32>
    %min3A_1341 = arith.minimumf %max3A_1338, %min3A_1340 : vector<16xf32>
    %mul3A_1342 = arith.mulf %get3A_1324, %get3A_1327 : vector<16xf32>
    %lt3A_1343 = arith.cmpf olt, %get3A_1318, %mul3A_1342 : vector<16xf32>
    %mul3A_1344 = arith.constant 5.000000e-01 : f32
    %mul3A_1345 = vector.broadcast %mul3A_1344 : f32 to vector<16xf32>
    %mul3A_1346 = arith.mulf %mul3A_1345, %get3A_1318 : vector<16xf32>
    %sub3A_1347 = arith.subf %get3A_1318, %mul3A_1342 : vector<16xf32>
    %mul3A_1348 = arith.constant 5.000000e-01 : f32
    %mul3A_1349 = vector.broadcast %mul3A_1348 : f32 to vector<16xf32>
    %mul3A_1350 = arith.mulf %mul3A_1349, %sub3A_1347 : vector<16xf32>
    %select_n3A_1351 = arith.select %lt3A_1343, %mul3A_1346, %mul3A_1350 : vector<16xi1>, vector<16xf32>
    %max3A_1352 = arith.constant 9.99999997E-7 : f32
    %max3A_1353 = vector.broadcast %max3A_1352 : f32 to vector<16xf32>
    %max3A_1354 = arith.maximumf %mul3A_1342, %max3A_1353 : vector<16xf32>
    %sub3A_1355 = arith.constant 1.000000e+00 : f32
    %sub3A_1356 = vector.broadcast %sub3A_1355 : f32 to vector<16xf32>
    %sub3A_1357 = arith.subf %sub3A_1356, %mul3A_1342 : vector<16xf32>
    %max3A_1358 = arith.constant 9.99999997E-7 : f32
    %max3A_1359 = vector.broadcast %max3A_1358 : f32 to vector<16xf32>
    %max3A_1360 = arith.maximumf %sub3A_1357, %max3A_1359 : vector<16xf32>
    %select_n3A_1361 = arith.select %lt3A_1343, %max3A_1354, %max3A_1360 : vector<16xi1>, vector<16xf32>
    %jit3A_1362 = arith.constant 0.000000e+00 : f32
    %jit3A_1363 = arith.constant 5.000000e-01 : f32
    %broadcast_in_dim3A_1364 = vector.broadcast %jit3A_1362 : f32 to vector<16xf32>
    %broadcast_in_dim3A_1365 = vector.broadcast %jit3A_1363 : f32 to vector<16xf32>
    %select_n3A_1366 = arith.select %lt3A_1343, %broadcast_in_dim3A_1364, %broadcast_in_dim3A_1365 : vector<16xi1>, vector<16xf32>
    %div3A_1367 = arith.divf %select_n3A_1351, %select_n3A_1361 : vector<16xf32>
    %add3A_1368 = arith.addf %select_n3A_1366, %div3A_1367 : vector<16xf32>
    %mul3A_1369 = arith.mulf %add3A_1368, %min3A_1341 : vector<16xf32>
    %max3A_1370 = arith.constant 0.00999999977 : f32
    %max3A_1371 = vector.broadcast %max3A_1370 : f32 to vector<16xf32>
    %max3A_1372 = arith.maximumf %mul3A_1369, %max3A_1371 : vector<16xf32>
    %sub3A_1373 = arith.subf %min3A_1341, %max3A_1372 : vector<16xf32>
    %max3A_1374 = arith.constant 0.00999999977 : f32
    %max3A_1375 = vector.broadcast %max3A_1374 : f32 to vector<16xf32>
    %max3A_1376 = arith.maximumf %sub3A_1373, %max3A_1375 : vector<16xf32>
    %swap3A_1377 = arith.constant 272 : index
    %swap3A_1378 = tpu.vector_load %arg22[%swap3A_1377] {strides = array<i32>} : memref<512xf32, #tpu.memory_space<vmem>>, vector<16xf32>,
    %swap3A_1379 = vector.shape_cast %swap3A_1378 : vector<16xf32> to vector<16xf32>
    %swap3A_1380 = vector.shape_cast %add3A_1368 : vector<16xf32> to vector<16xf32>
    tpu.vector_store %arg22[%swap3A_1377], %swap3A_1380 {strides = array<i32>} : memref<512xf32, #tpu.memory_space<vmem>>, vector<16xf32>,
    %swap3A_1381 = arith.constant 272 : index
    %swap3A_1382 = tpu.vector_load %arg23[%swap3A_1381] {strides = array<i32>} : memref<512xf32, #tpu.memory_space<vmem>>, vector<16xf32>,
    %swap3A_1383 = vector.shape_cast %swap3A_1382 : vector<16xf32> to vector<16xf32>
    %swap3A_1384 = vector.shape_cast %min3A_1341 : vector<16xf32> to vector<16xf32>
    tpu.vector_store %arg23[%swap3A_1381], %swap3A_1384 {strides = array<i32>} : memref<512xf32, #tpu.memory_space<vmem>>, vector<16xf32>,
    %swap3A_1385 = arith.constant 272 : index
    %swap3A_1386 = tpu.vector_load %arg24[%swap3A_1385] {strides = array<i32>} : memref<512xf32, #tpu.memory_space<vmem>>, vector<16xf32>,
    %swap3A_1387 = vector.shape_cast %swap3A_1386 : vector<16xf32> to vector<16xf32>
    %swap3A_1388 = vector.shape_cast %max3A_1372 : vector<16xf32> to vector<16xf32>
    tpu.vector_store %arg24[%swap3A_1385], %swap3A_1388 {strides = array<i32>} : memref<512xf32, #tpu.memory_space<vmem>>, vector<16xf32>,
    %swap3A_1389 = arith.constant 272 : index
    %swap3A_1390 = tpu.vector_load %arg25[%swap3A_1389] {strides = array<i32>} : memref<512xf32, #tpu.memory_space<vmem>>, vector<16xf32>,
    %swap3A_1391 = vector.shape_cast %swap3A_1390 : vector<16xf32> to vector<16xf32>
    %swap3A_1392 = vector.shape_cast %max3A_1376 : vector<16xf32> to vector<16xf32>
    tpu.vector_store %arg25[%swap3A_1389], %swap3A_1392 {strides = array<i32>} : memref<512xf32, #tpu.memory_space<vmem>>, vector<16xf32>,
    %get3A_1393 = arith.constant 288 : index
    %get3A_1394 = tpu.vector_load %arg16[%get3A_1393] {strides = array<i32>} : memref<512xf32, #tpu.memory_space<vmem>>, vector<16xf32>,
    %get3A_1395 = vector.shape_cast %get3A_1394 : vector<16xf32> to vector<16xf32>
    %get3A_1396 = arith.constant 288 : index
    %get3A_1397 = tpu.vector_load %arg17[%get3A_1396] {strides = array<i32>} : memref<512xf32, #tpu.memory_space<vmem>>, vector<16xf32>,
    %get3A_1398 = vector.shape_cast %get3A_1397 : vector<16xf32> to vector<16xf32>
    %get3A_1399 = arith.constant 288 : index
    %get3A_1400 = tpu.vector_load %arg18[%get3A_1399] {strides = array<i32>} : memref<512xf32, #tpu.memory_space<vmem>>, vector<16xf32>,
    %get3A_1401 = vector.shape_cast %get3A_1400 : vector<16xf32> to vector<16xf32>
    %get3A_1402 = arith.constant 288 : index
    %get3A_1403 = tpu.vector_load %arg19[%get3A_1402] {strides = array<i32>} : memref<512xf32, #tpu.memory_space<vmem>>, vector<16xf32>,
    %get3A_1404 = vector.shape_cast %get3A_1403 : vector<16xf32> to vector<16xf32>
    %get3A_1405 = arith.constant 288 : index
    %get3A_1406 = tpu.vector_load %arg20[%get3A_1405] {strides = array<i32>} : memref<512xf32, #tpu.memory_space<vmem>>, vector<16xf32>,
    %get3A_1407 = vector.shape_cast %get3A_1406 : vector<16xf32> to vector<16xf32>
    %get3A_1408 = arith.constant 288 : index
    %get3A_1409 = tpu.vector_load %arg21[%get3A_1408] {strides = array<i32>} : memref<512xf32, #tpu.memory_space<vmem>>, vector<16xf32>,
    %get3A_1410 = vector.shape_cast %get3A_1409 : vector<16xf32> to vector<16xf32>
    %mul3A_1411 = arith.mulf %get3A_1407, %get3A_1410 : vector<16xf32>
    %mul3A_1412 = arith.mulf %get3A_1398, %mul3A_1411 : vector<16xf32>
    %max3A_1413 = arith.constant 9.99999997E-7 : f32
    %max3A_1414 = vector.broadcast %max3A_1413 : f32 to vector<16xf32>
    %max3A_1415 = arith.maximumf %mul3A_1412, %max3A_1414 : vector<16xf32>
    %min3A_1416 = arith.constant 1.500000e+01 : f32
    %min3A_1417 = vector.broadcast %min3A_1416 : f32 to vector<16xf32>
    %min3A_1418 = arith.minimumf %max3A_1415, %min3A_1417 : vector<16xf32>
    %mul3A_1419 = arith.mulf %get3A_1401, %get3A_1404 : vector<16xf32>
    %lt3A_1420 = arith.cmpf olt, %get3A_1395, %mul3A_1419 : vector<16xf32>
    %mul3A_1421 = arith.constant 5.000000e-01 : f32
    %mul3A_1422 = vector.broadcast %mul3A_1421 : f32 to vector<16xf32>
    %mul3A_1423 = arith.mulf %mul3A_1422, %get3A_1395 : vector<16xf32>
    %sub3A_1424 = arith.subf %get3A_1395, %mul3A_1419 : vector<16xf32>
    %mul3A_1425 = arith.constant 5.000000e-01 : f32
    %mul3A_1426 = vector.broadcast %mul3A_1425 : f32 to vector<16xf32>
    %mul3A_1427 = arith.mulf %mul3A_1426, %sub3A_1424 : vector<16xf32>
    %select_n3A_1428 = arith.select %lt3A_1420, %mul3A_1423, %mul3A_1427 : vector<16xi1>, vector<16xf32>
    %max3A_1429 = arith.constant 9.99999997E-7 : f32
    %max3A_1430 = vector.broadcast %max3A_1429 : f32 to vector<16xf32>
    %max3A_1431 = arith.maximumf %mul3A_1419, %max3A_1430 : vector<16xf32>
    %sub3A_1432 = arith.constant 1.000000e+00 : f32
    %sub3A_1433 = vector.broadcast %sub3A_1432 : f32 to vector<16xf32>
    %sub3A_1434 = arith.subf %sub3A_1433, %mul3A_1419 : vector<16xf32>
    %max3A_1435 = arith.constant 9.99999997E-7 : f32
    %max3A_1436 = vector.broadcast %max3A_1435 : f32 to vector<16xf32>
    %max3A_1437 = arith.maximumf %sub3A_1434, %max3A_1436 : vector<16xf32>
    %select_n3A_1438 = arith.select %lt3A_1420, %max3A_1431, %max3A_1437 : vector<16xi1>, vector<16xf32>
    %jit3A_1439 = arith.constant 0.000000e+00 : f32
    %jit3A_1440 = arith.constant 5.000000e-01 : f32
    %broadcast_in_dim3A_1441 = vector.broadcast %jit3A_1439 : f32 to vector<16xf32>
    %broadcast_in_dim3A_1442 = vector.broadcast %jit3A_1440 : f32 to vector<16xf32>
    %select_n3A_1443 = arith.select %lt3A_1420, %broadcast_in_dim3A_1441, %broadcast_in_dim3A_1442 : vector<16xi1>, vector<16xf32>
    %div3A_1444 = arith.divf %select_n3A_1428, %select_n3A_1438 : vector<16xf32>
    %add3A_1445 = arith.addf %select_n3A_1443, %div3A_1444 : vector<16xf32>
    %mul3A_1446 = arith.mulf %add3A_1445, %min3A_1418 : vector<16xf32>
    %max3A_1447 = arith.constant 0.00999999977 : f32
    %max3A_1448 = vector.broadcast %max3A_1447 : f32 to vector<16xf32>
    %max3A_1449 = arith.maximumf %mul3A_1446, %max3A_1448 : vector<16xf32>
    %sub3A_1450 = arith.subf %min3A_1418, %max3A_1449 : vector<16xf32>
    %max3A_1451 = arith.constant 0.00999999977 : f32
    %max3A_1452 = vector.broadcast %max3A_1451 : f32 to vector<16xf32>
    %max3A_1453 = arith.maximumf %sub3A_1450, %max3A_1452 : vector<16xf32>
    %swap3A_1454 = arith.constant 288 : index
    %swap3A_1455 = tpu.vector_load %arg22[%swap3A_1454] {strides = array<i32>} : memref<512xf32, #tpu.memory_space<vmem>>, vector<16xf32>,
    %swap3A_1456 = vector.shape_cast %swap3A_1455 : vector<16xf32> to vector<16xf32>
    %swap3A_1457 = vector.shape_cast %add3A_1445 : vector<16xf32> to vector<16xf32>
    tpu.vector_store %arg22[%swap3A_1454], %swap3A_1457 {strides = array<i32>} : memref<512xf32, #tpu.memory_space<vmem>>, vector<16xf32>,
    %swap3A_1458 = arith.constant 288 : index
    %swap3A_1459 = tpu.vector_load %arg23[%swap3A_1458] {strides = array<i32>} : memref<512xf32, #tpu.memory_space<vmem>>, vector<16xf32>,
    %swap3A_1460 = vector.shape_cast %swap3A_1459 : vector<16xf32> to vector<16xf32>
    %swap3A_1461 = vector.shape_cast %min3A_1418 : vector<16xf32> to vector<16xf32>
    tpu.vector_store %arg23[%swap3A_1458], %swap3A_1461 {strides = array<i32>} : memref<512xf32, #tpu.memory_space<vmem>>, vector<16xf32>,
    %swap3A_1462 = arith.constant 288 : index
    %swap3A_1463 = tpu.vector_load %arg24[%swap3A_1462] {strides = array<i32>} : memref<512xf32, #tpu.memory_space<vmem>>, vector<16xf32>,
    %swap3A_1464 = vector.shape_cast %swap3A_1463 : vector<16xf32> to vector<16xf32>
    %swap3A_1465 = vector.shape_cast %max3A_1449 : vector<16xf32> to vector<16xf32>
    tpu.vector_store %arg24[%swap3A_1462], %swap3A_1465 {strides = array<i32>} : memref<512xf32, #tpu.memory_space<vmem>>, vector<16xf32>,
    %swap3A_1466 = arith.constant 288 : index
    %swap3A_1467 = tpu.vector_load %arg25[%swap3A_1466] {strides = array<i32>} : memref<512xf32, #tpu.memory_space<vmem>>, vector<16xf32>,
    %swap3A_1468 = vector.shape_cast %swap3A_1467 : vector<16xf32> to vector<16xf32>
    %swap3A_1469 = vector.shape_cast %max3A_1453 : vector<16xf32> to vector<16xf32>
    tpu.vector_store %arg25[%swap3A_1466], %swap3A_1469 {strides = array<i32>} : memref<512xf32, #tpu.memory_space<vmem>>, vector<16xf32>,
    %get3A_1470 = arith.constant 304 : index
    %get3A_1471 = tpu.vector_load %arg16[%get3A_1470] {strides = array<i32>} : memref<512xf32, #tpu.memory_space<vmem>>, vector<16xf32>,
    %get3A_1472 = vector.shape_cast %get3A_1471 : vector<16xf32> to vector<16xf32>
    %get3A_1473 = arith.constant 304 : index
    %get3A_1474 = tpu.vector_load %arg17[%get3A_1473] {strides = array<i32>} : memref<512xf32, #tpu.memory_space<vmem>>, vector<16xf32>,
    %get3A_1475 = vector.shape_cast %get3A_1474 : vector<16xf32> to vector<16xf32>
    %get3A_1476 = arith.constant 304 : index
    %get3A_1477 = tpu.vector_load %arg18[%get3A_1476] {strides = array<i32>} : memref<512xf32, #tpu.memory_space<vmem>>, vector<16xf32>,
    %get3A_1478 = vector.shape_cast %get3A_1477 : vector<16xf32> to vector<16xf32>
    %get3A_1479 = arith.constant 304 : index
    %get3A_1480 = tpu.vector_load %arg19[%get3A_1479] {strides = array<i32>} : memref<512xf32, #tpu.memory_space<vmem>>, vector<16xf32>,
    %get3A_1481 = vector.shape_cast %get3A_1480 : vector<16xf32> to vector<16xf32>
    %get3A_1482 = arith.constant 304 : index
    %get3A_1483 = tpu.vector_load %arg20[%get3A_1482] {strides = array<i32>} : memref<512xf32, #tpu.memory_space<vmem>>, vector<16xf32>,
    %get3A_1484 = vector.shape_cast %get3A_1483 : vector<16xf32> to vector<16xf32>
    %get3A_1485 = arith.constant 304 : index
    %get3A_1486 = tpu.vector_load %arg21[%get3A_1485] {strides = array<i32>} : memref<512xf32, #tpu.memory_space<vmem>>, vector<16xf32>,
    %get3A_1487 = vector.shape_cast %get3A_1486 : vector<16xf32> to vector<16xf32>
    %mul3A_1488 = arith.mulf %get3A_1484, %get3A_1487 : vector<16xf32>
    %mul3A_1489 = arith.mulf %get3A_1475, %mul3A_1488 : vector<16xf32>
    %max3A_1490 = arith.constant 9.99999997E-7 : f32
    %max3A_1491 = vector.broadcast %max3A_1490 : f32 to vector<16xf32>
    %max3A_1492 = arith.maximumf %mul3A_1489, %max3A_1491 : vector<16xf32>
    %min3A_1493 = arith.constant 1.500000e+01 : f32
    %min3A_1494 = vector.broadcast %min3A_1493 : f32 to vector<16xf32>
    %min3A_1495 = arith.minimumf %max3A_1492, %min3A_1494 : vector<16xf32>
    %mul3A_1496 = arith.mulf %get3A_1478, %get3A_1481 : vector<16xf32>
    %lt3A_1497 = arith.cmpf olt, %get3A_1472, %mul3A_1496 : vector<16xf32>
    %mul3A_1498 = arith.constant 5.000000e-01 : f32
    %mul3A_1499 = vector.broadcast %mul3A_1498 : f32 to vector<16xf32>
    %mul3A_1500 = arith.mulf %mul3A_1499, %get3A_1472 : vector<16xf32>
    %sub3A_1501 = arith.subf %get3A_1472, %mul3A_1496 : vector<16xf32>
    %mul3A_1502 = arith.constant 5.000000e-01 : f32
    %mul3A_1503 = vector.broadcast %mul3A_1502 : f32 to vector<16xf32>
    %mul3A_1504 = arith.mulf %mul3A_1503, %sub3A_1501 : vector<16xf32>
    %select_n3A_1505 = arith.select %lt3A_1497, %mul3A_1500, %mul3A_1504 : vector<16xi1>, vector<16xf32>
    %max3A_1506 = arith.constant 9.99999997E-7 : f32
    %max3A_1507 = vector.broadcast %max3A_1506 : f32 to vector<16xf32>
    %max3A_1508 = arith.maximumf %mul3A_1496, %max3A_1507 : vector<16xf32>
    %sub3A_1509 = arith.constant 1.000000e+00 : f32
    %sub3A_1510 = vector.broadcast %sub3A_1509 : f32 to vector<16xf32>
    %sub3A_1511 = arith.subf %sub3A_1510, %mul3A_1496 : vector<16xf32>
    %max3A_1512 = arith.constant 9.99999997E-7 : f32
    %max3A_1513 = vector.broadcast %max3A_1512 : f32 to vector<16xf32>
    %max3A_1514 = arith.maximumf %sub3A_1511, %max3A_1513 : vector<16xf32>
    %select_n3A_1515 = arith.select %lt3A_1497, %max3A_1508, %max3A_1514 : vector<16xi1>, vector<16xf32>
    %jit3A_1516 = arith.constant 0.000000e+00 : f32
    %jit3A_1517 = arith.constant 5.000000e-01 : f32
    %broadcast_in_dim3A_1518 = vector.broadcast %jit3A_1516 : f32 to vector<16xf32>
    %broadcast_in_dim3A_1519 = vector.broadcast %jit3A_1517 : f32 to vector<16xf32>
    %select_n3A_1520 = arith.select %lt3A_1497, %broadcast_in_dim3A_1518, %broadcast_in_dim3A_1519 : vector<16xi1>, vector<16xf32>
    %div3A_1521 = arith.divf %select_n3A_1505, %select_n3A_1515 : vector<16xf32>
    %add3A_1522 = arith.addf %select_n3A_1520, %div3A_1521 : vector<16xf32>
    %mul3A_1523 = arith.mulf %add3A_1522, %min3A_1495 : vector<16xf32>
    %max3A_1524 = arith.constant 0.00999999977 : f32
    %max3A_1525 = vector.broadcast %max3A_1524 : f32 to vector<16xf32>
    %max3A_1526 = arith.maximumf %mul3A_1523, %max3A_1525 : vector<16xf32>
    %sub3A_1527 = arith.subf %min3A_1495, %max3A_1526 : vector<16xf32>
    %max3A_1528 = arith.constant 0.00999999977 : f32
    %max3A_1529 = vector.broadcast %max3A_1528 : f32 to vector<16xf32>
    %max3A_1530 = arith.maximumf %sub3A_1527, %max3A_1529 : vector<16xf32>
    %swap3A_1531 = arith.constant 304 : index
    %swap3A_1532 = tpu.vector_load %arg22[%swap3A_1531] {strides = array<i32>} : memref<512xf32, #tpu.memory_space<vmem>>, vector<16xf32>,
    %swap3A_1533 = vector.shape_cast %swap3A_1532 : vector<16xf32> to vector<16xf32>
    %swap3A_1534 = vector.shape_cast %add3A_1522 : vector<16xf32> to vector<16xf32>
    tpu.vector_store %arg22[%swap3A_1531], %swap3A_1534 {strides = array<i32>} : memref<512xf32, #tpu.memory_space<vmem>>, vector<16xf32>,
    %swap3A_1535 = arith.constant 304 : index
    %swap3A_1536 = tpu.vector_load %arg23[%swap3A_1535] {strides = array<i32>} : memref<512xf32, #tpu.memory_space<vmem>>, vector<16xf32>,
    %swap3A_1537 = vector.shape_cast %swap3A_1536 : vector<16xf32> to vector<16xf32>
    %swap3A_1538 = vector.shape_cast %min3A_1495 : vector<16xf32> to vector<16xf32>
    tpu.vector_store %arg23[%swap3A_1535], %swap3A_1538 {strides = array<i32>} : memref<512xf32, #tpu.memory_space<vmem>>, vector<16xf32>,
    %swap3A_1539 = arith.constant 304 : index
    %swap3A_1540 = tpu.vector_load %arg24[%swap3A_1539] {strides = array<i32>} : memref<512xf32, #tpu.memory_space<vmem>>, vector<16xf32>,
    %swap3A_1541 = vector.shape_cast %swap3A_1540 : vector<16xf32> to vector<16xf32>
    %swap3A_1542 = vector.shape_cast %max3A_1526 : vector<16xf32> to vector<16xf32>
    tpu.vector_store %arg24[%swap3A_1539], %swap3A_1542 {strides = array<i32>} : memref<512xf32, #tpu.memory_space<vmem>>, vector<16xf32>,
    %swap3A_1543 = arith.constant 304 : index
    %swap3A_1544 = tpu.vector_load %arg25[%swap3A_1543] {strides = array<i32>} : memref<512xf32, #tpu.memory_space<vmem>>, vector<16xf32>,
    %swap3A_1545 = vector.shape_cast %swap3A_1544 : vector<16xf32> to vector<16xf32>
    %swap3A_1546 = vector.shape_cast %max3A_1530 : vector<16xf32> to vector<16xf32>
    tpu.vector_store %arg25[%swap3A_1543], %swap3A_1546 {strides = array<i32>} : memref<512xf32, #tpu.memory_space<vmem>>, vector<16xf32>,
    %get3A_1547 = arith.constant 320 : index
    %get3A_1548 = tpu.vector_load %arg16[%get3A_1547] {strides = array<i32>} : memref<512xf32, #tpu.memory_space<vmem>>, vector<16xf32>,
    %get3A_1549 = vector.shape_cast %get3A_1548 : vector<16xf32> to vector<16xf32>
    %get3A_1550 = arith.constant 320 : index
    %get3A_1551 = tpu.vector_load %arg17[%get3A_1550] {strides = array<i32>} : memref<512xf32, #tpu.memory_space<vmem>>, vector<16xf32>,
    %get3A_1552 = vector.shape_cast %get3A_1551 : vector<16xf32> to vector<16xf32>
    %get3A_1553 = arith.constant 320 : index
    %get3A_1554 = tpu.vector_load %arg18[%get3A_1553] {strides = array<i32>} : memref<512xf32, #tpu.memory_space<vmem>>, vector<16xf32>,
    %get3A_1555 = vector.shape_cast %get3A_1554 : vector<16xf32> to vector<16xf32>
    %get3A_1556 = arith.constant 320 : index
    %get3A_1557 = tpu.vector_load %arg19[%get3A_1556] {strides = array<i32>} : memref<512xf32, #tpu.memory_space<vmem>>, vector<16xf32>,
    %get3A_1558 = vector.shape_cast %get3A_1557 : vector<16xf32> to vector<16xf32>
    %get3A_1559 = arith.constant 320 : index
    %get3A_1560 = tpu.vector_load %arg20[%get3A_1559] {strides = array<i32>} : memref<512xf32, #tpu.memory_space<vmem>>, vector<16xf32>,
    %get3A_1561 = vector.shape_cast %get3A_1560 : vector<16xf32> to vector<16xf32>
    %get3A_1562 = arith.constant 320 : index
    %get3A_1563 = tpu.vector_load %arg21[%get3A_1562] {strides = array<i32>} : memref<512xf32, #tpu.memory_space<vmem>>, vector<16xf32>,
    %get3A_1564 = vector.shape_cast %get3A_1563 : vector<16xf32> to vector<16xf32>
    %mul3A_1565 = arith.mulf %get3A_1561, %get3A_1564 : vector<16xf32>
    %mul3A_1566 = arith.mulf %get3A_1552, %mul3A_1565 : vector<16xf32>
    %max3A_1567 = arith.constant 9.99999997E-7 : f32
    %max3A_1568 = vector.broadcast %max3A_1567 : f32 to vector<16xf32>
    %max3A_1569 = arith.maximumf %mul3A_1566, %max3A_1568 : vector<16xf32>
    %min3A_1570 = arith.constant 1.500000e+01 : f32
    %min3A_1571 = vector.broadcast %min3A_1570 : f32 to vector<16xf32>
    %min3A_1572 = arith.minimumf %max3A_1569, %min3A_1571 : vector<16xf32>
    %mul3A_1573 = arith.mulf %get3A_1555, %get3A_1558 : vector<16xf32>
    %lt3A_1574 = arith.cmpf olt, %get3A_1549, %mul3A_1573 : vector<16xf32>
    %mul3A_1575 = arith.constant 5.000000e-01 : f32
    %mul3A_1576 = vector.broadcast %mul3A_1575 : f32 to vector<16xf32>
    %mul3A_1577 = arith.mulf %mul3A_1576, %get3A_1549 : vector<16xf32>
    %sub3A_1578 = arith.subf %get3A_1549, %mul3A_1573 : vector<16xf32>
    %mul3A_1579 = arith.constant 5.000000e-01 : f32
    %mul3A_1580 = vector.broadcast %mul3A_1579 : f32 to vector<16xf32>
    %mul3A_1581 = arith.mulf %mul3A_1580, %sub3A_1578 : vector<16xf32>
    %select_n3A_1582 = arith.select %lt3A_1574, %mul3A_1577, %mul3A_1581 : vector<16xi1>, vector<16xf32>
    %max3A_1583 = arith.constant 9.99999997E-7 : f32
    %max3A_1584 = vector.broadcast %max3A_1583 : f32 to vector<16xf32>
    %max3A_1585 = arith.maximumf %mul3A_1573, %max3A_1584 : vector<16xf32>
    %sub3A_1586 = arith.constant 1.000000e+00 : f32
    %sub3A_1587 = vector.broadcast %sub3A_1586 : f32 to vector<16xf32>
    %sub3A_1588 = arith.subf %sub3A_1587, %mul3A_1573 : vector<16xf32>
    %max3A_1589 = arith.constant 9.99999997E-7 : f32
    %max3A_1590 = vector.broadcast %max3A_1589 : f32 to vector<16xf32>
    %max3A_1591 = arith.maximumf %sub3A_1588, %max3A_1590 : vector<16xf32>
    %select_n3A_1592 = arith.select %lt3A_1574, %max3A_1585, %max3A_1591 : vector<16xi1>, vector<16xf32>
    %jit3A_1593 = arith.constant 0.000000e+00 : f32
    %jit3A_1594 = arith.constant 5.000000e-01 : f32
    %broadcast_in_dim3A_1595 = vector.broadcast %jit3A_1593 : f32 to vector<16xf32>
    %broadcast_in_dim3A_1596 = vector.broadcast %jit3A_1594 : f32 to vector<16xf32>
    %select_n3A_1597 = arith.select %lt3A_1574, %broadcast_in_dim3A_1595, %broadcast_in_dim3A_1596 : vector<16xi1>, vector<16xf32>
    %div3A_1598 = arith.divf %select_n3A_1582, %select_n3A_1592 : vector<16xf32>
    %add3A_1599 = arith.addf %select_n3A_1597, %div3A_1598 : vector<16xf32>
    %mul3A_1600 = arith.mulf %add3A_1599, %min3A_1572 : vector<16xf32>
    %max3A_1601 = arith.constant 0.00999999977 : f32
    %max3A_1602 = vector.broadcast %max3A_1601 : f32 to vector<16xf32>
    %max3A_1603 = arith.maximumf %mul3A_1600, %max3A_1602 : vector<16xf32>
    %sub3A_1604 = arith.subf %min3A_1572, %max3A_1603 : vector<16xf32>
    %max3A_1605 = arith.constant 0.00999999977 : f32
    %max3A_1606 = vector.broadcast %max3A_1605 : f32 to vector<16xf32>
    %max3A_1607 = arith.maximumf %sub3A_1604, %max3A_1606 : vector<16xf32>
    %swap3A_1608 = arith.constant 320 : index
    %swap3A_1609 = tpu.vector_load %arg22[%swap3A_1608] {strides = array<i32>} : memref<512xf32, #tpu.memory_space<vmem>>, vector<16xf32>,
    %swap3A_1610 = vector.shape_cast %swap3A_1609 : vector<16xf32> to vector<16xf32>
    %swap3A_1611 = vector.shape_cast %add3A_1599 : vector<16xf32> to vector<16xf32>
    tpu.vector_store %arg22[%swap3A_1608], %swap3A_1611 {strides = array<i32>} : memref<512xf32, #tpu.memory_space<vmem>>, vector<16xf32>,
    %swap3A_1612 = arith.constant 320 : index
    %swap3A_1613 = tpu.vector_load %arg23[%swap3A_1612] {strides = array<i32>} : memref<512xf32, #tpu.memory_space<vmem>>, vector<16xf32>,
    %swap3A_1614 = vector.shape_cast %swap3A_1613 : vector<16xf32> to vector<16xf32>
    %swap3A_1615 = vector.shape_cast %min3A_1572 : vector<16xf32> to vector<16xf32>
    tpu.vector_store %arg23[%swap3A_1612], %swap3A_1615 {strides = array<i32>} : memref<512xf32, #tpu.memory_space<vmem>>, vector<16xf32>,
    %swap3A_1616 = arith.constant 320 : index
    %swap3A_1617 = tpu.vector_load %arg24[%swap3A_1616] {strides = array<i32>} : memref<512xf32, #tpu.memory_space<vmem>>, vector<16xf32>,
    %swap3A_1618 = vector.shape_cast %swap3A_1617 : vector<16xf32> to vector<16xf32>
    %swap3A_1619 = vector.shape_cast %max3A_1603 : vector<16xf32> to vector<16xf32>
    tpu.vector_store %arg24[%swap3A_1616], %swap3A_1619 {strides = array<i32>} : memref<512xf32, #tpu.memory_space<vmem>>, vector<16xf32>,
    %swap3A_1620 = arith.constant 320 : index
    %swap3A_1621 = tpu.vector_load %arg25[%swap3A_1620] {strides = array<i32>} : memref<512xf32, #tpu.memory_space<vmem>>, vector<16xf32>,
    %swap3A_1622 = vector.shape_cast %swap3A_1621 : vector<16xf32> to vector<16xf32>
    %swap3A_1623 = vector.shape_cast %max3A_1607 : vector<16xf32> to vector<16xf32>
    tpu.vector_store %arg25[%swap3A_1620], %swap3A_1623 {strides = array<i32>} : memref<512xf32, #tpu.memory_space<vmem>>, vector<16xf32>,
    %get3A_1624 = arith.constant 336 : index
    %get3A_1625 = tpu.vector_load %arg16[%get3A_1624] {strides = array<i32>} : memref<512xf32, #tpu.memory_space<vmem>>, vector<16xf32>,
    %get3A_1626 = vector.shape_cast %get3A_1625 : vector<16xf32> to vector<16xf32>
    %get3A_1627 = arith.constant 336 : index
    %get3A_1628 = tpu.vector_load %arg17[%get3A_1627] {strides = array<i32>} : memref<512xf32, #tpu.memory_space<vmem>>, vector<16xf32>,
    %get3A_1629 = vector.shape_cast %get3A_1628 : vector<16xf32> to vector<16xf32>
    %get3A_1630 = arith.constant 336 : index
    %get3A_1631 = tpu.vector_load %arg18[%get3A_1630] {strides = array<i32>} : memref<512xf32, #tpu.memory_space<vmem>>, vector<16xf32>,
    %get3A_1632 = vector.shape_cast %get3A_1631 : vector<16xf32> to vector<16xf32>
    %get3A_1633 = arith.constant 336 : index
    %get3A_1634 = tpu.vector_load %arg19[%get3A_1633] {strides = array<i32>} : memref<512xf32, #tpu.memory_space<vmem>>, vector<16xf32>,
    %get3A_1635 = vector.shape_cast %get3A_1634 : vector<16xf32> to vector<16xf32>
    %get3A_1636 = arith.constant 336 : index
    %get3A_1637 = tpu.vector_load %arg20[%get3A_1636] {strides = array<i32>} : memref<512xf32, #tpu.memory_space<vmem>>, vector<16xf32>,
    %get3A_1638 = vector.shape_cast %get3A_1637 : vector<16xf32> to vector<16xf32>
    %get3A_1639 = arith.constant 336 : index
    %get3A_1640 = tpu.vector_load %arg21[%get3A_1639] {strides = array<i32>} : memref<512xf32, #tpu.memory_space<vmem>>, vector<16xf32>,
    %get3A_1641 = vector.shape_cast %get3A_1640 : vector<16xf32> to vector<16xf32>
    %mul3A_1642 = arith.mulf %get3A_1638, %get3A_1641 : vector<16xf32>
    %mul3A_1643 = arith.mulf %get3A_1629, %mul3A_1642 : vector<16xf32>
    %max3A_1644 = arith.constant 9.99999997E-7 : f32
    %max3A_1645 = vector.broadcast %max3A_1644 : f32 to vector<16xf32>
    %max3A_1646 = arith.maximumf %mul3A_1643, %max3A_1645 : vector<16xf32>
    %min3A_1647 = arith.constant 1.500000e+01 : f32
    %min3A_1648 = vector.broadcast %min3A_1647 : f32 to vector<16xf32>
    %min3A_1649 = arith.minimumf %max3A_1646, %min3A_1648 : vector<16xf32>
    %mul3A_1650 = arith.mulf %get3A_1632, %get3A_1635 : vector<16xf32>
    %lt3A_1651 = arith.cmpf olt, %get3A_1626, %mul3A_1650 : vector<16xf32>
    %mul3A_1652 = arith.constant 5.000000e-01 : f32
    %mul3A_1653 = vector.broadcast %mul3A_1652 : f32 to vector<16xf32>
    %mul3A_1654 = arith.mulf %mul3A_1653, %get3A_1626 : vector<16xf32>
    %sub3A_1655 = arith.subf %get3A_1626, %mul3A_1650 : vector<16xf32>
    %mul3A_1656 = arith.constant 5.000000e-01 : f32
    %mul3A_1657 = vector.broadcast %mul3A_1656 : f32 to vector<16xf32>
    %mul3A_1658 = arith.mulf %mul3A_1657, %sub3A_1655 : vector<16xf32>
    %select_n3A_1659 = arith.select %lt3A_1651, %mul3A_1654, %mul3A_1658 : vector<16xi1>, vector<16xf32>
    %max3A_1660 = arith.constant 9.99999997E-7 : f32
    %max3A_1661 = vector.broadcast %max3A_1660 : f32 to vector<16xf32>
    %max3A_1662 = arith.maximumf %mul3A_1650, %max3A_1661 : vector<16xf32>
    %sub3A_1663 = arith.constant 1.000000e+00 : f32
    %sub3A_1664 = vector.broadcast %sub3A_1663 : f32 to vector<16xf32>
    %sub3A_1665 = arith.subf %sub3A_1664, %mul3A_1650 : vector<16xf32>
    %max3A_1666 = arith.constant 9.99999997E-7 : f32
    %max3A_1667 = vector.broadcast %max3A_1666 : f32 to vector<16xf32>
    %max3A_1668 = arith.maximumf %sub3A_1665, %max3A_1667 : vector<16xf32>
    %select_n3A_1669 = arith.select %lt3A_1651, %max3A_1662, %max3A_1668 : vector<16xi1>, vector<16xf32>
    %jit3A_1670 = arith.constant 0.000000e+00 : f32
    %jit3A_1671 = arith.constant 5.000000e-01 : f32
    %broadcast_in_dim3A_1672 = vector.broadcast %jit3A_1670 : f32 to vector<16xf32>
    %broadcast_in_dim3A_1673 = vector.broadcast %jit3A_1671 : f32 to vector<16xf32>
    %select_n3A_1674 = arith.select %lt3A_1651, %broadcast_in_dim3A_1672, %broadcast_in_dim3A_1673 : vector<16xi1>, vector<16xf32>
    %div3A_1675 = arith.divf %select_n3A_1659, %select_n3A_1669 : vector<16xf32>
    %add3A_1676 = arith.addf %select_n3A_1674, %div3A_1675 : vector<16xf32>
    %mul3A_1677 = arith.mulf %add3A_1676, %min3A_1649 : vector<16xf32>
    %max3A_1678 = arith.constant 0.00999999977 : f32
    %max3A_1679 = vector.broadcast %max3A_1678 : f32 to vector<16xf32>
    %max3A_1680 = arith.maximumf %mul3A_1677, %max3A_1679 : vector<16xf32>
    %sub3A_1681 = arith.subf %min3A_1649, %max3A_1680 : vector<16xf32>
    %max3A_1682 = arith.constant 0.00999999977 : f32
    %max3A_1683 = vector.broadcast %max3A_1682 : f32 to vector<16xf32>
    %max3A_1684 = arith.maximumf %sub3A_1681, %max3A_1683 : vector<16xf32>
    %swap3A_1685 = arith.constant 336 : index
    %swap3A_1686 = tpu.vector_load %arg22[%swap3A_1685] {strides = array<i32>} : memref<512xf32, #tpu.memory_space<vmem>>, vector<16xf32>,
    %swap3A_1687 = vector.shape_cast %swap3A_1686 : vector<16xf32> to vector<16xf32>
    %swap3A_1688 = vector.shape_cast %add3A_1676 : vector<16xf32> to vector<16xf32>
    tpu.vector_store %arg22[%swap3A_1685], %swap3A_1688 {strides = array<i32>} : memref<512xf32, #tpu.memory_space<vmem>>, vector<16xf32>,
    %swap3A_1689 = arith.constant 336 : index
    %swap3A_1690 = tpu.vector_load %arg23[%swap3A_1689] {strides = array<i32>} : memref<512xf32, #tpu.memory_space<vmem>>, vector<16xf32>,
    %swap3A_1691 = vector.shape_cast %swap3A_1690 : vector<16xf32> to vector<16xf32>
    %swap3A_1692 = vector.shape_cast %min3A_1649 : vector<16xf32> to vector<16xf32>
    tpu.vector_store %arg23[%swap3A_1689], %swap3A_1692 {strides = array<i32>} : memref<512xf32, #tpu.memory_space<vmem>>, vector<16xf32>,
    %swap3A_1693 = arith.constant 336 : index
    %swap3A_1694 = tpu.vector_load %arg24[%swap3A_1693] {strides = array<i32>} : memref<512xf32, #tpu.memory_space<vmem>>, vector<16xf32>,
    %swap3A_1695 = vector.shape_cast %swap3A_1694 : vector<16xf32> to vector<16xf32>
    %swap3A_1696 = vector.shape_cast %max3A_1680 : vector<16xf32> to vector<16xf32>
    tpu.vector_store %arg24[%swap3A_1693], %swap3A_1696 {strides = array<i32>} : memref<512xf32, #tpu.memory_space<vmem>>, vector<16xf32>,
    %swap3A_1697 = arith.constant 336 : index
    %swap3A_1698 = tpu.vector_load %arg25[%swap3A_1697] {strides = array<i32>} : memref<512xf32, #tpu.memory_space<vmem>>, vector<16xf32>,
    %swap3A_1699 = vector.shape_cast %swap3A_1698 : vector<16xf32> to vector<16xf32>
    %swap3A_1700 = vector.shape_cast %max3A_1684 : vector<16xf32> to vector<16xf32>
    tpu.vector_store %arg25[%swap3A_1697], %swap3A_1700 {strides = array<i32>} : memref<512xf32, #tpu.memory_space<vmem>>, vector<16xf32>,
    %get3A_1701 = arith.constant 352 : index
    %get3A_1702 = tpu.vector_load %arg16[%get3A_1701] {strides = array<i32>} : memref<512xf32, #tpu.memory_space<vmem>>, vector<16xf32>,
    %get3A_1703 = vector.shape_cast %get3A_1702 : vector<16xf32> to vector<16xf32>
    %get3A_1704 = arith.constant 352 : index
    %get3A_1705 = tpu.vector_load %arg17[%get3A_1704] {strides = array<i32>} : memref<512xf32, #tpu.memory_space<vmem>>, vector<16xf32>,
    %get3A_1706 = vector.shape_cast %get3A_1705 : vector<16xf32> to vector<16xf32>
    %get3A_1707 = arith.constant 352 : index
    %get3A_1708 = tpu.vector_load %arg18[%get3A_1707] {strides = array<i32>} : memref<512xf32, #tpu.memory_space<vmem>>, vector<16xf32>,
    %get3A_1709 = vector.shape_cast %get3A_1708 : vector<16xf32> to vector<16xf32>
    %get3A_1710 = arith.constant 352 : index
    %get3A_1711 = tpu.vector_load %arg19[%get3A_1710] {strides = array<i32>} : memref<512xf32, #tpu.memory_space<vmem>>, vector<16xf32>,
    %get3A_1712 = vector.shape_cast %get3A_1711 : vector<16xf32> to vector<16xf32>
    %get3A_1713 = arith.constant 352 : index
    %get3A_1714 = tpu.vector_load %arg20[%get3A_1713] {strides = array<i32>} : memref<512xf32, #tpu.memory_space<vmem>>, vector<16xf32>,
    %get3A_1715 = vector.shape_cast %get3A_1714 : vector<16xf32> to vector<16xf32>
    %get3A_1716 = arith.constant 352 : index
    %get3A_1717 = tpu.vector_load %arg21[%get3A_1716] {strides = array<i32>} : memref<512xf32, #tpu.memory_space<vmem>>, vector<16xf32>,
    %get3A_1718 = vector.shape_cast %get3A_1717 : vector<16xf32> to vector<16xf32>
    %mul3A_1719 = arith.mulf %get3A_1715, %get3A_1718 : vector<16xf32>
    %mul3A_1720 = arith.mulf %get3A_1706, %mul3A_1719 : vector<16xf32>
    %max3A_1721 = arith.constant 9.99999997E-7 : f32
    %max3A_1722 = vector.broadcast %max3A_1721 : f32 to vector<16xf32>
    %max3A_1723 = arith.maximumf %mul3A_1720, %max3A_1722 : vector<16xf32>
    %min3A_1724 = arith.constant 1.500000e+01 : f32
    %min3A_1725 = vector.broadcast %min3A_1724 : f32 to vector<16xf32>
    %min3A_1726 = arith.minimumf %max3A_1723, %min3A_1725 : vector<16xf32>
    %mul3A_1727 = arith.mulf %get3A_1709, %get3A_1712 : vector<16xf32>
    %lt3A_1728 = arith.cmpf olt, %get3A_1703, %mul3A_1727 : vector<16xf32>
    %mul3A_1729 = arith.constant 5.000000e-01 : f32
    %mul3A_1730 = vector.broadcast %mul3A_1729 : f32 to vector<16xf32>
    %mul3A_1731 = arith.mulf %mul3A_1730, %get3A_1703 : vector<16xf32>
    %sub3A_1732 = arith.subf %get3A_1703, %mul3A_1727 : vector<16xf32>
    %mul3A_1733 = arith.constant 5.000000e-01 : f32
    %mul3A_1734 = vector.broadcast %mul3A_1733 : f32 to vector<16xf32>
    %mul3A_1735 = arith.mulf %mul3A_1734, %sub3A_1732 : vector<16xf32>
    %select_n3A_1736 = arith.select %lt3A_1728, %mul3A_1731, %mul3A_1735 : vector<16xi1>, vector<16xf32>
    %max3A_1737 = arith.constant 9.99999997E-7 : f32
    %max3A_1738 = vector.broadcast %max3A_1737 : f32 to vector<16xf32>
    %max3A_1739 = arith.maximumf %mul3A_1727, %max3A_1738 : vector<16xf32>
    %sub3A_1740 = arith.constant 1.000000e+00 : f32
    %sub3A_1741 = vector.broadcast %sub3A_1740 : f32 to vector<16xf32>
    %sub3A_1742 = arith.subf %sub3A_1741, %mul3A_1727 : vector<16xf32>
    %max3A_1743 = arith.constant 9.99999997E-7 : f32
    %max3A_1744 = vector.broadcast %max3A_1743 : f32 to vector<16xf32>
    %max3A_1745 = arith.maximumf %sub3A_1742, %max3A_1744 : vector<16xf32>
    %select_n3A_1746 = arith.select %lt3A_1728, %max3A_1739, %max3A_1745 : vector<16xi1>, vector<16xf32>
    %jit3A_1747 = arith.constant 0.000000e+00 : f32
    %jit3A_1748 = arith.constant 5.000000e-01 : f32
    %broadcast_in_dim3A_1749 = vector.broadcast %jit3A_1747 : f32 to vector<16xf32>
    %broadcast_in_dim3A_1750 = vector.broadcast %jit3A_1748 : f32 to vector<16xf32>
    %select_n3A_1751 = arith.select %lt3A_1728, %broadcast_in_dim3A_1749, %broadcast_in_dim3A_1750 : vector<16xi1>, vector<16xf32>
    %div3A_1752 = arith.divf %select_n3A_1736, %select_n3A_1746 : vector<16xf32>
    %add3A_1753 = arith.addf %select_n3A_1751, %div3A_1752 : vector<16xf32>
    %mul3A_1754 = arith.mulf %add3A_1753, %min3A_1726 : vector<16xf32>
    %max3A_1755 = arith.constant 0.00999999977 : f32
    %max3A_1756 = vector.broadcast %max3A_1755 : f32 to vector<16xf32>
    %max3A_1757 = arith.maximumf %mul3A_1754, %max3A_1756 : vector<16xf32>
    %sub3A_1758 = arith.subf %min3A_1726, %max3A_1757 : vector<16xf32>
    %max3A_1759 = arith.constant 0.00999999977 : f32
    %max3A_1760 = vector.broadcast %max3A_1759 : f32 to vector<16xf32>
    %max3A_1761 = arith.maximumf %sub3A_1758, %max3A_1760 : vector<16xf32>
    %swap3A_1762 = arith.constant 352 : index
    %swap3A_1763 = tpu.vector_load %arg22[%swap3A_1762] {strides = array<i32>} : memref<512xf32, #tpu.memory_space<vmem>>, vector<16xf32>,
    %swap3A_1764 = vector.shape_cast %swap3A_1763 : vector<16xf32> to vector<16xf32>
    %swap3A_1765 = vector.shape_cast %add3A_1753 : vector<16xf32> to vector<16xf32>
    tpu.vector_store %arg22[%swap3A_1762], %swap3A_1765 {strides = array<i32>} : memref<512xf32, #tpu.memory_space<vmem>>, vector<16xf32>,
    %swap3A_1766 = arith.constant 352 : index
    %swap3A_1767 = tpu.vector_load %arg23[%swap3A_1766] {strides = array<i32>} : memref<512xf32, #tpu.memory_space<vmem>>, vector<16xf32>,
    %swap3A_1768 = vector.shape_cast %swap3A_1767 : vector<16xf32> to vector<16xf32>
    %swap3A_1769 = vector.shape_cast %min3A_1726 : vector<16xf32> to vector<16xf32>
    tpu.vector_store %arg23[%swap3A_1766], %swap3A_1769 {strides = array<i32>} : memref<512xf32, #tpu.memory_space<vmem>>, vector<16xf32>,
    %swap3A_1770 = arith.constant 352 : index
    %swap3A_1771 = tpu.vector_load %arg24[%swap3A_1770] {strides = array<i32>} : memref<512xf32, #tpu.memory_space<vmem>>, vector<16xf32>,
    %swap3A_1772 = vector.shape_cast %swap3A_1771 : vector<16xf32> to vector<16xf32>
    %swap3A_1773 = vector.shape_cast %max3A_1757 : vector<16xf32> to vector<16xf32>
    tpu.vector_store %arg24[%swap3A_1770], %swap3A_1773 {strides = array<i32>} : memref<512xf32, #tpu.memory_space<vmem>>, vector<16xf32>,
    %swap3A_1774 = arith.constant 352 : index
    %swap3A_1775 = tpu.vector_load %arg25[%swap3A_1774] {strides = array<i32>} : memref<512xf32, #tpu.memory_space<vmem>>, vector<16xf32>,
    %swap3A_1776 = vector.shape_cast %swap3A_1775 : vector<16xf32> to vector<16xf32>
    %swap3A_1777 = vector.shape_cast %max3A_1761 : vector<16xf32> to vector<16xf32>
    tpu.vector_store %arg25[%swap3A_1774], %swap3A_1777 {strides = array<i32>} : memref<512xf32, #tpu.memory_space<vmem>>, vector<16xf32>,
    %get3A_1778 = arith.constant 368 : index
    %get3A_1779 = tpu.vector_load %arg16[%get3A_1778] {strides = array<i32>} : memref<512xf32, #tpu.memory_space<vmem>>, vector<16xf32>,
    %get3A_1780 = vector.shape_cast %get3A_1779 : vector<16xf32> to vector<16xf32>
    %get3A_1781 = arith.constant 368 : index
    %get3A_1782 = tpu.vector_load %arg17[%get3A_1781] {strides = array<i32>} : memref<512xf32, #tpu.memory_space<vmem>>, vector<16xf32>,
    %get3A_1783 = vector.shape_cast %get3A_1782 : vector<16xf32> to vector<16xf32>
    %get3A_1784 = arith.constant 368 : index
    %get3A_1785 = tpu.vector_load %arg18[%get3A_1784] {strides = array<i32>} : memref<512xf32, #tpu.memory_space<vmem>>, vector<16xf32>,
    %get3A_1786 = vector.shape_cast %get3A_1785 : vector<16xf32> to vector<16xf32>
    %get3A_1787 = arith.constant 368 : index
    %get3A_1788 = tpu.vector_load %arg19[%get3A_1787] {strides = array<i32>} : memref<512xf32, #tpu.memory_space<vmem>>, vector<16xf32>,
    %get3A_1789 = vector.shape_cast %get3A_1788 : vector<16xf32> to vector<16xf32>
    %get3A_1790 = arith.constant 368 : index
    %get3A_1791 = tpu.vector_load %arg20[%get3A_1790] {strides = array<i32>} : memref<512xf32, #tpu.memory_space<vmem>>, vector<16xf32>,
    %get3A_1792 = vector.shape_cast %get3A_1791 : vector<16xf32> to vector<16xf32>
    %get3A_1793 = arith.constant 368 : index
    %get3A_1794 = tpu.vector_load %arg21[%get3A_1793] {strides = array<i32>} : memref<512xf32, #tpu.memory_space<vmem>>, vector<16xf32>,
    %get3A_1795 = vector.shape_cast %get3A_1794 : vector<16xf32> to vector<16xf32>
    %mul3A_1796 = arith.mulf %get3A_1792, %get3A_1795 : vector<16xf32>
    %mul3A_1797 = arith.mulf %get3A_1783, %mul3A_1796 : vector<16xf32>
    %max3A_1798 = arith.constant 9.99999997E-7 : f32
    %max3A_1799 = vector.broadcast %max3A_1798 : f32 to vector<16xf32>
    %max3A_1800 = arith.maximumf %mul3A_1797, %max3A_1799 : vector<16xf32>
    %min3A_1801 = arith.constant 1.500000e+01 : f32
    %min3A_1802 = vector.broadcast %min3A_1801 : f32 to vector<16xf32>
    %min3A_1803 = arith.minimumf %max3A_1800, %min3A_1802 : vector<16xf32>
    %mul3A_1804 = arith.mulf %get3A_1786, %get3A_1789 : vector<16xf32>
    %lt3A_1805 = arith.cmpf olt, %get3A_1780, %mul3A_1804 : vector<16xf32>
    %mul3A_1806 = arith.constant 5.000000e-01 : f32
    %mul3A_1807 = vector.broadcast %mul3A_1806 : f32 to vector<16xf32>
    %mul3A_1808 = arith.mulf %mul3A_1807, %get3A_1780 : vector<16xf32>
    %sub3A_1809 = arith.subf %get3A_1780, %mul3A_1804 : vector<16xf32>
    %mul3A_1810 = arith.constant 5.000000e-01 : f32
    %mul3A_1811 = vector.broadcast %mul3A_1810 : f32 to vector<16xf32>
    %mul3A_1812 = arith.mulf %mul3A_1811, %sub3A_1809 : vector<16xf32>
    %select_n3A_1813 = arith.select %lt3A_1805, %mul3A_1808, %mul3A_1812 : vector<16xi1>, vector<16xf32>
    %max3A_1814 = arith.constant 9.99999997E-7 : f32
    %max3A_1815 = vector.broadcast %max3A_1814 : f32 to vector<16xf32>
    %max3A_1816 = arith.maximumf %mul3A_1804, %max3A_1815 : vector<16xf32>
    %sub3A_1817 = arith.constant 1.000000e+00 : f32
    %sub3A_1818 = vector.broadcast %sub3A_1817 : f32 to vector<16xf32>
    %sub3A_1819 = arith.subf %sub3A_1818, %mul3A_1804 : vector<16xf32>
    %max3A_1820 = arith.constant 9.99999997E-7 : f32
    %max3A_1821 = vector.broadcast %max3A_1820 : f32 to vector<16xf32>
    %max3A_1822 = arith.maximumf %sub3A_1819, %max3A_1821 : vector<16xf32>
    %select_n3A_1823 = arith.select %lt3A_1805, %max3A_1816, %max3A_1822 : vector<16xi1>, vector<16xf32>
    %jit3A_1824 = arith.constant 0.000000e+00 : f32
    %jit3A_1825 = arith.constant 5.000000e-01 : f32
    %broadcast_in_dim3A_1826 = vector.broadcast %jit3A_1824 : f32 to vector<16xf32>
    %broadcast_in_dim3A_1827 = vector.broadcast %jit3A_1825 : f32 to vector<16xf32>
    %select_n3A_1828 = arith.select %lt3A_1805, %broadcast_in_dim3A_1826, %broadcast_in_dim3A_1827 : vector<16xi1>, vector<16xf32>
    %div3A_1829 = arith.divf %select_n3A_1813, %select_n3A_1823 : vector<16xf32>
    %add3A_1830 = arith.addf %select_n3A_1828, %div3A_1829 : vector<16xf32>
    %mul3A_1831 = arith.mulf %add3A_1830, %min3A_1803 : vector<16xf32>
    %max3A_1832 = arith.constant 0.00999999977 : f32
    %max3A_1833 = vector.broadcast %max3A_1832 : f32 to vector<16xf32>
    %max3A_1834 = arith.maximumf %mul3A_1831, %max3A_1833 : vector<16xf32>
    %sub3A_1835 = arith.subf %min3A_1803, %max3A_1834 : vector<16xf32>
    %max3A_1836 = arith.constant 0.00999999977 : f32
    %max3A_1837 = vector.broadcast %max3A_1836 : f32 to vector<16xf32>
    %max3A_1838 = arith.maximumf %sub3A_1835, %max3A_1837 : vector<16xf32>
    %swap3A_1839 = arith.constant 368 : index
    %swap3A_1840 = tpu.vector_load %arg22[%swap3A_1839] {strides = array<i32>} : memref<512xf32, #tpu.memory_space<vmem>>, vector<16xf32>,
    %swap3A_1841 = vector.shape_cast %swap3A_1840 : vector<16xf32> to vector<16xf32>
    %swap3A_1842 = vector.shape_cast %add3A_1830 : vector<16xf32> to vector<16xf32>
    tpu.vector_store %arg22[%swap3A_1839], %swap3A_1842 {strides = array<i32>} : memref<512xf32, #tpu.memory_space<vmem>>, vector<16xf32>,
    %swap3A_1843 = arith.constant 368 : index
    %swap3A_1844 = tpu.vector_load %arg23[%swap3A_1843] {strides = array<i32>} : memref<512xf32, #tpu.memory_space<vmem>>, vector<16xf32>,
    %swap3A_1845 = vector.shape_cast %swap3A_1844 : vector<16xf32> to vector<16xf32>
    %swap3A_1846 = vector.shape_cast %min3A_1803 : vector<16xf32> to vector<16xf32>
    tpu.vector_store %arg23[%swap3A_1843], %swap3A_1846 {strides = array<i32>} : memref<512xf32, #tpu.memory_space<vmem>>, vector<16xf32>,
    %swap3A_1847 = arith.constant 368 : index
    %swap3A_1848 = tpu.vector_load %arg24[%swap3A_1847] {strides = array<i32>} : memref<512xf32, #tpu.memory_space<vmem>>, vector<16xf32>,
    %swap3A_1849 = vector.shape_cast %swap3A_1848 : vector<16xf32> to vector<16xf32>
    %swap3A_1850 = vector.shape_cast %max3A_1834 : vector<16xf32> to vector<16xf32>
    tpu.vector_store %arg24[%swap3A_1847], %swap3A_1850 {strides = array<i32>} : memref<512xf32, #tpu.memory_space<vmem>>, vector<16xf32>,
    %swap3A_1851 = arith.constant 368 : index
    %swap3A_1852 = tpu.vector_load %arg25[%swap3A_1851] {strides = array<i32>} : memref<512xf32, #tpu.memory_space<vmem>>, vector<16xf32>,
    %swap3A_1853 = vector.shape_cast %swap3A_1852 : vector<16xf32> to vector<16xf32>
    %swap3A_1854 = vector.shape_cast %max3A_1838 : vector<16xf32> to vector<16xf32>
    tpu.vector_store %arg25[%swap3A_1851], %swap3A_1854 {strides = array<i32>} : memref<512xf32, #tpu.memory_space<vmem>>, vector<16xf32>,
    %get3A_1855 = arith.constant 384 : index
    %get3A_1856 = tpu.vector_load %arg16[%get3A_1855] {strides = array<i32>} : memref<512xf32, #tpu.memory_space<vmem>>, vector<16xf32>,
    %get3A_1857 = vector.shape_cast %get3A_1856 : vector<16xf32> to vector<16xf32>
    %get3A_1858 = arith.constant 384 : index
    %get3A_1859 = tpu.vector_load %arg17[%get3A_1858] {strides = array<i32>} : memref<512xf32, #tpu.memory_space<vmem>>, vector<16xf32>,
    %get3A_1860 = vector.shape_cast %get3A_1859 : vector<16xf32> to vector<16xf32>
    %get3A_1861 = arith.constant 384 : index
    %get3A_1862 = tpu.vector_load %arg18[%get3A_1861] {strides = array<i32>} : memref<512xf32, #tpu.memory_space<vmem>>, vector<16xf32>,
    %get3A_1863 = vector.shape_cast %get3A_1862 : vector<16xf32> to vector<16xf32>
    %get3A_1864 = arith.constant 384 : index
    %get3A_1865 = tpu.vector_load %arg19[%get3A_1864] {strides = array<i32>} : memref<512xf32, #tpu.memory_space<vmem>>, vector<16xf32>,
    %get3A_1866 = vector.shape_cast %get3A_1865 : vector<16xf32> to vector<16xf32>
    %get3A_1867 = arith.constant 384 : index
    %get3A_1868 = tpu.vector_load %arg20[%get3A_1867] {strides = array<i32>} : memref<512xf32, #tpu.memory_space<vmem>>, vector<16xf32>,
    %get3A_1869 = vector.shape_cast %get3A_1868 : vector<16xf32> to vector<16xf32>
    %get3A_1870 = arith.constant 384 : index
    %get3A_1871 = tpu.vector_load %arg21[%get3A_1870] {strides = array<i32>} : memref<512xf32, #tpu.memory_space<vmem>>, vector<16xf32>,
    %get3A_1872 = vector.shape_cast %get3A_1871 : vector<16xf32> to vector<16xf32>
    %mul3A_1873 = arith.mulf %get3A_1869, %get3A_1872 : vector<16xf32>
    %mul3A_1874 = arith.mulf %get3A_1860, %mul3A_1873 : vector<16xf32>
    %max3A_1875 = arith.constant 9.99999997E-7 : f32
    %max3A_1876 = vector.broadcast %max3A_1875 : f32 to vector<16xf32>
    %max3A_1877 = arith.maximumf %mul3A_1874, %max3A_1876 : vector<16xf32>
    %min3A_1878 = arith.constant 1.500000e+01 : f32
    %min3A_1879 = vector.broadcast %min3A_1878 : f32 to vector<16xf32>
    %min3A_1880 = arith.minimumf %max3A_1877, %min3A_1879 : vector<16xf32>
    %mul3A_1881 = arith.mulf %get3A_1863, %get3A_1866 : vector<16xf32>
    %lt3A_1882 = arith.cmpf olt, %get3A_1857, %mul3A_1881 : vector<16xf32>
    %mul3A_1883 = arith.constant 5.000000e-01 : f32
    %mul3A_1884 = vector.broadcast %mul3A_1883 : f32 to vector<16xf32>
    %mul3A_1885 = arith.mulf %mul3A_1884, %get3A_1857 : vector<16xf32>
    %sub3A_1886 = arith.subf %get3A_1857, %mul3A_1881 : vector<16xf32>
    %mul3A_1887 = arith.constant 5.000000e-01 : f32
    %mul3A_1888 = vector.broadcast %mul3A_1887 : f32 to vector<16xf32>
    %mul3A_1889 = arith.mulf %mul3A_1888, %sub3A_1886 : vector<16xf32>
    %select_n3A_1890 = arith.select %lt3A_1882, %mul3A_1885, %mul3A_1889 : vector<16xi1>, vector<16xf32>
    %max3A_1891 = arith.constant 9.99999997E-7 : f32
    %max3A_1892 = vector.broadcast %max3A_1891 : f32 to vector<16xf32>
    %max3A_1893 = arith.maximumf %mul3A_1881, %max3A_1892 : vector<16xf32>
    %sub3A_1894 = arith.constant 1.000000e+00 : f32
    %sub3A_1895 = vector.broadcast %sub3A_1894 : f32 to vector<16xf32>
    %sub3A_1896 = arith.subf %sub3A_1895, %mul3A_1881 : vector<16xf32>
    %max3A_1897 = arith.constant 9.99999997E-7 : f32
    %max3A_1898 = vector.broadcast %max3A_1897 : f32 to vector<16xf32>
    %max3A_1899 = arith.maximumf %sub3A_1896, %max3A_1898 : vector<16xf32>
    %select_n3A_1900 = arith.select %lt3A_1882, %max3A_1893, %max3A_1899 : vector<16xi1>, vector<16xf32>
    %jit3A_1901 = arith.constant 0.000000e+00 : f32
    %jit3A_1902 = arith.constant 5.000000e-01 : f32
    %broadcast_in_dim3A_1903 = vector.broadcast %jit3A_1901 : f32 to vector<16xf32>
    %broadcast_in_dim3A_1904 = vector.broadcast %jit3A_1902 : f32 to vector<16xf32>
    %select_n3A_1905 = arith.select %lt3A_1882, %broadcast_in_dim3A_1903, %broadcast_in_dim3A_1904 : vector<16xi1>, vector<16xf32>
    %div3A_1906 = arith.divf %select_n3A_1890, %select_n3A_1900 : vector<16xf32>
    %add3A_1907 = arith.addf %select_n3A_1905, %div3A_1906 : vector<16xf32>
    %mul3A_1908 = arith.mulf %add3A_1907, %min3A_1880 : vector<16xf32>
    %max3A_1909 = arith.constant 0.00999999977 : f32
    %max3A_1910 = vector.broadcast %max3A_1909 : f32 to vector<16xf32>
    %max3A_1911 = arith.maximumf %mul3A_1908, %max3A_1910 : vector<16xf32>
    %sub3A_1912 = arith.subf %min3A_1880, %max3A_1911 : vector<16xf32>
    %max3A_1913 = arith.constant 0.00999999977 : f32
    %max3A_1914 = vector.broadcast %max3A_1913 : f32 to vector<16xf32>
    %max3A_1915 = arith.maximumf %sub3A_1912, %max3A_1914 : vector<16xf32>
    %swap3A_1916 = arith.constant 384 : index
    %swap3A_1917 = tpu.vector_load %arg22[%swap3A_1916] {strides = array<i32>} : memref<512xf32, #tpu.memory_space<vmem>>, vector<16xf32>,
    %swap3A_1918 = vector.shape_cast %swap3A_1917 : vector<16xf32> to vector<16xf32>
    %swap3A_1919 = vector.shape_cast %add3A_1907 : vector<16xf32> to vector<16xf32>
    tpu.vector_store %arg22[%swap3A_1916], %swap3A_1919 {strides = array<i32>} : memref<512xf32, #tpu.memory_space<vmem>>, vector<16xf32>,
    %swap3A_1920 = arith.constant 384 : index
    %swap3A_1921 = tpu.vector_load %arg23[%swap3A_1920] {strides = array<i32>} : memref<512xf32, #tpu.memory_space<vmem>>, vector<16xf32>,
    %swap3A_1922 = vector.shape_cast %swap3A_1921 : vector<16xf32> to vector<16xf32>
    %swap3A_1923 = vector.shape_cast %min3A_1880 : vector<16xf32> to vector<16xf32>
    tpu.vector_store %arg23[%swap3A_1920], %swap3A_1923 {strides = array<i32>} : memref<512xf32, #tpu.memory_space<vmem>>, vector<16xf32>,
    %swap3A_1924 = arith.constant 384 : index
    %swap3A_1925 = tpu.vector_load %arg24[%swap3A_1924] {strides = array<i32>} : memref<512xf32, #tpu.memory_space<vmem>>, vector<16xf32>,
    %swap3A_1926 = vector.shape_cast %swap3A_1925 : vector<16xf32> to vector<16xf32>
    %swap3A_1927 = vector.shape_cast %max3A_1911 : vector<16xf32> to vector<16xf32>
    tpu.vector_store %arg24[%swap3A_1924], %swap3A_1927 {strides = array<i32>} : memref<512xf32, #tpu.memory_space<vmem>>, vector<16xf32>,
    %swap3A_1928 = arith.constant 384 : index
    %swap3A_1929 = tpu.vector_load %arg25[%swap3A_1928] {strides = array<i32>} : memref<512xf32, #tpu.memory_space<vmem>>, vector<16xf32>,
    %swap3A_1930 = vector.shape_cast %swap3A_1929 : vector<16xf32> to vector<16xf32>
    %swap3A_1931 = vector.shape_cast %max3A_1915 : vector<16xf32> to vector<16xf32>
    tpu.vector_store %arg25[%swap3A_1928], %swap3A_1931 {strides = array<i32>} : memref<512xf32, #tpu.memory_space<vmem>>, vector<16xf32>,
    %get3A_1932 = arith.constant 400 : index
    %get3A_1933 = tpu.vector_load %arg16[%get3A_1932] {strides = array<i32>} : memref<512xf32, #tpu.memory_space<vmem>>, vector<16xf32>,
    %get3A_1934 = vector.shape_cast %get3A_1933 : vector<16xf32> to vector<16xf32>
    %get3A_1935 = arith.constant 400 : index
    %get3A_1936 = tpu.vector_load %arg17[%get3A_1935] {strides = array<i32>} : memref<512xf32, #tpu.memory_space<vmem>>, vector<16xf32>,
    %get3A_1937 = vector.shape_cast %get3A_1936 : vector<16xf32> to vector<16xf32>
    %get3A_1938 = arith.constant 400 : index
    %get3A_1939 = tpu.vector_load %arg18[%get3A_1938] {strides = array<i32>} : memref<512xf32, #tpu.memory_space<vmem>>, vector<16xf32>,
    %get3A_1940 = vector.shape_cast %get3A_1939 : vector<16xf32> to vector<16xf32>
    %get3A_1941 = arith.constant 400 : index
    %get3A_1942 = tpu.vector_load %arg19[%get3A_1941] {strides = array<i32>} : memref<512xf32, #tpu.memory_space<vmem>>, vector<16xf32>,
    %get3A_1943 = vector.shape_cast %get3A_1942 : vector<16xf32> to vector<16xf32>
    %get3A_1944 = arith.constant 400 : index
    %get3A_1945 = tpu.vector_load %arg20[%get3A_1944] {strides = array<i32>} : memref<512xf32, #tpu.memory_space<vmem>>, vector<16xf32>,
    %get3A_1946 = vector.shape_cast %get3A_1945 : vector<16xf32> to vector<16xf32>
    %get3A_1947 = arith.constant 400 : index
    %get3A_1948 = tpu.vector_load %arg21[%get3A_1947] {strides = array<i32>} : memref<512xf32, #tpu.memory_space<vmem>>, vector<16xf32>,
    %get3A_1949 = vector.shape_cast %get3A_1948 : vector<16xf32> to vector<16xf32>
    %mul3A_1950 = arith.mulf %get3A_1946, %get3A_1949 : vector<16xf32>
    %mul3A_1951 = arith.mulf %get3A_1937, %mul3A_1950 : vector<16xf32>
    %max3A_1952 = arith.constant 9.99999997E-7 : f32
    %max3A_1953 = vector.broadcast %max3A_1952 : f32 to vector<16xf32>
    %max3A_1954 = arith.maximumf %mul3A_1951, %max3A_1953 : vector<16xf32>
    %min3A_1955 = arith.constant 1.500000e+01 : f32
    %min3A_1956 = vector.broadcast %min3A_1955 : f32 to vector<16xf32>
    %min3A_1957 = arith.minimumf %max3A_1954, %min3A_1956 : vector<16xf32>
    %mul3A_1958 = arith.mulf %get3A_1940, %get3A_1943 : vector<16xf32>
    %lt3A_1959 = arith.cmpf olt, %get3A_1934, %mul3A_1958 : vector<16xf32>
    %mul3A_1960 = arith.constant 5.000000e-01 : f32
    %mul3A_1961 = vector.broadcast %mul3A_1960 : f32 to vector<16xf32>
    %mul3A_1962 = arith.mulf %mul3A_1961, %get3A_1934 : vector<16xf32>
    %sub3A_1963 = arith.subf %get3A_1934, %mul3A_1958 : vector<16xf32>
    %mul3A_1964 = arith.constant 5.000000e-01 : f32
    %mul3A_1965 = vector.broadcast %mul3A_1964 : f32 to vector<16xf32>
    %mul3A_1966 = arith.mulf %mul3A_1965, %sub3A_1963 : vector<16xf32>
    %select_n3A_1967 = arith.select %lt3A_1959, %mul3A_1962, %mul3A_1966 : vector<16xi1>, vector<16xf32>
    %max3A_1968 = arith.constant 9.99999997E-7 : f32
    %max3A_1969 = vector.broadcast %max3A_1968 : f32 to vector<16xf32>
    %max3A_1970 = arith.maximumf %mul3A_1958, %max3A_1969 : vector<16xf32>
    %sub3A_1971 = arith.constant 1.000000e+00 : f32
    %sub3A_1972 = vector.broadcast %sub3A_1971 : f32 to vector<16xf32>
    %sub3A_1973 = arith.subf %sub3A_1972, %mul3A_1958 : vector<16xf32>
    %max3A_1974 = arith.constant 9.99999997E-7 : f32
    %max3A_1975 = vector.broadcast %max3A_1974 : f32 to vector<16xf32>
    %max3A_1976 = arith.maximumf %sub3A_1973, %max3A_1975 : vector<16xf32>
    %select_n3A_1977 = arith.select %lt3A_1959, %max3A_1970, %max3A_1976 : vector<16xi1>, vector<16xf32>
    %jit3A_1978 = arith.constant 0.000000e+00 : f32
    %jit3A_1979 = arith.constant 5.000000e-01 : f32
    %broadcast_in_dim3A_1980 = vector.broadcast %jit3A_1978 : f32 to vector<16xf32>
    %broadcast_in_dim3A_1981 = vector.broadcast %jit3A_1979 : f32 to vector<16xf32>
    %select_n3A_1982 = arith.select %lt3A_1959, %broadcast_in_dim3A_1980, %broadcast_in_dim3A_1981 : vector<16xi1>, vector<16xf32>
    %div3A_1983 = arith.divf %select_n3A_1967, %select_n3A_1977 : vector<16xf32>
    %add3A_1984 = arith.addf %select_n3A_1982, %div3A_1983 : vector<16xf32>
    %mul3A_1985 = arith.mulf %add3A_1984, %min3A_1957 : vector<16xf32>
    %max3A_1986 = arith.constant 0.00999999977 : f32
    %max3A_1987 = vector.broadcast %max3A_1986 : f32 to vector<16xf32>
    %max3A_1988 = arith.maximumf %mul3A_1985, %max3A_1987 : vector<16xf32>
    %sub3A_1989 = arith.subf %min3A_1957, %max3A_1988 : vector<16xf32>
    %max3A_1990 = arith.constant 0.00999999977 : f32
    %max3A_1991 = vector.broadcast %max3A_1990 : f32 to vector<16xf32>
    %max3A_1992 = arith.maximumf %sub3A_1989, %max3A_1991 : vector<16xf32>
    %swap3A_1993 = arith.constant 400 : index
    %swap3A_1994 = tpu.vector_load %arg22[%swap3A_1993] {strides = array<i32>} : memref<512xf32, #tpu.memory_space<vmem>>, vector<16xf32>,
    %swap3A_1995 = vector.shape_cast %swap3A_1994 : vector<16xf32> to vector<16xf32>
    %swap3A_1996 = vector.shape_cast %add3A_1984 : vector<16xf32> to vector<16xf32>
    tpu.vector_store %arg22[%swap3A_1993], %swap3A_1996 {strides = array<i32>} : memref<512xf32, #tpu.memory_space<vmem>>, vector<16xf32>,
    %swap3A_1997 = arith.constant 400 : index
    %swap3A_1998 = tpu.vector_load %arg23[%swap3A_1997] {strides = array<i32>} : memref<512xf32, #tpu.memory_space<vmem>>, vector<16xf32>,
    %swap3A_1999 = vector.shape_cast %swap3A_1998 : vector<16xf32> to vector<16xf32>
    %swap3A_2000 = vector.shape_cast %min3A_1957 : vector<16xf32> to vector<16xf32>
    tpu.vector_store %arg23[%swap3A_1997], %swap3A_2000 {strides = array<i32>} : memref<512xf32, #tpu.memory_space<vmem>>, vector<16xf32>,
    %swap3A_2001 = arith.constant 400 : index
    %swap3A_2002 = tpu.vector_load %arg24[%swap3A_2001] {strides = array<i32>} : memref<512xf32, #tpu.memory_space<vmem>>, vector<16xf32>,
    %swap3A_2003 = vector.shape_cast %swap3A_2002 : vector<16xf32> to vector<16xf32>
    %swap3A_2004 = vector.shape_cast %max3A_1988 : vector<16xf32> to vector<16xf32>
    tpu.vector_store %arg24[%swap3A_2001], %swap3A_2004 {strides = array<i32>} : memref<512xf32, #tpu.memory_space<vmem>>, vector<16xf32>,
    %swap3A_2005 = arith.constant 400 : index
    %swap3A_2006 = tpu.vector_load %arg25[%swap3A_2005] {strides = array<i32>} : memref<512xf32, #tpu.memory_space<vmem>>, vector<16xf32>,
    %swap3A_2007 = vector.shape_cast %swap3A_2006 : vector<16xf32> to vector<16xf32>
    %swap3A_2008 = vector.shape_cast %max3A_1992 : vector<16xf32> to vector<16xf32>
    tpu.vector_store %arg25[%swap3A_2005], %swap3A_2008 {strides = array<i32>} : memref<512xf32, #tpu.memory_space<vmem>>, vector<16xf32>,
    %get3A_2009 = arith.constant 416 : index
    %get3A_2010 = tpu.vector_load %arg16[%get3A_2009] {strides = array<i32>} : memref<512xf32, #tpu.memory_space<vmem>>, vector<16xf32>,
    %get3A_2011 = vector.shape_cast %get3A_2010 : vector<16xf32> to vector<16xf32>
    %get3A_2012 = arith.constant 416 : index
    %get3A_2013 = tpu.vector_load %arg17[%get3A_2012] {strides = array<i32>} : memref<512xf32, #tpu.memory_space<vmem>>, vector<16xf32>,
    %get3A_2014 = vector.shape_cast %get3A_2013 : vector<16xf32> to vector<16xf32>
    %get3A_2015 = arith.constant 416 : index
    %get3A_2016 = tpu.vector_load %arg18[%get3A_2015] {strides = array<i32>} : memref<512xf32, #tpu.memory_space<vmem>>, vector<16xf32>,
    %get3A_2017 = vector.shape_cast %get3A_2016 : vector<16xf32> to vector<16xf32>
    %get3A_2018 = arith.constant 416 : index
    %get3A_2019 = tpu.vector_load %arg19[%get3A_2018] {strides = array<i32>} : memref<512xf32, #tpu.memory_space<vmem>>, vector<16xf32>,
    %get3A_2020 = vector.shape_cast %get3A_2019 : vector<16xf32> to vector<16xf32>
    %get3A_2021 = arith.constant 416 : index
    %get3A_2022 = tpu.vector_load %arg20[%get3A_2021] {strides = array<i32>} : memref<512xf32, #tpu.memory_space<vmem>>, vector<16xf32>,
    %get3A_2023 = vector.shape_cast %get3A_2022 : vector<16xf32> to vector<16xf32>
    %get3A_2024 = arith.constant 416 : index
    %get3A_2025 = tpu.vector_load %arg21[%get3A_2024] {strides = array<i32>} : memref<512xf32, #tpu.memory_space<vmem>>, vector<16xf32>,
    %get3A_2026 = vector.shape_cast %get3A_2025 : vector<16xf32> to vector<16xf32>
    %mul3A_2027 = arith.mulf %get3A_2023, %get3A_2026 : vector<16xf32>
    %mul3A_2028 = arith.mulf %get3A_2014, %mul3A_2027 : vector<16xf32>
    %max3A_2029 = arith.constant 9.99999997E-7 : f32
    %max3A_2030 = vector.broadcast %max3A_2029 : f32 to vector<16xf32>
    %max3A_2031 = arith.maximumf %mul3A_2028, %max3A_2030 : vector<16xf32>
    %min3A_2032 = arith.constant 1.500000e+01 : f32
    %min3A_2033 = vector.broadcast %min3A_2032 : f32 to vector<16xf32>
    %min3A_2034 = arith.minimumf %max3A_2031, %min3A_2033 : vector<16xf32>
    %mul3A_2035 = arith.mulf %get3A_2017, %get3A_2020 : vector<16xf32>
    %lt3A_2036 = arith.cmpf olt, %get3A_2011, %mul3A_2035 : vector<16xf32>
    %mul3A_2037 = arith.constant 5.000000e-01 : f32
    %mul3A_2038 = vector.broadcast %mul3A_2037 : f32 to vector<16xf32>
    %mul3A_2039 = arith.mulf %mul3A_2038, %get3A_2011 : vector<16xf32>
    %sub3A_2040 = arith.subf %get3A_2011, %mul3A_2035 : vector<16xf32>
    %mul3A_2041 = arith.constant 5.000000e-01 : f32
    %mul3A_2042 = vector.broadcast %mul3A_2041 : f32 to vector<16xf32>
    %mul3A_2043 = arith.mulf %mul3A_2042, %sub3A_2040 : vector<16xf32>
    %select_n3A_2044 = arith.select %lt3A_2036, %mul3A_2039, %mul3A_2043 : vector<16xi1>, vector<16xf32>
    %max3A_2045 = arith.constant 9.99999997E-7 : f32
    %max3A_2046 = vector.broadcast %max3A_2045 : f32 to vector<16xf32>
    %max3A_2047 = arith.maximumf %mul3A_2035, %max3A_2046 : vector<16xf32>
    %sub3A_2048 = arith.constant 1.000000e+00 : f32
    %sub3A_2049 = vector.broadcast %sub3A_2048 : f32 to vector<16xf32>
    %sub3A_2050 = arith.subf %sub3A_2049, %mul3A_2035 : vector<16xf32>
    %max3A_2051 = arith.constant 9.99999997E-7 : f32
    %max3A_2052 = vector.broadcast %max3A_2051 : f32 to vector<16xf32>
    %max3A_2053 = arith.maximumf %sub3A_2050, %max3A_2052 : vector<16xf32>
    %select_n3A_2054 = arith.select %lt3A_2036, %max3A_2047, %max3A_2053 : vector<16xi1>, vector<16xf32>
    %jit3A_2055 = arith.constant 0.000000e+00 : f32
    %jit3A_2056 = arith.constant 5.000000e-01 : f32
    %broadcast_in_dim3A_2057 = vector.broadcast %jit3A_2055 : f32 to vector<16xf32>
    %broadcast_in_dim3A_2058 = vector.broadcast %jit3A_2056 : f32 to vector<16xf32>
    %select_n3A_2059 = arith.select %lt3A_2036, %broadcast_in_dim3A_2057, %broadcast_in_dim3A_2058 : vector<16xi1>, vector<16xf32>
    %div3A_2060 = arith.divf %select_n3A_2044, %select_n3A_2054 : vector<16xf32>
    %add3A_2061 = arith.addf %select_n3A_2059, %div3A_2060 : vector<16xf32>
    %mul3A_2062 = arith.mulf %add3A_2061, %min3A_2034 : vector<16xf32>
    %max3A_2063 = arith.constant 0.00999999977 : f32
    %max3A_2064 = vector.broadcast %max3A_2063 : f32 to vector<16xf32>
    %max3A_2065 = arith.maximumf %mul3A_2062, %max3A_2064 : vector<16xf32>
    %sub3A_2066 = arith.subf %min3A_2034, %max3A_2065 : vector<16xf32>
    %max3A_2067 = arith.constant 0.00999999977 : f32
    %max3A_2068 = vector.broadcast %max3A_2067 : f32 to vector<16xf32>
    %max3A_2069 = arith.maximumf %sub3A_2066, %max3A_2068 : vector<16xf32>
    %swap3A_2070 = arith.constant 416 : index
    %swap3A_2071 = tpu.vector_load %arg22[%swap3A_2070] {strides = array<i32>} : memref<512xf32, #tpu.memory_space<vmem>>, vector<16xf32>,
    %swap3A_2072 = vector.shape_cast %swap3A_2071 : vector<16xf32> to vector<16xf32>
    %swap3A_2073 = vector.shape_cast %add3A_2061 : vector<16xf32> to vector<16xf32>
    tpu.vector_store %arg22[%swap3A_2070], %swap3A_2073 {strides = array<i32>} : memref<512xf32, #tpu.memory_space<vmem>>, vector<16xf32>,
    %swap3A_2074 = arith.constant 416 : index
    %swap3A_2075 = tpu.vector_load %arg23[%swap3A_2074] {strides = array<i32>} : memref<512xf32, #tpu.memory_space<vmem>>, vector<16xf32>,
    %swap3A_2076 = vector.shape_cast %swap3A_2075 : vector<16xf32> to vector<16xf32>
    %swap3A_2077 = vector.shape_cast %min3A_2034 : vector<16xf32> to vector<16xf32>
    tpu.vector_store %arg23[%swap3A_2074], %swap3A_2077 {strides = array<i32>} : memref<512xf32, #tpu.memory_space<vmem>>, vector<16xf32>,
    %swap3A_2078 = arith.constant 416 : index
    %swap3A_2079 = tpu.vector_load %arg24[%swap3A_2078] {strides = array<i32>} : memref<512xf32, #tpu.memory_space<vmem>>, vector<16xf32>,
    %swap3A_2080 = vector.shape_cast %swap3A_2079 : vector<16xf32> to vector<16xf32>
    %swap3A_2081 = vector.shape_cast %max3A_2065 : vector<16xf32> to vector<16xf32>
    tpu.vector_store %arg24[%swap3A_2078], %swap3A_2081 {strides = array<i32>} : memref<512xf32, #tpu.memory_space<vmem>>, vector<16xf32>,
    %swap3A_2082 = arith.constant 416 : index
    %swap3A_2083 = tpu.vector_load %arg25[%swap3A_2082] {strides = array<i32>} : memref<512xf32, #tpu.memory_space<vmem>>, vector<16xf32>,
    %swap3A_2084 = vector.shape_cast %swap3A_2083 : vector<16xf32> to vector<16xf32>
    %swap3A_2085 = vector.shape_cast %max3A_2069 : vector<16xf32> to vector<16xf32>
    tpu.vector_store %arg25[%swap3A_2082], %swap3A_2085 {strides = array<i32>} : memref<512xf32, #tpu.memory_space<vmem>>, vector<16xf32>,
    %get3A_2086 = arith.constant 432 : index
    %get3A_2087 = tpu.vector_load %arg16[%get3A_2086] {strides = array<i32>} : memref<512xf32, #tpu.memory_space<vmem>>, vector<16xf32>,
    %get3A_2088 = vector.shape_cast %get3A_2087 : vector<16xf32> to vector<16xf32>
    %get3A_2089 = arith.constant 432 : index
    %get3A_2090 = tpu.vector_load %arg17[%get3A_2089] {strides = array<i32>} : memref<512xf32, #tpu.memory_space<vmem>>, vector<16xf32>,
    %get3A_2091 = vector.shape_cast %get3A_2090 : vector<16xf32> to vector<16xf32>
    %get3A_2092 = arith.constant 432 : index
    %get3A_2093 = tpu.vector_load %arg18[%get3A_2092] {strides = array<i32>} : memref<512xf32, #tpu.memory_space<vmem>>, vector<16xf32>,
    %get3A_2094 = vector.shape_cast %get3A_2093 : vector<16xf32> to vector<16xf32>
    %get3A_2095 = arith.constant 432 : index
    %get3A_2096 = tpu.vector_load %arg19[%get3A_2095] {strides = array<i32>} : memref<512xf32, #tpu.memory_space<vmem>>, vector<16xf32>,
    %get3A_2097 = vector.shape_cast %get3A_2096 : vector<16xf32> to vector<16xf32>
    %get3A_2098 = arith.constant 432 : index
    %get3A_2099 = tpu.vector_load %arg20[%get3A_2098] {strides = array<i32>} : memref<512xf32, #tpu.memory_space<vmem>>, vector<16xf32>,
    %get3A_2100 = vector.shape_cast %get3A_2099 : vector<16xf32> to vector<16xf32>
    %get3A_2101 = arith.constant 432 : index
    %get3A_2102 = tpu.vector_load %arg21[%get3A_2101] {strides = array<i32>} : memref<512xf32, #tpu.memory_space<vmem>>, vector<16xf32>,
    %get3A_2103 = vector.shape_cast %get3A_2102 : vector<16xf32> to vector<16xf32>
    %mul3A_2104 = arith.mulf %get3A_2100, %get3A_2103 : vector<16xf32>
    %mul3A_2105 = arith.mulf %get3A_2091, %mul3A_2104 : vector<16xf32>
    %max3A_2106 = arith.constant 9.99999997E-7 : f32
    %max3A_2107 = vector.broadcast %max3A_2106 : f32 to vector<16xf32>
    %max3A_2108 = arith.maximumf %mul3A_2105, %max3A_2107 : vector<16xf32>
    %min3A_2109 = arith.constant 1.500000e+01 : f32
    %min3A_2110 = vector.broadcast %min3A_2109 : f32 to vector<16xf32>
    %min3A_2111 = arith.minimumf %max3A_2108, %min3A_2110 : vector<16xf32>
    %mul3A_2112 = arith.mulf %get3A_2094, %get3A_2097 : vector<16xf32>
    %lt3A_2113 = arith.cmpf olt, %get3A_2088, %mul3A_2112 : vector<16xf32>
    %mul3A_2114 = arith.constant 5.000000e-01 : f32
    %mul3A_2115 = vector.broadcast %mul3A_2114 : f32 to vector<16xf32>
    %mul3A_2116 = arith.mulf %mul3A_2115, %get3A_2088 : vector<16xf32>
    %sub3A_2117 = arith.subf %get3A_2088, %mul3A_2112 : vector<16xf32>
    %mul3A_2118 = arith.constant 5.000000e-01 : f32
    %mul3A_2119 = vector.broadcast %mul3A_2118 : f32 to vector<16xf32>
    %mul3A_2120 = arith.mulf %mul3A_2119, %sub3A_2117 : vector<16xf32>
    %select_n3A_2121 = arith.select %lt3A_2113, %mul3A_2116, %mul3A_2120 : vector<16xi1>, vector<16xf32>
    %max3A_2122 = arith.constant 9.99999997E-7 : f32
    %max3A_2123 = vector.broadcast %max3A_2122 : f32 to vector<16xf32>
    %max3A_2124 = arith.maximumf %mul3A_2112, %max3A_2123 : vector<16xf32>
    %sub3A_2125 = arith.constant 1.000000e+00 : f32
    %sub3A_2126 = vector.broadcast %sub3A_2125 : f32 to vector<16xf32>
    %sub3A_2127 = arith.subf %sub3A_2126, %mul3A_2112 : vector<16xf32>
    %max3A_2128 = arith.constant 9.99999997E-7 : f32
    %max3A_2129 = vector.broadcast %max3A_2128 : f32 to vector<16xf32>
    %max3A_2130 = arith.maximumf %sub3A_2127, %max3A_2129 : vector<16xf32>
    %select_n3A_2131 = arith.select %lt3A_2113, %max3A_2124, %max3A_2130 : vector<16xi1>, vector<16xf32>
    %jit3A_2132 = arith.constant 0.000000e+00 : f32
    %jit3A_2133 = arith.constant 5.000000e-01 : f32
    %broadcast_in_dim3A_2134 = vector.broadcast %jit3A_2132 : f32 to vector<16xf32>
    %broadcast_in_dim3A_2135 = vector.broadcast %jit3A_2133 : f32 to vector<16xf32>
    %select_n3A_2136 = arith.select %lt3A_2113, %broadcast_in_dim3A_2134, %broadcast_in_dim3A_2135 : vector<16xi1>, vector<16xf32>
    %div3A_2137 = arith.divf %select_n3A_2121, %select_n3A_2131 : vector<16xf32>
    %add3A_2138 = arith.addf %select_n3A_2136, %div3A_2137 : vector<16xf32>
    %mul3A_2139 = arith.mulf %add3A_2138, %min3A_2111 : vector<16xf32>
    %max3A_2140 = arith.constant 0.00999999977 : f32
    %max3A_2141 = vector.broadcast %max3A_2140 : f32 to vector<16xf32>
    %max3A_2142 = arith.maximumf %mul3A_2139, %max3A_2141 : vector<16xf32>
    %sub3A_2143 = arith.subf %min3A_2111, %max3A_2142 : vector<16xf32>
    %max3A_2144 = arith.constant 0.00999999977 : f32
    %max3A_2145 = vector.broadcast %max3A_2144 : f32 to vector<16xf32>
    %max3A_2146 = arith.maximumf %sub3A_2143, %max3A_2145 : vector<16xf32>
    %swap3A_2147 = arith.constant 432 : index
    %swap3A_2148 = tpu.vector_load %arg22[%swap3A_2147] {strides = array<i32>} : memref<512xf32, #tpu.memory_space<vmem>>, vector<16xf32>,
    %swap3A_2149 = vector.shape_cast %swap3A_2148 : vector<16xf32> to vector<16xf32>
    %swap3A_2150 = vector.shape_cast %add3A_2138 : vector<16xf32> to vector<16xf32>
    tpu.vector_store %arg22[%swap3A_2147], %swap3A_2150 {strides = array<i32>} : memref<512xf32, #tpu.memory_space<vmem>>, vector<16xf32>,
    %swap3A_2151 = arith.constant 432 : index
    %swap3A_2152 = tpu.vector_load %arg23[%swap3A_2151] {strides = array<i32>} : memref<512xf32, #tpu.memory_space<vmem>>, vector<16xf32>,
    %swap3A_2153 = vector.shape_cast %swap3A_2152 : vector<16xf32> to vector<16xf32>
    %swap3A_2154 = vector.shape_cast %min3A_2111 : vector<16xf32> to vector<16xf32>
    tpu.vector_store %arg23[%swap3A_2151], %swap3A_2154 {strides = array<i32>} : memref<512xf32, #tpu.memory_space<vmem>>, vector<16xf32>,
    %swap3A_2155 = arith.constant 432 : index
    %swap3A_2156 = tpu.vector_load %arg24[%swap3A_2155] {strides = array<i32>} : memref<512xf32, #tpu.memory_space<vmem>>, vector<16xf32>,
    %swap3A_2157 = vector.shape_cast %swap3A_2156 : vector<16xf32> to vector<16xf32>
    %swap3A_2158 = vector.shape_cast %max3A_2142 : vector<16xf32> to vector<16xf32>
    tpu.vector_store %arg24[%swap3A_2155], %swap3A_2158 {strides = array<i32>} : memref<512xf32, #tpu.memory_space<vmem>>, vector<16xf32>,
    %swap3A_2159 = arith.constant 432 : index
    %swap3A_2160 = tpu.vector_load %arg25[%swap3A_2159] {strides = array<i32>} : memref<512xf32, #tpu.memory_space<vmem>>, vector<16xf32>,
    %swap3A_2161 = vector.shape_cast %swap3A_2160 : vector<16xf32> to vector<16xf32>
    %swap3A_2162 = vector.shape_cast %max3A_2146 : vector<16xf32> to vector<16xf32>
    tpu.vector_store %arg25[%swap3A_2159], %swap3A_2162 {strides = array<i32>} : memref<512xf32, #tpu.memory_space<vmem>>, vector<16xf32>,
    %get3A_2163 = arith.constant 448 : index
    %get3A_2164 = tpu.vector_load %arg16[%get3A_2163] {strides = array<i32>} : memref<512xf32, #tpu.memory_space<vmem>>, vector<16xf32>,
    %get3A_2165 = vector.shape_cast %get3A_2164 : vector<16xf32> to vector<16xf32>
    %get3A_2166 = arith.constant 448 : index
    %get3A_2167 = tpu.vector_load %arg17[%get3A_2166] {strides = array<i32>} : memref<512xf32, #tpu.memory_space<vmem>>, vector<16xf32>,
    %get3A_2168 = vector.shape_cast %get3A_2167 : vector<16xf32> to vector<16xf32>
    %get3A_2169 = arith.constant 448 : index
    %get3A_2170 = tpu.vector_load %arg18[%get3A_2169] {strides = array<i32>} : memref<512xf32, #tpu.memory_space<vmem>>, vector<16xf32>,
    %get3A_2171 = vector.shape_cast %get3A_2170 : vector<16xf32> to vector<16xf32>
    %get3A_2172 = arith.constant 448 : index
    %get3A_2173 = tpu.vector_load %arg19[%get3A_2172] {strides = array<i32>} : memref<512xf32, #tpu.memory_space<vmem>>, vector<16xf32>,
    %get3A_2174 = vector.shape_cast %get3A_2173 : vector<16xf32> to vector<16xf32>
    %get3A_2175 = arith.constant 448 : index
    %get3A_2176 = tpu.vector_load %arg20[%get3A_2175] {strides = array<i32>} : memref<512xf32, #tpu.memory_space<vmem>>, vector<16xf32>,
    %get3A_2177 = vector.shape_cast %get3A_2176 : vector<16xf32> to vector<16xf32>
    %get3A_2178 = arith.constant 448 : index
    %get3A_2179 = tpu.vector_load %arg21[%get3A_2178] {strides = array<i32>} : memref<512xf32, #tpu.memory_space<vmem>>, vector<16xf32>,
    %get3A_2180 = vector.shape_cast %get3A_2179 : vector<16xf32> to vector<16xf32>
    %mul3A_2181 = arith.mulf %get3A_2177, %get3A_2180 : vector<16xf32>
    %mul3A_2182 = arith.mulf %get3A_2168, %mul3A_2181 : vector<16xf32>
    %max3A_2183 = arith.constant 9.99999997E-7 : f32
    %max3A_2184 = vector.broadcast %max3A_2183 : f32 to vector<16xf32>
    %max3A_2185 = arith.maximumf %mul3A_2182, %max3A_2184 : vector<16xf32>
    %min3A_2186 = arith.constant 1.500000e+01 : f32
    %min3A_2187 = vector.broadcast %min3A_2186 : f32 to vector<16xf32>
    %min3A_2188 = arith.minimumf %max3A_2185, %min3A_2187 : vector<16xf32>
    %mul3A_2189 = arith.mulf %get3A_2171, %get3A_2174 : vector<16xf32>
    %lt3A_2190 = arith.cmpf olt, %get3A_2165, %mul3A_2189 : vector<16xf32>
    %mul3A_2191 = arith.constant 5.000000e-01 : f32
    %mul3A_2192 = vector.broadcast %mul3A_2191 : f32 to vector<16xf32>
    %mul3A_2193 = arith.mulf %mul3A_2192, %get3A_2165 : vector<16xf32>
    %sub3A_2194 = arith.subf %get3A_2165, %mul3A_2189 : vector<16xf32>
    %mul3A_2195 = arith.constant 5.000000e-01 : f32
    %mul3A_2196 = vector.broadcast %mul3A_2195 : f32 to vector<16xf32>
    %mul3A_2197 = arith.mulf %mul3A_2196, %sub3A_2194 : vector<16xf32>
    %select_n3A_2198 = arith.select %lt3A_2190, %mul3A_2193, %mul3A_2197 : vector<16xi1>, vector<16xf32>
    %max3A_2199 = arith.constant 9.99999997E-7 : f32
    %max3A_2200 = vector.broadcast %max3A_2199 : f32 to vector<16xf32>
    %max3A_2201 = arith.maximumf %mul3A_2189, %max3A_2200 : vector<16xf32>
    %sub3A_2202 = arith.constant 1.000000e+00 : f32
    %sub3A_2203 = vector.broadcast %sub3A_2202 : f32 to vector<16xf32>
    %sub3A_2204 = arith.subf %sub3A_2203, %mul3A_2189 : vector<16xf32>
    %max3A_2205 = arith.constant 9.99999997E-7 : f32
    %max3A_2206 = vector.broadcast %max3A_2205 : f32 to vector<16xf32>
    %max3A_2207 = arith.maximumf %sub3A_2204, %max3A_2206 : vector<16xf32>
    %select_n3A_2208 = arith.select %lt3A_2190, %max3A_2201, %max3A_2207 : vector<16xi1>, vector<16xf32>
    %jit3A_2209 = arith.constant 0.000000e+00 : f32
    %jit3A_2210 = arith.constant 5.000000e-01 : f32
    %broadcast_in_dim3A_2211 = vector.broadcast %jit3A_2209 : f32 to vector<16xf32>
    %broadcast_in_dim3A_2212 = vector.broadcast %jit3A_2210 : f32 to vector<16xf32>
    %select_n3A_2213 = arith.select %lt3A_2190, %broadcast_in_dim3A_2211, %broadcast_in_dim3A_2212 : vector<16xi1>, vector<16xf32>
    %div3A_2214 = arith.divf %select_n3A_2198, %select_n3A_2208 : vector<16xf32>
    %add3A_2215 = arith.addf %select_n3A_2213, %div3A_2214 : vector<16xf32>
    %mul3A_2216 = arith.mulf %add3A_2215, %min3A_2188 : vector<16xf32>
    %max3A_2217 = arith.constant 0.00999999977 : f32
    %max3A_2218 = vector.broadcast %max3A_2217 : f32 to vector<16xf32>
    %max3A_2219 = arith.maximumf %mul3A_2216, %max3A_2218 : vector<16xf32>
    %sub3A_2220 = arith.subf %min3A_2188, %max3A_2219 : vector<16xf32>
    %max3A_2221 = arith.constant 0.00999999977 : f32
    %max3A_2222 = vector.broadcast %max3A_2221 : f32 to vector<16xf32>
    %max3A_2223 = arith.maximumf %sub3A_2220, %max3A_2222 : vector<16xf32>
    %swap3A_2224 = arith.constant 448 : index
    %swap3A_2225 = tpu.vector_load %arg22[%swap3A_2224] {strides = array<i32>} : memref<512xf32, #tpu.memory_space<vmem>>, vector<16xf32>,
    %swap3A_2226 = vector.shape_cast %swap3A_2225 : vector<16xf32> to vector<16xf32>
    %swap3A_2227 = vector.shape_cast %add3A_2215 : vector<16xf32> to vector<16xf32>
    tpu.vector_store %arg22[%swap3A_2224], %swap3A_2227 {strides = array<i32>} : memref<512xf32, #tpu.memory_space<vmem>>, vector<16xf32>,
    %swap3A_2228 = arith.constant 448 : index
    %swap3A_2229 = tpu.vector_load %arg23[%swap3A_2228] {strides = array<i32>} : memref<512xf32, #tpu.memory_space<vmem>>, vector<16xf32>,
    %swap3A_2230 = vector.shape_cast %swap3A_2229 : vector<16xf32> to vector<16xf32>
    %swap3A_2231 = vector.shape_cast %min3A_2188 : vector<16xf32> to vector<16xf32>
    tpu.vector_store %arg23[%swap3A_2228], %swap3A_2231 {strides = array<i32>} : memref<512xf32, #tpu.memory_space<vmem>>, vector<16xf32>,
    %swap3A_2232 = arith.constant 448 : index
    %swap3A_2233 = tpu.vector_load %arg24[%swap3A_2232] {strides = array<i32>} : memref<512xf32, #tpu.memory_space<vmem>>, vector<16xf32>,
    %swap3A_2234 = vector.shape_cast %swap3A_2233 : vector<16xf32> to vector<16xf32>
    %swap3A_2235 = vector.shape_cast %max3A_2219 : vector<16xf32> to vector<16xf32>
    tpu.vector_store %arg24[%swap3A_2232], %swap3A_2235 {strides = array<i32>} : memref<512xf32, #tpu.memory_space<vmem>>, vector<16xf32>,
    %swap3A_2236 = arith.constant 448 : index
    %swap3A_2237 = tpu.vector_load %arg25[%swap3A_2236] {strides = array<i32>} : memref<512xf32, #tpu.memory_space<vmem>>, vector<16xf32>,
    %swap3A_2238 = vector.shape_cast %swap3A_2237 : vector<16xf32> to vector<16xf32>
    %swap3A_2239 = vector.shape_cast %max3A_2223 : vector<16xf32> to vector<16xf32>
    tpu.vector_store %arg25[%swap3A_2236], %swap3A_2239 {strides = array<i32>} : memref<512xf32, #tpu.memory_space<vmem>>, vector<16xf32>,
    %get3A_2240 = arith.constant 464 : index
    %get3A_2241 = tpu.vector_load %arg16[%get3A_2240] {strides = array<i32>} : memref<512xf32, #tpu.memory_space<vmem>>, vector<16xf32>,
    %get3A_2242 = vector.shape_cast %get3A_2241 : vector<16xf32> to vector<16xf32>
    %get3A_2243 = arith.constant 464 : index
    %get3A_2244 = tpu.vector_load %arg17[%get3A_2243] {strides = array<i32>} : memref<512xf32, #tpu.memory_space<vmem>>, vector<16xf32>,
    %get3A_2245 = vector.shape_cast %get3A_2244 : vector<16xf32> to vector<16xf32>
    %get3A_2246 = arith.constant 464 : index
    %get3A_2247 = tpu.vector_load %arg18[%get3A_2246] {strides = array<i32>} : memref<512xf32, #tpu.memory_space<vmem>>, vector<16xf32>,
    %get3A_2248 = vector.shape_cast %get3A_2247 : vector<16xf32> to vector<16xf32>
    %get3A_2249 = arith.constant 464 : index
    %get3A_2250 = tpu.vector_load %arg19[%get3A_2249] {strides = array<i32>} : memref<512xf32, #tpu.memory_space<vmem>>, vector<16xf32>,
    %get3A_2251 = vector.shape_cast %get3A_2250 : vector<16xf32> to vector<16xf32>
    %get3A_2252 = arith.constant 464 : index
    %get3A_2253 = tpu.vector_load %arg20[%get3A_2252] {strides = array<i32>} : memref<512xf32, #tpu.memory_space<vmem>>, vector<16xf32>,
    %get3A_2254 = vector.shape_cast %get3A_2253 : vector<16xf32> to vector<16xf32>
    %get3A_2255 = arith.constant 464 : index
    %get3A_2256 = tpu.vector_load %arg21[%get3A_2255] {strides = array<i32>} : memref<512xf32, #tpu.memory_space<vmem>>, vector<16xf32>,
    %get3A_2257 = vector.shape_cast %get3A_2256 : vector<16xf32> to vector<16xf32>
    %mul3A_2258 = arith.mulf %get3A_2254, %get3A_2257 : vector<16xf32>
    %mul3A_2259 = arith.mulf %get3A_2245, %mul3A_2258 : vector<16xf32>
    %max3A_2260 = arith.constant 9.99999997E-7 : f32
    %max3A_2261 = vector.broadcast %max3A_2260 : f32 to vector<16xf32>
    %max3A_2262 = arith.maximumf %mul3A_2259, %max3A_2261 : vector<16xf32>
    %min3A_2263 = arith.constant 1.500000e+01 : f32
    %min3A_2264 = vector.broadcast %min3A_2263 : f32 to vector<16xf32>
    %min3A_2265 = arith.minimumf %max3A_2262, %min3A_2264 : vector<16xf32>
    %mul3A_2266 = arith.mulf %get3A_2248, %get3A_2251 : vector<16xf32>
    %lt3A_2267 = arith.cmpf olt, %get3A_2242, %mul3A_2266 : vector<16xf32>
    %mul3A_2268 = arith.constant 5.000000e-01 : f32
    %mul3A_2269 = vector.broadcast %mul3A_2268 : f32 to vector<16xf32>
    %mul3A_2270 = arith.mulf %mul3A_2269, %get3A_2242 : vector<16xf32>
    %sub3A_2271 = arith.subf %get3A_2242, %mul3A_2266 : vector<16xf32>
    %mul3A_2272 = arith.constant 5.000000e-01 : f32
    %mul3A_2273 = vector.broadcast %mul3A_2272 : f32 to vector<16xf32>
    %mul3A_2274 = arith.mulf %mul3A_2273, %sub3A_2271 : vector<16xf32>
    %select_n3A_2275 = arith.select %lt3A_2267, %mul3A_2270, %mul3A_2274 : vector<16xi1>, vector<16xf32>
    %max3A_2276 = arith.constant 9.99999997E-7 : f32
    %max3A_2277 = vector.broadcast %max3A_2276 : f32 to vector<16xf32>
    %max3A_2278 = arith.maximumf %mul3A_2266, %max3A_2277 : vector<16xf32>
    %sub3A_2279 = arith.constant 1.000000e+00 : f32
    %sub3A_2280 = vector.broadcast %sub3A_2279 : f32 to vector<16xf32>
    %sub3A_2281 = arith.subf %sub3A_2280, %mul3A_2266 : vector<16xf32>
    %max3A_2282 = arith.constant 9.99999997E-7 : f32
    %max3A_2283 = vector.broadcast %max3A_2282 : f32 to vector<16xf32>
    %max3A_2284 = arith.maximumf %sub3A_2281, %max3A_2283 : vector<16xf32>
    %select_n3A_2285 = arith.select %lt3A_2267, %max3A_2278, %max3A_2284 : vector<16xi1>, vector<16xf32>
    %jit3A_2286 = arith.constant 0.000000e+00 : f32
    %jit3A_2287 = arith.constant 5.000000e-01 : f32
    %broadcast_in_dim3A_2288 = vector.broadcast %jit3A_2286 : f32 to vector<16xf32>
    %broadcast_in_dim3A_2289 = vector.broadcast %jit3A_2287 : f32 to vector<16xf32>
    %select_n3A_2290 = arith.select %lt3A_2267, %broadcast_in_dim3A_2288, %broadcast_in_dim3A_2289 : vector<16xi1>, vector<16xf32>
    %div3A_2291 = arith.divf %select_n3A_2275, %select_n3A_2285 : vector<16xf32>
    %add3A_2292 = arith.addf %select_n3A_2290, %div3A_2291 : vector<16xf32>
    %mul3A_2293 = arith.mulf %add3A_2292, %min3A_2265 : vector<16xf32>
    %max3A_2294 = arith.constant 0.00999999977 : f32
    %max3A_2295 = vector.broadcast %max3A_2294 : f32 to vector<16xf32>
    %max3A_2296 = arith.maximumf %mul3A_2293, %max3A_2295 : vector<16xf32>
    %sub3A_2297 = arith.subf %min3A_2265, %max3A_2296 : vector<16xf32>
    %max3A_2298 = arith.constant 0.00999999977 : f32
    %max3A_2299 = vector.broadcast %max3A_2298 : f32 to vector<16xf32>
    %max3A_2300 = arith.maximumf %sub3A_2297, %max3A_2299 : vector<16xf32>
    %swap3A_2301 = arith.constant 464 : index
    %swap3A_2302 = tpu.vector_load %arg22[%swap3A_2301] {strides = array<i32>} : memref<512xf32, #tpu.memory_space<vmem>>, vector<16xf32>,
    %swap3A_2303 = vector.shape_cast %swap3A_2302 : vector<16xf32> to vector<16xf32>
    %swap3A_2304 = vector.shape_cast %add3A_2292 : vector<16xf32> to vector<16xf32>
    tpu.vector_store %arg22[%swap3A_2301], %swap3A_2304 {strides = array<i32>} : memref<512xf32, #tpu.memory_space<vmem>>, vector<16xf32>,
    %swap3A_2305 = arith.constant 464 : index
    %swap3A_2306 = tpu.vector_load %arg23[%swap3A_2305] {strides = array<i32>} : memref<512xf32, #tpu.memory_space<vmem>>, vector<16xf32>,
    %swap3A_2307 = vector.shape_cast %swap3A_2306 : vector<16xf32> to vector<16xf32>
    %swap3A_2308 = vector.shape_cast %min3A_2265 : vector<16xf32> to vector<16xf32>
    tpu.vector_store %arg23[%swap3A_2305], %swap3A_2308 {strides = array<i32>} : memref<512xf32, #tpu.memory_space<vmem>>, vector<16xf32>,
    %swap3A_2309 = arith.constant 464 : index
    %swap3A_2310 = tpu.vector_load %arg24[%swap3A_2309] {strides = array<i32>} : memref<512xf32, #tpu.memory_space<vmem>>, vector<16xf32>,
    %swap3A_2311 = vector.shape_cast %swap3A_2310 : vector<16xf32> to vector<16xf32>
    %swap3A_2312 = vector.shape_cast %max3A_2296 : vector<16xf32> to vector<16xf32>
    tpu.vector_store %arg24[%swap3A_2309], %swap3A_2312 {strides = array<i32>} : memref<512xf32, #tpu.memory_space<vmem>>, vector<16xf32>,
    %swap3A_2313 = arith.constant 464 : index
    %swap3A_2314 = tpu.vector_load %arg25[%swap3A_2313] {strides = array<i32>} : memref<512xf32, #tpu.memory_space<vmem>>, vector<16xf32>,
    %swap3A_2315 = vector.shape_cast %swap3A_2314 : vector<16xf32> to vector<16xf32>
    %swap3A_2316 = vector.shape_cast %max3A_2300 : vector<16xf32> to vector<16xf32>
    tpu.vector_store %arg25[%swap3A_2313], %swap3A_2316 {strides = array<i32>} : memref<512xf32, #tpu.memory_space<vmem>>, vector<16xf32>,
    %get3A_2317 = arith.constant 480 : index
    %get3A_2318 = tpu.vector_load %arg16[%get3A_2317] {strides = array<i32>} : memref<512xf32, #tpu.memory_space<vmem>>, vector<16xf32>,
    %get3A_2319 = vector.shape_cast %get3A_2318 : vector<16xf32> to vector<16xf32>
    %get3A_2320 = arith.constant 480 : index
    %get3A_2321 = tpu.vector_load %arg17[%get3A_2320] {strides = array<i32>} : memref<512xf32, #tpu.memory_space<vmem>>, vector<16xf32>,
    %get3A_2322 = vector.shape_cast %get3A_2321 : vector<16xf32> to vector<16xf32>
    %get3A_2323 = arith.constant 480 : index
    %get3A_2324 = tpu.vector_load %arg18[%get3A_2323] {strides = array<i32>} : memref<512xf32, #tpu.memory_space<vmem>>, vector<16xf32>,
    %get3A_2325 = vector.shape_cast %get3A_2324 : vector<16xf32> to vector<16xf32>
    %get3A_2326 = arith.constant 480 : index
    %get3A_2327 = tpu.vector_load %arg19[%get3A_2326] {strides = array<i32>} : memref<512xf32, #tpu.memory_space<vmem>>, vector<16xf32>,
    %get3A_2328 = vector.shape_cast %get3A_2327 : vector<16xf32> to vector<16xf32>
    %get3A_2329 = arith.constant 480 : index
    %get3A_2330 = tpu.vector_load %arg20[%get3A_2329] {strides = array<i32>} : memref<512xf32, #tpu.memory_space<vmem>>, vector<16xf32>,
    %get3A_2331 = vector.shape_cast %get3A_2330 : vector<16xf32> to vector<16xf32>
    %get3A_2332 = arith.constant 480 : index
    %get3A_2333 = tpu.vector_load %arg21[%get3A_2332] {strides = array<i32>} : memref<512xf32, #tpu.memory_space<vmem>>, vector<16xf32>,
    %get3A_2334 = vector.shape_cast %get3A_2333 : vector<16xf32> to vector<16xf32>
    %mul3A_2335 = arith.mulf %get3A_2331, %get3A_2334 : vector<16xf32>
    %mul3A_2336 = arith.mulf %get3A_2322, %mul3A_2335 : vector<16xf32>
    %max3A_2337 = arith.constant 9.99999997E-7 : f32
    %max3A_2338 = vector.broadcast %max3A_2337 : f32 to vector<16xf32>
    %max3A_2339 = arith.maximumf %mul3A_2336, %max3A_2338 : vector<16xf32>
    %min3A_2340 = arith.constant 1.500000e+01 : f32
    %min3A_2341 = vector.broadcast %min3A_2340 : f32 to vector<16xf32>
    %min3A_2342 = arith.minimumf %max3A_2339, %min3A_2341 : vector<16xf32>
    %mul3A_2343 = arith.mulf %get3A_2325, %get3A_2328 : vector<16xf32>
    %lt3A_2344 = arith.cmpf olt, %get3A_2319, %mul3A_2343 : vector<16xf32>
    %mul3A_2345 = arith.constant 5.000000e-01 : f32
    %mul3A_2346 = vector.broadcast %mul3A_2345 : f32 to vector<16xf32>
    %mul3A_2347 = arith.mulf %mul3A_2346, %get3A_2319 : vector<16xf32>
    %sub3A_2348 = arith.subf %get3A_2319, %mul3A_2343 : vector<16xf32>
    %mul3A_2349 = arith.constant 5.000000e-01 : f32
    %mul3A_2350 = vector.broadcast %mul3A_2349 : f32 to vector<16xf32>
    %mul3A_2351 = arith.mulf %mul3A_2350, %sub3A_2348 : vector<16xf32>
    %select_n3A_2352 = arith.select %lt3A_2344, %mul3A_2347, %mul3A_2351 : vector<16xi1>, vector<16xf32>
    %max3A_2353 = arith.constant 9.99999997E-7 : f32
    %max3A_2354 = vector.broadcast %max3A_2353 : f32 to vector<16xf32>
    %max3A_2355 = arith.maximumf %mul3A_2343, %max3A_2354 : vector<16xf32>
    %sub3A_2356 = arith.constant 1.000000e+00 : f32
    %sub3A_2357 = vector.broadcast %sub3A_2356 : f32 to vector<16xf32>
    %sub3A_2358 = arith.subf %sub3A_2357, %mul3A_2343 : vector<16xf32>
    %max3A_2359 = arith.constant 9.99999997E-7 : f32
    %max3A_2360 = vector.broadcast %max3A_2359 : f32 to vector<16xf32>
    %max3A_2361 = arith.maximumf %sub3A_2358, %max3A_2360 : vector<16xf32>
    %select_n3A_2362 = arith.select %lt3A_2344, %max3A_2355, %max3A_2361 : vector<16xi1>, vector<16xf32>
    %jit3A_2363 = arith.constant 0.000000e+00 : f32
    %jit3A_2364 = arith.constant 5.000000e-01 : f32
    %broadcast_in_dim3A_2365 = vector.broadcast %jit3A_2363 : f32 to vector<16xf32>
    %broadcast_in_dim3A_2366 = vector.broadcast %jit3A_2364 : f32 to vector<16xf32>
    %select_n3A_2367 = arith.select %lt3A_2344, %broadcast_in_dim3A_2365, %broadcast_in_dim3A_2366 : vector<16xi1>, vector<16xf32>
    %div3A_2368 = arith.divf %select_n3A_2352, %select_n3A_2362 : vector<16xf32>
    %add3A_2369 = arith.addf %select_n3A_2367, %div3A_2368 : vector<16xf32>
    %mul3A_2370 = arith.mulf %add3A_2369, %min3A_2342 : vector<16xf32>
    %max3A_2371 = arith.constant 0.00999999977 : f32
    %max3A_2372 = vector.broadcast %max3A_2371 : f32 to vector<16xf32>
    %max3A_2373 = arith.maximumf %mul3A_2370, %max3A_2372 : vector<16xf32>
    %sub3A_2374 = arith.subf %min3A_2342, %max3A_2373 : vector<16xf32>
    %max3A_2375 = arith.constant 0.00999999977 : f32
    %max3A_2376 = vector.broadcast %max3A_2375 : f32 to vector<16xf32>
    %max3A_2377 = arith.maximumf %sub3A_2374, %max3A_2376 : vector<16xf32>
    %swap3A_2378 = arith.constant 480 : index
    %swap3A_2379 = tpu.vector_load %arg22[%swap3A_2378] {strides = array<i32>} : memref<512xf32, #tpu.memory_space<vmem>>, vector<16xf32>,
    %swap3A_2380 = vector.shape_cast %swap3A_2379 : vector<16xf32> to vector<16xf32>
    %swap3A_2381 = vector.shape_cast %add3A_2369 : vector<16xf32> to vector<16xf32>
    tpu.vector_store %arg22[%swap3A_2378], %swap3A_2381 {strides = array<i32>} : memref<512xf32, #tpu.memory_space<vmem>>, vector<16xf32>,
    %swap3A_2382 = arith.constant 480 : index
    %swap3A_2383 = tpu.vector_load %arg23[%swap3A_2382] {strides = array<i32>} : memref<512xf32, #tpu.memory_space<vmem>>, vector<16xf32>,
    %swap3A_2384 = vector.shape_cast %swap3A_2383 : vector<16xf32> to vector<16xf32>
    %swap3A_2385 = vector.shape_cast %min3A_2342 : vector<16xf32> to vector<16xf32>
    tpu.vector_store %arg23[%swap3A_2382], %swap3A_2385 {strides = array<i32>} : memref<512xf32, #tpu.memory_space<vmem>>, vector<16xf32>,
    %swap3A_2386 = arith.constant 480 : index
    %swap3A_2387 = tpu.vector_load %arg24[%swap3A_2386] {strides = array<i32>} : memref<512xf32, #tpu.memory_space<vmem>>, vector<16xf32>,
    %swap3A_2388 = vector.shape_cast %swap3A_2387 : vector<16xf32> to vector<16xf32>
    %swap3A_2389 = vector.shape_cast %max3A_2373 : vector<16xf32> to vector<16xf32>
    tpu.vector_store %arg24[%swap3A_2386], %swap3A_2389 {strides = array<i32>} : memref<512xf32, #tpu.memory_space<vmem>>, vector<16xf32>,
    %swap3A_2390 = arith.constant 480 : index
    %swap3A_2391 = tpu.vector_load %arg25[%swap3A_2390] {strides = array<i32>} : memref<512xf32, #tpu.memory_space<vmem>>, vector<16xf32>,
    %swap3A_2392 = vector.shape_cast %swap3A_2391 : vector<16xf32> to vector<16xf32>
    %swap3A_2393 = vector.shape_cast %max3A_2377 : vector<16xf32> to vector<16xf32>
    tpu.vector_store %arg25[%swap3A_2390], %swap3A_2393 {strides = array<i32>} : memref<512xf32, #tpu.memory_space<vmem>>, vector<16xf32>,
    %get3A_2394 = arith.constant 496 : index
    %get3A_2395 = tpu.vector_load %arg16[%get3A_2394] {strides = array<i32>} : memref<512xf32, #tpu.memory_space<vmem>>, vector<16xf32>,
    %get3A_2396 = vector.shape_cast %get3A_2395 : vector<16xf32> to vector<16xf32>
    %get3A_2397 = arith.constant 496 : index
    %get3A_2398 = tpu.vector_load %arg17[%get3A_2397] {strides = array<i32>} : memref<512xf32, #tpu.memory_space<vmem>>, vector<16xf32>,
    %get3A_2399 = vector.shape_cast %get3A_2398 : vector<16xf32> to vector<16xf32>
    %get3A_2400 = arith.constant 496 : index
    %get3A_2401 = tpu.vector_load %arg18[%get3A_2400] {strides = array<i32>} : memref<512xf32, #tpu.memory_space<vmem>>, vector<16xf32>,
    %get3A_2402 = vector.shape_cast %get3A_2401 : vector<16xf32> to vector<16xf32>
    %get3A_2403 = arith.constant 496 : index
    %get3A_2404 = tpu.vector_load %arg19[%get3A_2403] {strides = array<i32>} : memref<512xf32, #tpu.memory_space<vmem>>, vector<16xf32>,
    %get3A_2405 = vector.shape_cast %get3A_2404 : vector<16xf32> to vector<16xf32>
    %get3A_2406 = arith.constant 496 : index
    %get3A_2407 = tpu.vector_load %arg20[%get3A_2406] {strides = array<i32>} : memref<512xf32, #tpu.memory_space<vmem>>, vector<16xf32>,
    %get3A_2408 = vector.shape_cast %get3A_2407 : vector<16xf32> to vector<16xf32>
    %get3A_2409 = arith.constant 496 : index
    %get3A_2410 = tpu.vector_load %arg21[%get3A_2409] {strides = array<i32>} : memref<512xf32, #tpu.memory_space<vmem>>, vector<16xf32>,
    %get3A_2411 = vector.shape_cast %get3A_2410 : vector<16xf32> to vector<16xf32>
    %mul3A_2412 = arith.mulf %get3A_2408, %get3A_2411 : vector<16xf32>
    %mul3A_2413 = arith.mulf %get3A_2399, %mul3A_2412 : vector<16xf32>
    %max3A_2414 = arith.constant 9.99999997E-7 : f32
    %max3A_2415 = vector.broadcast %max3A_2414 : f32 to vector<16xf32>
    %max3A_2416 = arith.maximumf %mul3A_2413, %max3A_2415 : vector<16xf32>
    %min3A_2417 = arith.constant 1.500000e+01 : f32
    %min3A_2418 = vector.broadcast %min3A_2417 : f32 to vector<16xf32>
    %min3A_2419 = arith.minimumf %max3A_2416, %min3A_2418 : vector<16xf32>
    %mul3A_2420 = arith.mulf %get3A_2402, %get3A_2405 : vector<16xf32>
    %lt3A_2421 = arith.cmpf olt, %get3A_2396, %mul3A_2420 : vector<16xf32>
    %mul3A_2422 = arith.constant 5.000000e-01 : f32
    %mul3A_2423 = vector.broadcast %mul3A_2422 : f32 to vector<16xf32>
    %mul3A_2424 = arith.mulf %mul3A_2423, %get3A_2396 : vector<16xf32>
    %sub3A_2425 = arith.subf %get3A_2396, %mul3A_2420 : vector<16xf32>
    %mul3A_2426 = arith.constant 5.000000e-01 : f32
    %mul3A_2427 = vector.broadcast %mul3A_2426 : f32 to vector<16xf32>
    %mul3A_2428 = arith.mulf %mul3A_2427, %sub3A_2425 : vector<16xf32>
    %select_n3A_2429 = arith.select %lt3A_2421, %mul3A_2424, %mul3A_2428 : vector<16xi1>, vector<16xf32>
    %max3A_2430 = arith.constant 9.99999997E-7 : f32
    %max3A_2431 = vector.broadcast %max3A_2430 : f32 to vector<16xf32>
    %max3A_2432 = arith.maximumf %mul3A_2420, %max3A_2431 : vector<16xf32>
    %sub3A_2433 = arith.constant 1.000000e+00 : f32
    %sub3A_2434 = vector.broadcast %sub3A_2433 : f32 to vector<16xf32>
    %sub3A_2435 = arith.subf %sub3A_2434, %mul3A_2420 : vector<16xf32>
    %max3A_2436 = arith.constant 9.99999997E-7 : f32
    %max3A_2437 = vector.broadcast %max3A_2436 : f32 to vector<16xf32>
    %max3A_2438 = arith.maximumf %sub3A_2435, %max3A_2437 : vector<16xf32>
    %select_n3A_2439 = arith.select %lt3A_2421, %max3A_2432, %max3A_2438 : vector<16xi1>, vector<16xf32>
    %jit3A_2440 = arith.constant 0.000000e+00 : f32
    %jit3A_2441 = arith.constant 5.000000e-01 : f32
    %broadcast_in_dim3A_2442 = vector.broadcast %jit3A_2440 : f32 to vector<16xf32>
    %broadcast_in_dim3A_2443 = vector.broadcast %jit3A_2441 : f32 to vector<16xf32>
    %select_n3A_2444 = arith.select %lt3A_2421, %broadcast_in_dim3A_2442, %broadcast_in_dim3A_2443 : vector<16xi1>, vector<16xf32>
    %div3A_2445 = arith.divf %select_n3A_2429, %select_n3A_2439 : vector<16xf32>
    %add3A_2446 = arith.addf %select_n3A_2444, %div3A_2445 : vector<16xf32>
    %mul3A_2447 = arith.mulf %add3A_2446, %min3A_2419 : vector<16xf32>
    %max3A_2448 = arith.constant 0.00999999977 : f32
    %max3A_2449 = vector.broadcast %max3A_2448 : f32 to vector<16xf32>
    %max3A_2450 = arith.maximumf %mul3A_2447, %max3A_2449 : vector<16xf32>
    %sub3A_2451 = arith.subf %min3A_2419, %max3A_2450 : vector<16xf32>
    %max3A_2452 = arith.constant 0.00999999977 : f32
    %max3A_2453 = vector.broadcast %max3A_2452 : f32 to vector<16xf32>
    %max3A_2454 = arith.maximumf %sub3A_2451, %max3A_2453 : vector<16xf32>
    %swap3A_2455 = arith.constant 496 : index
    %swap3A_2456 = tpu.vector_load %arg22[%swap3A_2455] {strides = array<i32>} : memref<512xf32, #tpu.memory_space<vmem>>, vector<16xf32>,
    %swap3A_2457 = vector.shape_cast %swap3A_2456 : vector<16xf32> to vector<16xf32>
    %swap3A_2458 = vector.shape_cast %add3A_2446 : vector<16xf32> to vector<16xf32>
    tpu.vector_store %arg22[%swap3A_2455], %swap3A_2458 {strides = array<i32>} : memref<512xf32, #tpu.memory_space<vmem>>, vector<16xf32>,
    %swap3A_2459 = arith.constant 496 : index
    %swap3A_2460 = tpu.vector_load %arg23[%swap3A_2459] {strides = array<i32>} : memref<512xf32, #tpu.memory_space<vmem>>, vector<16xf32>,
    %swap3A_2461 = vector.shape_cast %swap3A_2460 : vector<16xf32> to vector<16xf32>
    %swap3A_2462 = vector.shape_cast %min3A_2419 : vector<16xf32> to vector<16xf32>
    tpu.vector_store %arg23[%swap3A_2459], %swap3A_2462 {strides = array<i32>} : memref<512xf32, #tpu.memory_space<vmem>>, vector<16xf32>,
    %swap3A_2463 = arith.constant 496 : index
    %swap3A_2464 = tpu.vector_load %arg24[%swap3A_2463] {strides = array<i32>} : memref<512xf32, #tpu.memory_space<vmem>>, vector<16xf32>,
    %swap3A_2465 = vector.shape_cast %swap3A_2464 : vector<16xf32> to vector<16xf32>
    %swap3A_2466 = vector.shape_cast %max3A_2450 : vector<16xf32> to vector<16xf32>
    tpu.vector_store %arg24[%swap3A_2463], %swap3A_2466 {strides = array<i32>} : memref<512xf32, #tpu.memory_space<vmem>>, vector<16xf32>,
    %swap3A_2467 = arith.constant 496 : index
    %swap3A_2468 = tpu.vector_load %arg25[%swap3A_2467] {strides = array<i32>} : memref<512xf32, #tpu.memory_space<vmem>>, vector<16xf32>,
    %swap3A_2469 = vector.shape_cast %swap3A_2468 : vector<16xf32> to vector<16xf32>
    %swap3A_2470 = vector.shape_cast %max3A_2454 : vector<16xf32> to vector<16xf32>
    tpu.vector_store %arg25[%swap3A_2467], %swap3A_2470 {strides = array<i32>} : memref<512xf32, #tpu.memory_space<vmem>>, vector<16xf32>,
    "tpu.region"() ({
      %run_scoped3A = tpu.sem_alloc : memref<!tpu.dma_semaphore, #tpu.memory_space<semaphore_mem>>
      %dma_start3A_2471 = tpu.memref_slice %arg10[%mul3A_2] : memref<16384xf32, #tpu.memory_space<hbm>> -> memref<512xf32, #tpu.memory_space<hbm>>
      %dma_start3A_2472 = tpu.memref_slice %arg10[%mul3A_2] : memref<16384xf32, #tpu.memory_space<hbm>> -> memref<512xf32, #tpu.memory_space<hbm>>
      tpu.enqueue_dma source(%arg22 : memref<512xf32, #tpu.memory_space<vmem>>) target(%dma_start3A_2472 : memref<512xf32, #tpu.memory_space<hbm>>) target_semaphore(%run_scoped3A : memref<!tpu.dma_semaphore, #tpu.memory_space<semaphore_mem>>)
      %dma_wait3A_2473 = tpu.memref_slice %arg10[%mul3A_2] : memref<16384xf32, #tpu.memory_space<hbm>> -> memref<512xf32, #tpu.memory_space<hbm>>
      %dma_wait3A_2474 = tpu.memref_slice %arg10[%mul3A_2] : memref<16384xf32, #tpu.memory_space<hbm>> -> memref<512xf32, #tpu.memory_space<hbm>>
      tpu.wait_dma2 semaphore(%run_scoped3A : memref<!tpu.dma_semaphore, #tpu.memory_space<semaphore_mem>>) src(%arg22 : memref<512xf32, #tpu.memory_space<vmem>>) dst(%dma_wait3A_2474 : memref<512xf32, #tpu.memory_space<hbm>>)
      tpu.yield
    }) : () -> ()
    "tpu.region"() ({
      %run_scoped3A = tpu.sem_alloc : memref<!tpu.dma_semaphore, #tpu.memory_space<semaphore_mem>>
      %dma_start3A_2471 = tpu.memref_slice %arg11[%mul3A_2] : memref<16384xf32, #tpu.memory_space<hbm>> -> memref<512xf32, #tpu.memory_space<hbm>>
      %dma_start3A_2472 = tpu.memref_slice %arg11[%mul3A_2] : memref<16384xf32, #tpu.memory_space<hbm>> -> memref<512xf32, #tpu.memory_space<hbm>>
      tpu.enqueue_dma source(%arg23 : memref<512xf32, #tpu.memory_space<vmem>>) target(%dma_start3A_2472 : memref<512xf32, #tpu.memory_space<hbm>>) target_semaphore(%run_scoped3A : memref<!tpu.dma_semaphore, #tpu.memory_space<semaphore_mem>>)
      %dma_wait3A_2473 = tpu.memref_slice %arg11[%mul3A_2] : memref<16384xf32, #tpu.memory_space<hbm>> -> memref<512xf32, #tpu.memory_space<hbm>>
      %dma_wait3A_2474 = tpu.memref_slice %arg11[%mul3A_2] : memref<16384xf32, #tpu.memory_space<hbm>> -> memref<512xf32, #tpu.memory_space<hbm>>
      tpu.wait_dma2 semaphore(%run_scoped3A : memref<!tpu.dma_semaphore, #tpu.memory_space<semaphore_mem>>) src(%arg23 : memref<512xf32, #tpu.memory_space<vmem>>) dst(%dma_wait3A_2474 : memref<512xf32, #tpu.memory_space<hbm>>)
      tpu.yield
    }) : () -> ()
    "tpu.region"() ({
      %run_scoped3A = tpu.sem_alloc : memref<!tpu.dma_semaphore, #tpu.memory_space<semaphore_mem>>
      %dma_start3A_2471 = tpu.memref_slice %arg12[%mul3A_2] : memref<16384xf32, #tpu.memory_space<hbm>> -> memref<512xf32, #tpu.memory_space<hbm>>
      %dma_start3A_2472 = tpu.memref_slice %arg12[%mul3A_2] : memref<16384xf32, #tpu.memory_space<hbm>> -> memref<512xf32, #tpu.memory_space<hbm>>
      tpu.enqueue_dma source(%arg24 : memref<512xf32, #tpu.memory_space<vmem>>) target(%dma_start3A_2472 : memref<512xf32, #tpu.memory_space<hbm>>) target_semaphore(%run_scoped3A : memref<!tpu.dma_semaphore, #tpu.memory_space<semaphore_mem>>)
      %dma_wait3A_2473 = tpu.memref_slice %arg12[%mul3A_2] : memref<16384xf32, #tpu.memory_space<hbm>> -> memref<512xf32, #tpu.memory_space<hbm>>
      %dma_wait3A_2474 = tpu.memref_slice %arg12[%mul3A_2] : memref<16384xf32, #tpu.memory_space<hbm>> -> memref<512xf32, #tpu.memory_space<hbm>>
      tpu.wait_dma2 semaphore(%run_scoped3A : memref<!tpu.dma_semaphore, #tpu.memory_space<semaphore_mem>>) src(%arg24 : memref<512xf32, #tpu.memory_space<vmem>>) dst(%dma_wait3A_2474 : memref<512xf32, #tpu.memory_space<hbm>>)
      tpu.yield
    }) : () -> ()
    "tpu.region"() ({
      %run_scoped3A = tpu.sem_alloc : memref<!tpu.dma_semaphore, #tpu.memory_space<semaphore_mem>>
      %dma_start3A_2471 = tpu.memref_slice %arg13[%mul3A_2] : memref<16384xf32, #tpu.memory_space<hbm>> -> memref<512xf32, #tpu.memory_space<hbm>>
      %dma_start3A_2472 = tpu.memref_slice %arg13[%mul3A_2] : memref<16384xf32, #tpu.memory_space<hbm>> -> memref<512xf32, #tpu.memory_space<hbm>>
      tpu.enqueue_dma source(%arg25 : memref<512xf32, #tpu.memory_space<vmem>>) target(%dma_start3A_2472 : memref<512xf32, #tpu.memory_space<hbm>>) target_semaphore(%run_scoped3A : memref<!tpu.dma_semaphore, #tpu.memory_space<semaphore_mem>>)
      %dma_wait3A_2473 = tpu.memref_slice %arg13[%mul3A_2] : memref<16384xf32, #tpu.memory_space<hbm>> -> memref<512xf32, #tpu.memory_space<hbm>>
      %dma_wait3A_2474 = tpu.memref_slice %arg13[%mul3A_2] : memref<16384xf32, #tpu.memory_space<hbm>> -> memref<512xf32, #tpu.memory_space<hbm>>
      tpu.wait_dma2 semaphore(%run_scoped3A : memref<!tpu.dma_semaphore, #tpu.memory_space<semaphore_mem>>) src(%arg25 : memref<512xf32, #tpu.memory_space<vmem>>) dst(%dma_wait3A_2474 : memref<512xf32, #tpu.memory_space<hbm>>)
      tpu.yield
    }) : () -> ()
    return
  }
}

</mosaic_0001>

<sc_bundles>
// kernel: kernel.3.cloned.1.call-start
scs
__scs_entry_jumppad:
0x0: {  	(pc) =	sbr.rel $0x88, $3  }
0x1: {  	(tag) =	ssettag $0x0;
	lr =	simm.s32 $0x1  }
0x2: {  	[smem:$0x3F99] =	sst lr;
	_ =	strace $0xD0000000  }
0x3: {  	_ = 	snop  }
0x4: {  	_ = 	snop  }
0x5: {  	_ = 	snop  }
0x6: {  	_ = 	snop  }
0x7: {  	_ = 	snop  }
__scs_overlays_trampoline_lowered:
0x8: {  	[smem:$0x3FA8] =	sst s0  }
0x9: {  	[smem:$0x3FA9] =	sst s1  }
0xa: {  	[smem:$0x3FAA] =	sst s2  }
0xb: {  	[smem:$0x3FAB] =	sst s3  }
0xc: {  	[smem:$0x3FAC] =	sst s4  }
0xd: {  	[smem:$0x3FAD] =	sst s5  }
0xe: {  	[smem:$0x3FAE] =	sst s6  }
0xf: {  	[smem:$0x3FAF] =	sst s7  }
0x10: {  	[smem:$0x3FB0] =	sst s8  }
0x11: {  	[smem:$0x3FB1] =	sst s9;
	s0 =	simm.s32 @!p0 $0x0  }
0x12: {  	s1 =	sld [smem:$0x3F97];
	s0 =	simm.s32 @p0 $0x1  }
0x13: {  	[smem:$0x3FB2] =	sst s0;
	s0 =	simm.s32 @!p1 $0x0  }
0x14: {  	s2 =	sld [smem:$0x3F96];
	s0 =	simm.s32 @p1 $0x1  }
0x15: {  	[smem:$0x3FB3] =	sst s0;
	s0 =	simm.s32 @!p2 $0x0  }
0x16: {  	s3 =	sld [smem:$0x3FDB];
	s0 =	simm.s32 @p2 $0x1  }
0x17: {  	s4 =	simm.s32 $0x1BF5;
	[smem:$0x3FB5] =	sst s0  }
0x18: {  	s0 =	sld [smem:$0x3F98];
	_ =	swait.ge [sflag:s4], $0x0  }
0x19: {  	s7 =	sld [smem:$0x3F99]  }
0x1a: {  	s8 =	sadd.s32 $0xFFFFE003, lr  }
0x1b: {  	s9 =	sadd.s32 $0xFFFFFEF7, lr;
	s5 =	simm.s32 $0xFFFFFFFF;
	p2 =	slt.u32 s8, $0xFFFFF086  }
0x1c: {  	p1 =	slt.u32 s9, $0xF7A;
	s5 =	simm.s32 @!p2 $0x0  }
0x1d: {  	s5 =	simm.s32 @p1 $0x1;
	p0 =	seq.s32 s7, s2  }
0x1e: {  	s7 =	smul.u32 @!p0 $0xF7A, s2;
	p2 =	seq.s32 @!p0 s5, $0x0  }
0x1f: {  	s9 =	smul.u32 $0xF7A, s1;
	s8 =	simm.s32 @!p0 $0x1BF5;
	p2 =	por !p2, p0  }
0x20: {  	[sflag:s8] =	ssyncset.s32 @!p0 $0xFFFFF086;
	s6 =	sadd.s32 @!p0 s3, s7;
	s7 =	simm.s32 @!p0 $0x108  }
0x21: {  	s3 =	sadd.s32 s3, s9;
	s6 =	sadd.s32 @!p0 $0x88, s6;
	s7 =	simm.s32 @p2 $0x1082  }
0x22: {  	[simem:s7], [sflag:s8] =	dma.local @!p0 [hbm:s6], $0xF7A  }
0x23: {  	s9 =	sor.u32 $0xD0000000, s2;
	s6 =	simm.s32 $0x108;
	_ =	swait.ge @!p0 [sflag:s8], $0x0  }
0x24: {  	s3 =	sadd.s32 $0x88, s3;
	s6 =	simm.s32 @!p1 $0x1082;
	[sflag:s4] =	ssyncset.s32 $0xFFFFF086  }
0x25: {  	[simem:s6], [sflag:s4] =	dma.local [hbm:s3], $0xF7A  }
0x26: {  	[smem:$0x3F99] =	sst s1;
	(tag) =	ssettag s2;
	_ =	strace s9  }
0x27: {  	s1 =	sld [smem:$0x3FA9]  }
0x28: {  	s2 =	sld [smem:$0x3FAA]  }
0x29: {  	s4 =	sld [smem:$0x3FAC]  }
0x2a: {  	p0 =	seq.s32 s5, $0x0;
	s5 =	sld [smem:$0x3FAD]  }
0x2b: {  	s6 =	sld [smem:$0x3FAE]  }
0x2c: {  	s7 =	sld [smem:$0x3FAF]  }
0x2d: {  	s3 =	simm.s32 $0x108;
	s8 =	sld [smem:$0x3FB0]  }
0x2e: {  	s3 =	simm.s32 @!p0 $0x1082;
	s9 =	sld [smem:$0x3FB1]  }
0x2f: {  	lr =	sadd.s32 s0, s3;
	s0 =	sld [smem:$0x3FA8]  }
0x30: {  	s3 =	sld [smem:$0x3FAB]  }
0x31: {  	[smem:$0x3FB4] =	sst s10  }
0x32: {  	s10 =	sld [smem:$0x3FB2];
	_ =	sdelay $0x3  }
0x33: {  	p0 =	seq.s32 s10, $0x1;
	s10 =	sld [smem:$0x3FB4];
	_ =	sdelay $0x3  }
0x34: {  	[smem:$0x3FB4] =	sst s10  }
0x35: {  	s10 =	sld [smem:$0x3FB3];
	_ =	sdelay $0x3  }
0x36: {  	p1 =	seq.s32 s10, $0x1;
	s10 =	sld [smem:$0x3FB4];
	_ =	sdelay $0x3  }
0x37: {  	[smem:$0x3FB4] =	sst s10  }
0x38: {  	s10 =	sld [smem:$0x3FB5]  }
0x39: {  	_ = 	snop;
	(pc) =	sbr.ind lr, $3  }
0x3a: {  	_ = 	snop  }
0x3b: {  	_ = 	snop  }
0x3c: {  	p2 =	seq.s32 s10, $0x1;
	s10 =	sld [smem:$0x3FB4]  }
0x3d: {  	_ =	shalt  }
0x3e: {  	_ =	shalt  }
0x3f: {  	_ =	shalt  }
0x40: {  	_ =	shalt  }
0x41: {  	_ =	shalt  }
0x42: {  	_ =	shalt  }
0x43: {  	_ =	shalt  }
0x44: {  	_ =	shalt  }
0x45: {  	_ =	shalt  }
0x46: {  	_ =	shalt  }
0x47: {  	_ =	shalt  }
0x48: {  	_ =	shalt  }
0x49: {  	_ =	shalt  }
0x4a: {  	_ =	shalt  }
0x4b: {  	_ =	shalt  }
0x4c: {  	_ =	shalt  }
0x4d: {  	_ =	shalt  }
0x4e: {  	_ =	shalt  }
0x4f: {  	_ =	shalt  }
0x50: {  	_ =	shalt  }
0x51: {  	_ =	shalt  }
0x52: {  	_ =	shalt  }
0x53: {  	_ =	shalt  }
0x54: {  	_ =	shalt  }
0x55: {  	_ =	shalt  }
0x56: {  	_ =	shalt  }
0x57: {  	_ =	shalt  }
0x58: {  	_ =	shalt  }
0x59: {  	_ =	shalt  }
0x5a: {  	_ =	shalt  }
0x5b: {  	_ =	shalt  }
0x5c: {  	_ =	shalt  }
0x5d: {  	_ =	shalt  }
0x5e: {  	_ =	shalt  }
0x5f: {  	_ =	shalt  }
0x60: {  	_ =	shalt  }
0x61: {  	_ =	shalt  }
0x62: {  	_ =	shalt  }
0x63: {  	_ =	shalt  }
0x64: {  	_ =	shalt  }
0x65: {  	_ =	shalt  }
0x66: {  	_ =	shalt  }
0x67: {  	_ =	shalt  }
0x68: {  	_ =	shalt  }
0x69: {  	_ =	shalt  }
0x6a: {  	_ =	shalt  }
0x6b: {  	_ =	shalt  }
0x6c: {  	_ =	shalt  }
0x6d: {  	_ =	shalt  }
0x6e: {  	_ =	shalt  }
0x6f: {  	_ =	shalt  }
0x70: {  	_ =	shalt  }
0x71: {  	_ =	shalt  }
0x72: {  	_ =	shalt  }
0x73: {  	_ =	shalt  }
0x74: {  	_ =	shalt  }
0x75: {  	_ =	shalt  }
0x76: {  	_ =	shalt  }
0x77: {  	_ =	shalt  }
0x78: {  	_ =	shalt  }
0x79: {  	_ =	shalt  }
0x7a: {  	_ =	shalt  }
0x7b: {  	_ =	shalt  }
0x7c: {  	_ =	shalt  }
0x7d: {  	_ =	shalt  }
0x7e: {  	_ =	shalt  }
0x7f: {  	_ =	shalt  }
0x80: {  	_ =	shalt  }
0x81: {  	_ =	shalt  }
0x82: {  	_ =	shalt  }
0x83: {  	_ =	shalt  }
0x84: {  	_ =	shalt  }
0x85: {  	_ =	shalt  }
0x86: {  	_ =	shalt  }
0x87: {  	_ =	shalt  }
.Lfunc_end0:
.L_simem_size_0:
called_computation_lowered:
.L_overlay_start_0:
0x88: {  	s2 =	sld [smem:$0x3FD9]  }
0x89: {  	s3 =	sld [smem:$0x3FFE];
	_ =	sdelay $0x1  }
0x8a: {  	s1 =	srdreg.scid  }
0x8b: {  	s0 =	sand.u32 $0x1, s1  }
0x8c: {  	s14 =	sshll.u32 s0, $0xA;
	s2 =	sadd.s32 s3, s2  }
0x8d: {  	s2 =	sadd.s32 s2, s14  }
0x8e: {  	[smem:$0x3FC0] =	sst s2  }
0x8f: {  	_ = 	snop  }
0x90: {  	s2 =	sld [smem:$0x3FC9]  }
0x91: {  	s15 =	sld [smem:$0x3FD0]  }
0x92: {  	s4 =	sld [smem:$0x3FC8]  }
0x93: {  	s5 =	sld [smem:$0x3FC7]  }
0x94: {  	s7 =	simm.s32 $0xA;
	s8 =	simm.s32 $0x10;
	s6 =	sld [smem:$0x3FC6]  }
0x95: {  	[smem:s8], [sflag:s7] =	dma.local [hbm:s15], $0x1  }
0x96: {  	_ =	swait.eq [sflag:s7], $0x1  }
0x97: {  	s16 =	sld [smem:$0x10]  }
0x98: {  	s17 =	sld [smem:$0x11];
	[sflag:s7] =	ssyncset.done $0x0  }
0x99: {  	s9 =	sld [smem:$0x12];
	[sflag:s7] =	ssyncadd.s32 $0xFFFFFFFF  }
0x9a: {  	s18 =	sld [smem:$0x13];
	(tm) =	ssettm $0x1  }
0x9b: {  	s10 =	sld [smem:$0x3FFB];
	_ =	sdelay $0x3  }
0x9c: {  	_ =	strace s10  }
0x9d: {  	s10 =	sld [smem:$0x3FFC];
	_ =	sdelay $0x3  }
0x9e: {  	_ =	strace s10  }
0x9f: {  	s10 =	sld [smem:$0x3FFD];
	_ =	sdelay $0x3  }
0xa0: {  	_ =	strace s10  }
0xa1: {  	_ =	strace $0x8FFFFFFF  }
0xa2: {  	s19 =	sld [smem:$0x3FDB];
	_ =	sdelay $0x1  }
0xa3: {  	s11 =	simm.s32 $_scs_section_size  }
0xa4: {  	s12 =	simm.s32 $_size__tile_overlayer_lowered;
	s13 =	simm.s32 $_tile_overlayer_lowered  }
0xa5: {  	s22 =	simm.s32 $0x1BFF;
	s21 =	sshll.u32 s13, $0x1;
	s10 =	sadd.s32 s11, s19  }
0xa6: {  	s20 =	sshll.u32 s12, $0x1;
	s14 =	simm.s32 $0x0;
	s12 =	sadd.s32 s21, s10  }
0xa7: {  	[timem:s14], [sflag:s22] =	dma.local [hbm:s12], s20  }
0xa8: {  	_ =	swait.ge [sflag:s22], s20  }
0xa9: {  	s11 =	ssub.s32 $0x0, s20;
	[sflag:s22] =	ssyncset.done $0x0  }
0xaa: {  	[sflag:s22] =	ssyncadd.s32 s11;
	_ =	sdelay $0x1  }
0xab: {  	s23 =	simm.s32 $0x1B8B  }
0xac: {  	_ =	swait.ge [sflag:s23], $0x1  }
0xad: {  	[sflag:s23] =	ssyncset.done $0x0  }
0xae: {  	s25 =	simm.s32 $0x1B8E;
	s24 =	sld [smem:$0x3FFE];
	[sflag:s23] =	ssyncadd.s32 $0xFFFFFFFF  }
0xaf: {  	s26 =	simm.s32 $execute0_lowered;
	[smem:$0x3FD2] =	sst s25  }
0xb0: {  	s12 =	sshll.u32 s26, $0x1;
	_ =	strace $0x80000046;
	[dreg:$0x1] =	wrdreg $0xFFFFFFFF  }
0xb1: {  	s28 =	simm.s32 $_size_execute0_lowered;
	s10 =	sadd.s32 s10, s12;
	[dreg:$0x0] =	wrdreg $0x0  }
0xb2: {  	s12 =	sshll.u32 s28, $0x1;
	[dreg:$0x2] =	wrdreg s10  }
0xb3: {  	[dreg:$0x3] =	wrdreg s12  }
0xb4: {  	[dreg:$0x4] =	wrdreg $0xC0  }
0xb5: {  	_ =	task [dreg:s14], $0x5FFFF  }
0xb6: {  	[dreg:$0x1] =	wrdreg $0xFFFFFFFF  }
0xb7: {  	[dreg:$0x0] =	wrdreg $0x60  }
0xb8: {  	[dreg:$0x2] =	wrdreg s2  }
0xb9: {  	[dreg:$0x3] =	wrdreg s4  }
0xba: {  	[dreg:$0x4] =	wrdreg s5  }
0xbb: {  	[dreg:$0x5] =	wrdreg s6  }
0xbc: {  	[dreg:$0x6] =	wrdreg s24  }
0xbd: {  	[dreg:$0x7] =	wrdreg s16  }
0xbe: {  	[dreg:$0x8] =	wrdreg s17  }
0xbf: {  	[dreg:$0x9] =	wrdreg s9  }
0xc0: {  	[dreg:$0xa] =	wrdreg s18  }
0xc1: {  	[dreg:$0xb] =	wrdreg $0x9  }
0xc2: {  	_ =	task.clear_ibuf [dreg:s14], $0xCFFFF;
	_ =	strace $0x90000046  }
0xc3: {  	s29 =	simm.s32 $0x9;
	_ =	strace $0x80000048  }
0xc4: {  	_ =	swait.ge [sflag:s29], $0x1  }
0xc5: {  	[sflag:s29] =	ssyncadd.s32 $0xFFFFFFFF  }
0xc6: {  	_ =	strace $0x90000048  }
0xc7: {  	_ =	sfence  }
0xc8: {  	s30 =	sld [smem:$0x0];
	_ =	sdelay $0x2  }
0xc9: {  	s31 =	sshll.u32 s1, $0xD;
	s1 =	sshrl.u32 s1, $0x2  }
0xca: {  	s3 =	sand.u32 $0x4000, s31;
	s1 =	sadd.s32 s1, s30  }
0xcb: {  	s0 =	sor.u32 s3, s0;
	s1 =	sshll.u32 s1, $0x11  }
0xcc: {  	s0 =	sor.u32 s1, s0  }
0xcd: {  	s0 =	sadd.s32 $0x8F2B, s0  }
0xce: {  	[sflag:s0] =	ssyncadd.remote.s32 $0x1  }
0xcf: {  	_ =	sfence.sel $0xFFFF  }
0xd0: {  	[dreg:$0x0] =	wrdreg $0xFFFFFFFF;
	(pc) =	sbr.abs _section_cstart, $3  }
0xd1: {  	[dreg:$0x1] =	wrdreg $0xFFFFFFFF  }
0xd2: {  	_ =	task.clear_ibuf [dreg:s14], $0x2FFFF;
	_ =	strace $0x9FFFFFFF  }
0xd3: {  	(tm) =	ssettm $0x7FFFFFFF  }
tec
execute0_lowered:
.L_overlay_start_1:
0x0: {  	(tag) =	ssettag $0x1  }
0x1: {  	s6 =	rddreg [dreg:$0x0]  }
0x2: {  	s7 =	rddreg [dreg:$0x1]  }
0x3: {  	s8 =	rddreg [dreg:$0x2]  }
0x4: {  	s9 =	rddreg [dreg:$0x3]  }
0x5: {  	s1 =	rddreg [dreg:$0x4]  }
0x6: {  	s10 =	rddreg [dreg:$0x5]  }
0x7: {  	s11 =	rddreg [dreg:$0x6]  }
0x8: {  	s12 =	rddreg [dreg:$0x7]  }
0x9: {  	s13 =	rddreg [dreg:$0x8];
	s2 =	simm.s32 $0x0;
	s4 =	srdreg.scid  }
0xa: {  	s17 =	simm.s32 $0x800;
	s18 =	simm.s32 $0xA00;
	s19 =	simm.s32 $0xC00  }
0xb: {  	s20 =	simm.s32 $0xE00;
	s21 =	simm.s32 $0x400;
	s22 =	simm.s32 $0x600  }
0xc: {  	s23 =	simm.s32 $0x1;
	s24 =	simm.s32 $0x2;
	s25 =	simm.s32 $0x3  }
0xd: {  	s26 =	simm.s32 $0x4;
	s28 =	simm.s32 $0x1000;
	s29 =	simm.s32 $0x1200  }
0xe: {  	s30 =	simm.s32 $0x1400;
	s31 =	simm.s32 $0x1600;
	[smem:$0x7FF] =	sst s2  }
0xf: {  	s3 =	sadd.s32 $0x1EA00, s1;
	s4 =	sand.u32 $0x1, s4;
	_ =	strace $0x80000047  }
0x10: {  	[dreg:$0xa] =	wrdreg s3;
	s3 =	stileid.u32;
	s14 =	ssub.s32 $0x2, s4  }
0x11: {  	s15 =	sshll.u32 s4, $0x6;
	s4 =	sadd.s32 $0x3D400, s1;
	s5 =	sshll.u32 s3, $0x7  }
0x12: {  	s16 =	sshrl.u32 s14, $0x1;
	s15 =	sor.u32 s15, s5;
	s5 =	sadd.s32 $0x5BE00, s1  }
0x13: {  	s14 =	ssub.s32 s14, s16;
	s16 =	simm.s32 $0x200;
	s6 =	sadd.s32 s6, s15  }
0x14: {  	s7 =	sadd.s32 s7, s15;
	s8 =	sadd.s32 s8, s15;
	s9 =	sadd.s32 s9, s15  }
0x15: {  	s10 =	sadd.s32 s10, s15;
	s11 =	sadd.s32 s11, s15;
	s12 =	sadd.s32 s12, s15  }
0x16: {  	v49 =	vimm.f32 $5.000000000e-01;
	s13 =	sadd.s32 s13, s15;
	s14 =	smax.u32 s14, $0x1;
	s15 =	simm.s32 $0x5  }
.LBB2_1:
0x17: {  	[tilespmem:s2], [sflag:$0x5] =	stream.linear.gather [hbm4b:s6+s2], $0x200, $0x38;
	[tilespmem:$0x1800] =	vst v63  }
0x18: {  	_ =	swait.ge [sflag:s15], $0x200  }
0x19: {  	[sflag:s15] =	ssyncset.done $0x0  }
0x1a: {  	[sflag:s15] =	ssyncadd.s32 $0xFFFFFE00  }
0x1b: {  	[tilespmem:s16], [sflag:$0x5] =	stream.linear.gather [hbm4b:s7+s2], $0x200, $0x38;
	[tilespmem:$0x1800] =	vst v63  }
0x1c: {  	_ =	swait.ge [sflag:s15], $0x200  }
0x1d: {  	[sflag:s15] =	ssyncset.done $0x0  }
0x1e: {  	[sflag:s15] =	ssyncadd.s32 $0xFFFFFE00  }
0x1f: {  	[tilespmem:s17], [sflag:$0x1] =	stream.indirect.gather [hbm4b:s1+s16], $0x1, s2, s16, $0xb8;
	[tilespmem:$0x1800] =	vst v63  }
0x20: {  	s0 =	rddreg [dreg:$0xa]  }
0x21: {  	[tilespmem:s18], [sflag:$0x2] =	stream.indirect.gather [hbm4b:s0+s16], $0x1, s16, s16, $0xb8;
	[tilespmem:$0x1800] =	vst v63  }
0x22: {  	_ = 	snop  }
0x23: {  	[tilespmem:s19], [sflag:$0x3] =	stream.indirect.gather [hbm4b:s4+s16], $0x1, s2, s16, $0xb8;
	[tilespmem:$0x1800] =	vst v63  }
0x24: {  	_ = 	snop  }
0x25: {  	[tilespmem:s20], [sflag:$0x4] =	stream.indirect.gather [hbm4b:s5+s16], $0x1, s16, s16, $0xb8;
	[tilespmem:$0x1800] =	vst v63  }
0x26: {  	_ = 	snop  }
0x27: {  	[tilespmem:s21], [sflag:$0x5] =	stream.linear.gather [hbm4b:s8+s2], $0x200, $0x38;
	[tilespmem:$0x1800] =	vst v63  }
0x28: {  	_ =	swait.ge [sflag:s15], $0x200  }
0x29: {  	[sflag:s15] =	ssyncset.done $0x0  }
0x2a: {  	[sflag:s15] =	ssyncadd.s32 $0xFFFFFE00  }
0x2b: {  	[tilespmem:s22], [sflag:$0x5] =	stream.linear.gather [hbm4b:s9+s2], $0x200, $0x38;
	[tilespmem:$0x1800] =	vst v63  }
0x2c: {  	_ =	swait.ge [sflag:s15], $0x200  }
0x2d: {  	[sflag:s15] =	ssyncset.done $0x0  }
0x2e: {  	[sflag:s15] =	ssyncadd.s32 $0xFFFFFE00  }
0x2f: {  	_ =	swait.ge [sflag:s23], $0x200  }
0x30: {  	[sflag:s23] =	ssyncset.done $0x0  }
0x31: {  	[sflag:s23] =	ssyncadd.s32 $0xFFFFFE00  }
0x32: {  	_ =	swait.ge [sflag:s24], $0x200  }
0x33: {  	[sflag:s24] =	ssyncset.done $0x0  }
0x34: {  	[sflag:s24] =	ssyncadd.s32 $0xFFFFFE00  }
0x35: {  	_ =	swait.ge [sflag:s25], $0x200  }
0x36: {  	[sflag:s25] =	ssyncset.done $0x0  }
0x37: {  	[sflag:s25] =	ssyncadd.s32 $0xFFFFFE00  }
0x38: {  	_ =	swait.ge [sflag:s26], $0x200  }
0x39: {  	[sflag:s26] =	ssyncset.done $0x0  }
0x3a: {  	[sflag:s26] =	ssyncadd.s32 $0xFFFFFE00  }
0x3b: {  	v1 =	vld [tilespmem:$0x800]  }
0x3c: {  	v2 =	vld [tilespmem:$0xA00]  }
0x3d: {  	v3 =	vld [tilespmem:$0x400]  }
0x3e: {  	v4 =	vld [tilespmem:$0x810]  }
0x3f: {  	v5 =	vld [tilespmem:$0xA10]  }
0x40: {  	v7 =	vld [tilespmem:$0x600]  }
0x41: {  	v30 =	vld [tilespmem:$0xC00]  }
0x42: {  	v8 =	vld [tilespmem:$0x410]  }
0x43: {  	v31 =	vld [tilespmem:$0xE00]  }
0x44: {  	v32 =	vld [tilespmem:$0x820]  }
0x45: {  	v10 =	vld [tilespmem:$0xA20]  }
0x46: {  	v11 =	vld [tilespmem:$0xC10]  }
0x47: {  	v33 =	vld [tilespmem:$0xE10]  }
0x48: {  	v35 =	vld [tilespmem:$0x420];
	v1 =	vmul.f32 v2, v1  }
0x49: {  	v37 =	vld [tilespmem:$0x830];
	v4 =	vmul.f32 v5, v4  }
0x4a: {  	v42 =	vld [tilespmem:$0xC20];
	v5 =	vmul.f32 v10, v32;
	v2 =	vsub.f32 $1.000000000e+00, v1  }
0x4b: {  	v45 =	vld [tilespmem:$0xE20];
	vm1 =	vlt.f32 v3, v1;
	v6 =	vmax.f32 v1, $9.999999970e-07;
	v9 =	vsub.f32 $1.000000000e+00, v4  }
0x4c: {  	v47 =	vld [tilespmem:$0x840];
	v1 =	vsub.f32 v3, v1;
	vm0 =	vlt.f32 v8, v4;
	v12 =	vmax.f32 v4, $9.999999970e-07  }
0x4d: {  	v51 =	vld [tilespmem:$0xA40];
	v13 =	vsub.f32 $1.000000000e+00, v5;
	v4 =	vsub.f32 v8, v4;
	vm11 =	vlt.f32 v35, v5  }
0x4e: {  	v41 =	vld [tilespmem:$0x610];
	v15 =	vmax.f32 v5, $9.999999970e-07;
	v5 =	vsub.f32 v35, v5;
	v40 =	vsel vm1, $0x0, v49  }
0x4f: {  	v14 =	vld [tilespmem:$0x620];
	v17 =	vsel vm0, $0x0, v49;
	v57 =	vsel vm11, $0x0, v49;
	v2 =	vmax.f32 v2, $9.999999970e-07  }
0x50: {  	v18 =	vld [tilespmem:$0x440];
	v9 =	vmax.f32 v9, $9.999999970e-07;
	v1 =	vsel vm1, v3, v1;
	v13 =	vmax.f32 v13, $9.999999970e-07  }
0x51: {  	v56 =	vld [tilespmem:$0xC30];
	v3 =	vmul.f32 v33, v11;
	v4 =	vsel vm0, v8, v4;
	v8 =	vmul.f32 v45, v42  }
0x52: {  	v59 =	vld [tilespmem:$0xE30];
	v5 =	vsel vm11, v35, v5;
	v11 =	vmul.f32 v51, v47;
	v1 =	vmul.f32 $5.000000000e-01, v1  }
0x53: {  	v38 =	vld [tilespmem:$0xA30];
	v2 =	vsel vm1, v6, v2;
	v4 =	vmul.f32 $5.000000000e-01, v4;
	v5 =	vmul.f32 $5.000000000e-01, v5  }
0x54: {  	v34 =	vsel vm0, v12, v9;
	(erf) = vrcp.f32 v2;
	v2 =	vmul.f32 v31, v30  }
0x55: {  	v23 =	vld [tilespmem:$0x630];
	v43 =	vsel vm11, v15, v13;
	v46 =	vmul.f32 v3, v41;
	v8 =	vmul.f32 v8, v14  }
0x56: {  	v44 =	vld [tilespmem:$0x430];
	v20 =	vsub.f32 $1.000000000e+00, v11;
	vm12 =	vlt.f32 v18, v11;
	(erf) = vrcp.f32 v34  }
0x57: {  	v19 =	vld [tilespmem:$0x850];
	v24 =	vmax.f32 v11, $9.999999970e-07;
	v14 =	vmul.f32 v59, v56;
	v11 =	vsub.f32 v18, v11  }
0x58: {  	v35 =	vld [tilespmem:$0xC50];
	v2 =	vmul.f32 v2, v7;
	v7 =	vmul.f32 v38, v37;
	v10 =	vmax.f32 v46, $9.999999970e-07  }
0x59: {  	v41 =	vld [tilespmem:$0xE50];
	v8 =	vmax.f32 v8, $9.999999970e-07;
	v20 =	vmax.f32 v20, $9.999999970e-07;
	v11 =	vsel vm12, v18, v11  }
0x5a: {  	v53 =	vld [tilespmem:$0xA50];
	v14 =	vmul.f32 v14, v23;
	v60 =	vsel vm12, v24, v20;
	v11 =	vmul.f32 $5.000000000e-01, v11  }
0x5b: {  	v22 =	vld [tilespmem:$0x450];
	v39 =	vmax.f32 v2, $9.999999970e-07;
	v50 =	vsub.f32 $1.000000000e+00, v7;
	v21 =	vsub.f32 v44, v7  }
0x5c: {  	v27 =	vld [tilespmem:$0x860];
	vm2 =	vlt.f32 v44, v7;
	v52 =	vmax.f32 v7, $9.999999970e-07;
	v34 =	vmax.f32 v14, $9.999999970e-07  }
0x5d: {  	v26 =	vmin.f32 v39, $1.500000000e+01;
	v62 =	vsel vm2, $0x0, v49;
	v13 =	vsel vm2, v44, v21;
	v44 =	vld [tilespmem:$0xA60]  }
0x5e: {  	v47 =	vld [tilespmem:$0x460];
	v51 =	vmul.f32 v41, v35;
	v15 =	vmax.f32 v50, $9.999999970e-07;
	v50 =	vsel vm12, $0x0, v49;
	v36 =	vpop (erf)  }
0x5f: {  	v31 =	vld [tilespmem:$0xE40];
	v15 =	vsel vm2, v52, v15;
	(erf) = vrcp.f32 v43;
	v6 =	vmul.f32 v36, v1;
	v48 =	vpop (erf)  }
0x60: {  	v1 =	vld [tilespmem:$0xC40];
	v12 =	vmul.f32 v48, v4;
	v4 =	vmin.f32 v10, $1.500000000e+01;
	v10 =	vmul.f32 v53, v19  }
0x61: {  	v13 =	vmul.f32 $5.000000000e-01, v13;
	v52 =	vld [tilespmem:$0xC60];
	(erf) = vrcp.f32 v15;
	v2 =	vadd.f32 v6, v40  }
0x62: {  	v53 =	vld [tilespmem:$0xE60];
	v56 =	vmul.f32 v44, v27;
	v6 =	vadd.f32 v12, v17;
	v61 =	vsub.f32 $1.000000000e+00, v10  }
0x63: {  	v63 =	vld [tilespmem:$0x640];
	vm13 =	vlt.f32 v22, v10;
	v30 =	vmax.f32 v10, $9.999999970e-07;
	v10 =	vsub.f32 v22, v10  }
0x64: {  	v29 =	vsub.f32 $1.000000000e+00, v56;
	vm14 =	vlt.f32 v47, v56;
	v16 =	vmul.f32 v2, v26  }
0x65: {  	v28 =	vld [tilespmem:$0xA70];
	v39 =	vsel vm14, $0x0, v49;
	v55 =	vmul.f32 v6, v4;
	v43 =	vmul.f32 v31, v1  }
0x66: {  	v33 =	vld [tilespmem:$0x650];
	v10 =	vsel vm13, v22, v10;
	v29 =	vmax.f32 v29, $9.999999970e-07;
	v3 =	vmax.f32 v16, $9.999999770e-03  }
0x67: {  	v18 =	vld [tilespmem:$0x890];
	v10 =	vmul.f32 $5.000000000e-01, v10;
	v22 =	vmul.f32 v53, v52;
	v54 =	vsub.f32 v26, v3  }
0x68: {  	v44 =	vld [tilespmem:$0xA90];
	v20 =	vmax.f32 v55, $9.999999770e-03;
	v12 =	vmul.f32 v43, v63;
	v43 =	vsub.f32 v47, v56;
	v58 =	vpop (erf)  }
0x69: {  	v35 =	vld [tilespmem:$0xE70];
	(erf) = vrcp.f32 v60;
	v40 =	vsub.f32 v4, v20;
	v16 =	vmul.f32 v58, v5  }
0x6a: {  	v31 =	vld [tilespmem:$0xA80];
	v5 =	vmin.f32 v8, $1.500000000e+01;
	v8 =	vmax.f32 v61, $9.999999970e-07;
	v36 =	vmax.f32 v54, $9.999999770e-03  }
0x6b: {  	v63 =	vld [tilespmem:$0xC70];
	v0 =	vpop (erf);
	v12 =	vmax.f32 v12, $9.999999970e-07;
	v54 =	vmul.f32 v51, v33;
	v8 =	vsel vm13, v30, v8  }
0x6c: {  	v61 =	vsel vm13, $0x0, v49;
	v13 =	vmul.f32 v0, v13;
	v30 =	vld [tilespmem:$0x880];
	(erf) = vrcp.f32 v8  }
0x6d: {  	v48 =	vld [tilespmem:$0x660];
	v21 =	vsel vm14, v47, v43;
	v51 =	vmul.f32 v44, v18;
	v7 =	vadd.f32 v16, v57  }
0x6e: {  	v0 =	vmax.f32 v40, $9.999999770e-03;
	v12 =	vmin.f32 v12, $1.500000000e+01;
	v57 =	vld [tilespmem:$0x870];
	v9 =	vadd.f32 v13, v62  }
0x6f: {  	v24 =	vld [tilespmem:$0x480];
	v41 =	vmul.f32 $5.000000000e-01, v21;
	v8 =	vmin.f32 v34, $1.500000000e+01;
	v32 =	vmul.f32 v7, v5  }
0x70: {  	v60 =	vmax.f32 v54, $9.999999970e-07;
	v62 =	vmax.f32 v56, $9.999999970e-07;
	v25 =	vmul.f32 v9, v8  }
0x71: {  	v54 =	vmul.f32 v35, v63;
	v16 =	vmax.f32 v32, $9.999999770e-03;
	v30 =	vmul.f32 v31, v30  }
0x72: {  	v40 =	vld [tilespmem:$0x670];
	v31 =	vsub.f32 $1.000000000e+00, v51;
	v42 =	vsub.f32 v5, v16;
	v15 =	vmax.f32 v25, $9.999999770e-03  }
0x73: {  	v28 =	vmul.f32 v28, v57;
	v25 =	vmul.f32 v22, v48;
	v58 =	vsub.f32 v8, v15  }
0x74: {  	v46 =	vpop (erf);
	v38 =	vsub.f32 $1.000000000e+00, v30;
	vm4 =	vlt.f32 v24, v30;
	v47 =	vmax.f32 v30, $9.999999970e-07  }
0x75: {  	v32 =	vld [tilespmem:$0x470];
	v45 =	vmax.f32 v42, $9.999999770e-03;
	v11 =	vmul.f32 v46, v11;
	v1 =	vsub.f32 $1.000000000e+00, v28;
	v55 =	vpop (erf)  }
0x76: {  	v18 =	vld [tilespmem:$0xC90];
	v37 =	vmax.f32 v28, $9.999999970e-07;
	v52 =	vmax.f32 v25, $9.999999970e-07;
	v14 =	vmul.f32 v55, v10  }
0x77: {  	v44 =	vld [tilespmem:$0xEA0];
	v25 =	vmul.f32 v54, v40;
	v42 =	vmax.f32 v31, $9.999999970e-07;
	v38 =	vmax.f32 v38, $9.999999970e-07  }
0x78: {  	v56 =	vld [tilespmem:$0x8A0];
	v13 =	vadd.f32 v11, v50;
	v11 =	vadd.f32 v14, v61;
	v14 =	vsel vm14, v62, v29  }
0x79: {  	v57 =	vld [tilespmem:$0xAA0];
	v21 =	vmin.f32 v52, $1.500000000e+01;
	v10 =	vmin.f32 v60, $1.500000000e+01;
	(erf) = vrcp.f32 v14  }
0x7a: {  	v46 =	vld [tilespmem:$0xC80];
	vm15 =	vlt.f32 v32, v28;
	v48 =	vsel vm4, v47, v38;
	v34 =	vmul.f32 v11, v10  }
0x7b: {  	v50 =	vld [tilespmem:$0xE80];
	v25 =	vmax.f32 v25, $9.999999970e-07;
	v55 =	vsub.f32 v32, v28;
	v60 =	vmax.f32 v51, $9.999999970e-07  }
0x7c: {  	v47 =	vld [tilespmem:$0xE90];
	v59 =	vmul.f32 v13, v12;
	v14 =	vmax.f32 v34, $9.999999770e-03;
	v34 =	vmax.f32 v1, $9.999999970e-07  }
0x7d: {  	[tilespmem:$0x1FFF0] =	vst v45;
	v29 =	vmax.f32 v58, $9.999999770e-03;
	v27 =	vsel vm15, v32, v55;
	v55 =	vld [tilespmem:$0xCA0];
	v45 =	vsel vm15, v37, v34  }
0x7e: {  	v61 =	vsub.f32 v24, v30;
	v17 =	vmax.f32 v59, $9.999999770e-03;
	v37 =	vld [tilespmem:$0x490];
	(erf) = vrcp.f32 v45  }
0x7f: {  	v58 =	vsel vm15, $0x0, v49;
	v33 =	vsub.f32 v12, v17;
	(erf) = vrcp.f32 v48  }
0x80: {  	v59 =	vld [tilespmem:$0x680];
	v27 =	vmul.f32 $5.000000000e-01, v27;
	v63 =	vmul.f32 v50, v46;
	v24 =	vsel vm4, v24, v61  }
0x81: {  	v50 =	vsel vm4, $0x0, v49;
	v24 =	vmul.f32 $5.000000000e-01, v24;
	v19 =	vmax.f32 v33, $9.999999770e-03  }
0x82: {  	[tilespmem:$0x1FFE0] =	vst v0;
	v33 =	vmul.f32 v57, v56;
	v56 =	vmul.f32 v47, v18;
	v0 =	vsub.f32 v10, v14;
	v53 =	vpop (erf)  }
0x83: {  	v61 =	vld [tilespmem:$0xAB0];
	v44 =	vmul.f32 v44, v55;
	vm5 =	vlt.f32 v37, v51;
	v23 =	vmul.f32 v53, v41  }
0x84: {  	v57 =	vld [tilespmem:$0x8B0];
	v48 =	vsub.f32 $1.000000000e+00, v33;
	v51 =	vsub.f32 v37, v51;
	v62 =	vsel vm5, v60, v42  }
0x85: {  	v45 =	vmul.f32 v63, v59;
	(erf) = vrcp.f32 v62;
	v31 =	vadd.f32 v23, v39;
	v39 =	vld [tilespmem:$0x4A0]  }
0x86: {  	v22 =	vmax.f32 v0, $9.999999770e-03;
	v43 =	vmax.f32 v48, $9.999999970e-07;
	v30 =	vsel vm5, v37, v51  }
0x87: {  	v52 =	vld [tilespmem:$0x690];
	v53 =	vmax.f32 v33, $9.999999970e-07;
	v63 =	vsel vm5, $0x0, v49;
	v30 =	vmul.f32 $5.000000000e-01, v30;
	v1 =	vpop (erf)  }
0x88: {  	v23 =	vmin.f32 v25, $1.500000000e+01;
	v0 =	vmul.f32 v31, v21;
	v25 =	vmul.f32 v1, v27;
	v46 =	vpop (erf)  }
0x89: {  	v27 =	vmax.f32 v45, $9.999999970e-07;
	v1 =	vmul.f32 v61, v57;
	v24 =	vmul.f32 v46, v24  }
0x8a: {  	v47 =	vld [tilespmem:$0x8C0];
	v40 =	vmax.f32 v0, $9.999999770e-03;
	vm6 =	vlt.f32 v39, v33;
	v34 =	vadd.f32 v25, v58  }
0x8b: {  	v0 =	vld [tilespmem:$0x6A0];
	v62 =	vsub.f32 v21, v40;
	v33 =	vsub.f32 v39, v33;
	v54 =	vsel vm6, v53, v43  }
0x8c: {  	v25 =	vadd.f32 v24, v50;
	v24 =	vmin.f32 v27, $1.500000000e+01;
	v27 =	vmul.f32 v56, v52;
	v56 =	vld [tilespmem:$0xAC0]  }
0x8d: {  	v50 =	vld [tilespmem:$0xCB0];
	v61 =	vsel vm6, $0x0, v49;
	(erf) = vrcp.f32 v54;
	v58 =	vmul.f32 v34, v23  }
0x8e: {  	v53 =	vld [tilespmem:$0xEB0];
	v33 =	vsel vm6, v39, v33;
	v18 =	vmax.f32 v62, $9.999999770e-03;
	v59 =	vmul.f32 v25, v24;
	v60 =	vpop (erf)  }
0x8f: {  	v27 =	vmax.f32 v27, $9.999999970e-07;
	v33 =	vmul.f32 $5.000000000e-01, v33;
	v41 =	vmul.f32 v60, v30  }
0x90: {  	v52 =	vld [tilespmem:$0x4C0];
	v38 =	vmax.f32 v58, $9.999999770e-03;
	v27 =	vmin.f32 v27, $1.500000000e+01;
	v58 =	vsub.f32 $1.000000000e+00, v1  }
0x91: {  	v51 =	vld [tilespmem:$0x8D0];
	v35 =	vmul.f32 v44, v0;
	v60 =	vmax.f32 v1, $9.999999970e-07;
	v30 =	vmax.f32 v59, $9.999999770e-03  }
0x92: {  	v45 =	vsub.f32 v23, v38;
	v59 =	vld [tilespmem:$0xAD0];
	v28 =	vadd.f32 v41, v63;
	v42 =	vmul.f32 v56, v47  }
0x93: {  	v41 =	vld [tilespmem:$0x4B0];
	v46 =	vsub.f32 v24, v30;
	v62 =	vmax.f32 v35, $9.999999970e-07;
	v50 =	vmul.f32 v53, v50  }
0x94: {  	v43 =	vmax.f32 v45, $9.999999770e-03;
	v48 =	vmul.f32 v28, v27;
	v0 =	vsub.f32 $1.000000000e+00, v42  }
0x95: {  	vm8 =	vlt.f32 v52, v42;
	v55 =	vmax.f32 v42, $9.999999970e-07;
	v42 =	vsub.f32 v52, v42  }
0x96: {  	v63 =	vld [tilespmem:$0x6B0];
	v37 =	vmax.f32 v46, $9.999999770e-03;
	v46 =	vmax.f32 v58, $9.999999970e-07;
	v32 =	vmax.f32 v48, $9.999999770e-03  }
0x97: {  	v54 =	vld [tilespmem:$0x4D0];
	v44 =	vmul.f32 v59, v51;
	v42 =	vsel vm8, v52, v42;
	v52 =	vsel vm8, $0x0, v49;
	v57 =	vpop (erf)  }
0x98: {  	v56 =	vld [tilespmem:$0xAE0];
	vm7 =	vlt.f32 v41, v1;
	v39 =	vsub.f32 v41, v1;
	v33 =	vmul.f32 v57, v33  }
0x99: {  	v1 =	vld [tilespmem:$0x8E0];
	v45 =	vsel vm7, v60, v46;
	v46 =	vmax.f32 v0, $9.999999970e-07;
	v60 =	vsub.f32 $1.000000000e+00, v44  }
0x9a: {  	(erf) = vrcp.f32 v45;
	v46 =	vsel vm8, v55, v46;
	v35 =	vadd.f32 v33, v61;
	v61 =	vld [tilespmem:$0xCC0]  }
0x9b: {  	v47 =	vmul.f32 v50, v63;
	v33 =	vmin.f32 v62, $1.500000000e+01;
	(erf) = vrcp.f32 v46;
	v62 =	vld [tilespmem:$0xEC0]  }
0x9c: {  	v58 =	vld [tilespmem:$0x6C0];
	vm9 =	vlt.f32 v54, v44;
	v57 =	vmax.f32 v44, $9.999999970e-07;
	v53 =	vmax.f32 v60, $9.999999970e-07  }
0x9d: {  	v42 =	vmul.f32 $5.000000000e-01, v42;
	v44 =	vsub.f32 v54, v44;
	v53 =	vsel vm9, v57, v53;
	v57 =	vld [tilespmem:$0x4E0]  }
0x9e: {  	v50 =	vld [tilespmem:$0xCD0];
	v45 =	vsub.f32 v27, v32;
	(erf) = vrcp.f32 v53;
	v51 =	vmul.f32 v56, v1  }
0x9f: {  	v39 =	vsel vm7, v41, v39;
	v41 =	vsel vm7, $0x0, v49;
	v60 =	vld [tilespmem:$0x8F0];
	v48 =	vmul.f32 v35, v33  }
0xa0: {  	v47 =	vmax.f32 v47, $9.999999970e-07;
	v59 =	vsub.f32 $1.000000000e+00, v51;
	v55 =	vmul.f32 v62, v61;
	v61 =	vld [tilespmem:$0xAF0]  }
0xa1: {  	v63 =	vmul.f32 $5.000000000e-01, v39;
	v44 =	vsel vm9, v54, v44;
	v39 =	vmax.f32 v48, $9.999999770e-03;
	v62 =	vld [tilespmem:$0xED0]  }
0xa2: {  	v1 =	vmax.f32 v51, $9.999999970e-07;
	vm10 =	vlt.f32 v57, v51;
	v59 =	vmax.f32 v59, $9.999999970e-07  }
0xa3: {  	v48 =	vmax.f32 v45, $9.999999770e-03;
	v59 =	vsel vm10, v1, v59;
	v1 =	vmul.f32 $5.000000000e-01, v44;
	v0 =	vpop (erf)  }
0xa4: {  	v56 =	vld [tilespmem:$0x6D0];
	v53 =	vsub.f32 v33, v39;
	v45 =	vmul.f32 v0, v63;
	v63 =	vmul.f32 v55, v58;
	v0 =	vpop (erf)  }
0xa5: {  	v51 =	vsub.f32 v57, v51;
	v58 =	vld [tilespmem:$0x6E0];
	(erf) = vrcp.f32 v59;
	v42 =	vmul.f32 v0, v42  }
0xa6: {  	v59 =	vld [tilespmem:$0x4F0];
	v60 =	vmul.f32 v61, v60;
	v50 =	vmul.f32 v62, v50;
	v62 =	vsel vm9, $0x0, v49  }
0xa7: {  	v55 =	vld [tilespmem:$0x900];
	v46 =	vadd.f32 v45, v41;
	v45 =	vmin.f32 v47, $1.500000000e+01;
	v41 =	vmax.f32 v63, $9.999999970e-07;
	v0 =	vpop (erf)  }
0xa8: {  	v47 =	vld [tilespmem:$0xCE0];
	v41 =	vmin.f32 v41, $1.500000000e+01;
	v44 =	vadd.f32 v42, v52;
	v42 =	vmul.f32 v0, v1  }
0xa9: {  	v52 =	vld [tilespmem:$0xEE0];
	v63 =	vsub.f32 $1.000000000e+00, v60;
	v56 =	vmul.f32 v50, v56;
	v50 =	vsel vm10, v57, v51  }
0xaa: {  	v0 =	vld [tilespmem:$0xB00];
	v1 =	vmax.f32 v60, $9.999999970e-07;
	v54 =	vmul.f32 v46, v45;
	v50 =	vmul.f32 $5.000000000e-01, v50  }
0xab: {  	v57 =	vld [tilespmem:$0xCF0];
	v61 =	vmul.f32 v44, v41;
	v42 =	vadd.f32 v42, v62;
	vm11 =	vlt.f32 v59, v60  }
0xac: {  	[tilespmem:$0x1400] =	vst v3;
	v62 =	vld [tilespmem:$0xEF0];
	v63 =	vmax.f32 v63, $9.999999970e-07;
	v56 =	vmax.f32 v56, $9.999999970e-07;
	v3 =	vsub.f32 v59, v60  }
0xad: {  	[tilespmem:$0x1210] =	vst v4;
	v54 =	vmax.f32 v54, $9.999999770e-03;
	v63 =	vsel vm11, v1, v63;
	v1 =	vld [tilespmem:$0x910];
	v4 =	vsel vm11, $0x0, v49  }
0xae: {  	v51 =	vmax.f32 v61, $9.999999770e-03;
	(erf) = vrcp.f32 v63;
	v63 =	vld [tilespmem:$0x500];
	v3 =	vsel vm11, v59, v3  }
0xaf: {  	v61 =	vld [tilespmem:$0xB10];
	v52 =	vmul.f32 v52, v47;
	v55 =	vmul.f32 v0, v55;
	v0 =	vsub.f32 v45, v54;
	v47 =	vpop (erf)  }
0xb0: {  	[tilespmem:$0x1200] =	vst v26;
	v60 =	vld [tilespmem:$0x6F0];
	v3 =	vmul.f32 $5.000000000e-01, v3;
	v50 =	vmul.f32 v47, v50;
	v47 =	vmin.f32 v56, $1.500000000e+01  }
0xb1: {  	[tilespmem:$0x1000] =	vst v2;
	v56 =	vsub.f32 v41, v51;
	v57 =	vmul.f32 v62, v57;
	v62 =	vsub.f32 $1.000000000e+00, v55  }
0xb2: {  	[tilespmem:$0x1600] =	vst v36;
	v59 =	vld [tilespmem:$0xD00];
	v52 =	vmul.f32 v52, v58;
	v58 =	vsel vm10, $0x0, v49;
	v36 =	vmax.f32 v55, $9.999999970e-07  }
0xb3: {  	[tilespmem:$0x1010] =	vst v6;
	v50 =	vadd.f32 v50, v58;
	v58 =	vld [tilespmem:$0x510];
	vm12 =	vlt.f32 v63, v55;
	v26 =	vmax.f32 v62, $9.999999970e-07  }
0xb4: {  	[tilespmem:$0x1410] =	vst v20;
	v2 =	vmul.f32 v42, v47;
	v1 =	vmul.f32 v61, v1;
	v61 =	vld [tilespmem:$0xF00];
	v62 =	vsel vm12, v36, v26  }
0xb5: {  	[tilespmem:$0x1220] =	vst v5;
	v57 =	vmul.f32 v57, v60;
	v60 =	vmax.f32 v52, $9.999999970e-07;
	(erf) = vrcp.f32 v62;
	v62 =	vld [tilespmem:$0x1FFE0]  }
0xb6: {  	[tilespmem:$0x1420] =	vst v16;
	v16 =	vsub.f32 v63, v55;
	v52 =	vld [tilespmem:$0xD10];
	v2 =	vmax.f32 v2, $9.999999770e-03;
	v36 =	vsub.f32 $1.000000000e+00, v1  }
0xb7: {  	[tilespmem:$0x1020] =	vst v7;
	v55 =	vld [tilespmem:$0xF10];
	v5 =	vmin.f32 v60, $1.500000000e+01;
	v20 =	vmax.f32 v1, $9.999999970e-07;
	v57 =	vmax.f32 v57, $9.999999970e-07  }
0xb8: {  	[tilespmem:$0x1030] =	vst v9;
	v26 =	vmax.f32 v36, $9.999999970e-07;
	v36 =	vmax.f32 v53, $9.999999770e-03;
	v53 =	vld [tilespmem:$0x700];
	vm13 =	vlt.f32 v58, v1  }
0xb9: {  	[tilespmem:$0x1430] =	vst v15;
	v16 =	vsel vm12, v63, v16;
	v6 =	vpop (erf);
	v20 =	vsel vm13, v20, v26;
	v26 =	vmax.f32 v0, $9.999999770e-03;
	v0 =	vld [tilespmem:$0xB20]  }
0xba: {  	v3 =	vmul.f32 v6, v3;
	v6 =	vsub.f32 v47, v2;
	v60 =	vmul.f32 v61, v59;
	[tilespmem:$0x1610] =	vst v62;
	v62 =	vld [tilespmem:$0x920]  }
0xbb: {  	[tilespmem:$0x1260] =	vst v21;
	v61 =	vmul.f32 v50, v5;
	(erf) = vrcp.f32 v20;
	v20 =	vmax.f32 v56, $9.999999770e-03;
	v56 =	vld [tilespmem:$0x1FFF0]  }
0xbc: {  	[tilespmem:$0x1630] =	vst v29;
	v29 =	vld [tilespmem:$0xB30];
	v1 =	vsub.f32 v58, v1;
	v52 =	vmul.f32 v55, v52;
	v6 =	vmax.f32 v6, $9.999999770e-03  }
0xbd: {  	[tilespmem:$0x1440] =	vst v17;
	v3 =	vadd.f32 v3, v4;
	v9 =	vmax.f32 v61, $9.999999770e-03;
	v7 =	vmul.f32 v60, v53;
	v53 =	vld [tilespmem:$0x930]  }
0xbe: {  	[tilespmem:$0x1640] =	vst v19;
	v19 =	vld [tilespmem:$0x530];
	v4 =	vmin.f32 v57, $1.500000000e+01;
	v57 =	vmul.f32 $5.000000000e-01, v16;
	v17 =	vsub.f32 v5, v9  }
0xbf: {  	[tilespmem:$0x1650] =	vst v22;
	v21 =	vld [tilespmem:$0x540];
	v1 =	vsel vm13, v58, v1;
	v61 =	vsel vm12, $0x0, v49;
	v15 =	vmul.f32 v3, v4  }
0xc0: {  	v1 =	vmul.f32 $5.000000000e-01, v1;
	v22 =	vmax.f32 v17, $9.999999770e-03;
	v59 =	vpop (erf);
	[tilespmem:$0x1620] =	vst v56;
	v56 =	vld [tilespmem:$0x520];
	v0 =	vmul.f32 v0, v62  }
0xc1: {  	[tilespmem:$0x1240] =	vst v12;
	v12 =	vmax.f32 v15, $9.999999770e-03;
	v7 =	vmax.f32 v7, $9.999999970e-07;
	v16 =	vmul.f32 v59, v57;
	v57 =	vld [tilespmem:$0x710]  }
0xc2: {  	[tilespmem:$0x1050] =	vst v11;
	v55 =	vld [tilespmem:$0xD20];
	v11 =	vsub.f32 v4, v12;
	v60 =	vsub.f32 $1.000000000e+00, v0;
	v29 =	vmul.f32 v29, v53  }
0xc3: {  	[tilespmem:$0x1250] =	vst v10;
	v15 =	vld [tilespmem:$0x940];
	v63 =	vmax.f32 v0, $9.999999970e-07;
	v10 =	vadd.f32 v16, v61;
	v61 =	vsel vm13, $0x0, v49  }
0xc4: {  	[tilespmem:$0x1230] =	vst v8;
	v53 =	vld [tilespmem:$0xB40];
	v16 =	vmax.f32 v11, $9.999999770e-03;
	v62 =	vpop (erf);
	v8 =	vmax.f32 v60, $9.999999970e-07;
	vm15 =	vlt.f32 v19, v29  }
0xc5: {  	[tilespmem:$0x1450] =	vst v14;
	v60 =	vld [tilespmem:$0xF20];
	vm14 =	vlt.f32 v56, v0;
	v1 =	vmul.f32 v62, v1;
	v0 =	vsub.f32 v56, v0  }
0xc6: {  	[tilespmem:$0x1080] =	vst v25;
	v25 =	vld [tilespmem:$0x970];
	v14 =	vmul.f32 v52, v57;
	v62 =	vsub.f32 $1.000000000e+00, v29;
	v8 =	vsel vm14, v63, v8  }
0xc7: {  	[tilespmem:$0x1470] =	vst v38;
	v38 =	vld [tilespmem:$0x550];
	v59 =	vsel vm14, $0x0, v49;
	(erf) = vrcp.f32 v8;
	v8 =	vmin.f32 v7, $1.500000000e+01  }
0xc8: {  	[tilespmem:$0x1040] =	vst v13;
	v52 =	vld [tilespmem:$0xB50];
	v7 =	vadd.f32 v1, v61;
	v0 =	vsel vm14, v56, v0;
	v61 =	vmax.f32 v29, $9.999999970e-07  }
0xc9: {  	[tilespmem:$0x1460] =	vst v40;
	v1 =	vld [tilespmem:$0x720];
	v13 =	vmax.f32 v62, $9.999999970e-07;
	v40 =	vmul.f32 v53, v15;
	v63 =	vmul.f32 v10, v8  }
0xca: {  	v56 =	vld [tilespmem:$0xD30];
	v62 =	vsel vm15, v61, v13;
	v0 =	vmul.f32 $5.000000000e-01, v0;
	v55 =	vmul.f32 v60, v55  }
0xcb: {  	[tilespmem:$0x1070] =	vst v34;
	v60 =	vld [tilespmem:$0xF30];
	(erf) = vrcp.f32 v62;
	v58 =	vsub.f32 $1.000000000e+00, v40;
	vm4 =	vlt.f32 v21, v40  }
0xcc: {  	[tilespmem:$0x1670] =	vst v43;
	v62 =	vmax.f32 v40, $9.999999970e-07;
	v13 =	vmax.f32 v63, $9.999999770e-03;
	v63 =	vmax.f32 v14, $9.999999970e-07;
	v14 =	vld [tilespmem:$0x950]  }
0xcd: {  	[tilespmem:$0x1680] =	vst v37;
	v37 =	vld [tilespmem:$0x740];
	v11 =	vmin.f32 v63, $1.500000000e+01;
	v34 =	vmax.f32 v58, $9.999999970e-07;
	v43 =	vsub.f32 v8, v13  }
0xce: {  	[tilespmem:$0x1290] =	vst v27;
	v61 =	vld [tilespmem:$0x730];
	v63 =	vsub.f32 v19, v29;
	v53 =	vmul.f32 v7, v11;
	v34 =	vsel vm4, v62, v34  }
0xcf: {  	[tilespmem:$0x12B0] =	vst v45;
	v45 =	vld [tilespmem:$0xB80];
	v1 =	vmul.f32 v55, v1;
	(erf) = vrcp.f32 v34;
	v27 =	vmax.f32 v43, $9.999999770e-03  }
0xd0: {  	[tilespmem:$0x1270] =	vst v23;
	v55 =	vld [tilespmem:$0xF40];
	v43 =	vsub.f32 v21, v40;
	v60 =	vmul.f32 v60, v56;
	v15 =	vmax.f32 v53, $9.999999770e-03  }
0xd1: {  	[tilespmem:$0x1060] =	vst v31;
	v1 =	vmax.f32 v1, $9.999999970e-07;
	v56 =	vsel vm15, v19, v63;
	v29 =	vmul.f32 v52, v14;
	v52 =	vld [tilespmem:$0xD40]  }
0xd2: {  	[tilespmem:$0x1280] =	vst v24;
	v53 =	vsub.f32 v11, v15;
	v14 =	vmin.f32 v1, $1.500000000e+01;
	v21 =	vsel vm4, v21, v43;
	v43 =	vld [tilespmem:$0x980];
	v57 =	vpop (erf)  }
0xd3: {  	[tilespmem:$0x1660] =	vst v18;
	v58 =	vld [tilespmem:$0x960];
	v23 =	vmul.f32 v60, v61;
	v0 =	vmul.f32 v57, v0;
	v57 =	vsub.f32 $1.000000000e+00, v29  }
0xd4: {  	[tilespmem:$0x1480] =	vst v30;
	v60 =	vld [tilespmem:$0xB60];
	vm5 =	vlt.f32 v38, v29;
	v62 =	vmax.f32 v29, $9.999999970e-07;
	v24 =	vmax.f32 v53, $9.999999770e-03  }
0xd5: {  	[tilespmem:$0x14B0] =	vst v54;
	v53 =	vld [tilespmem:$0xB70];
	v23 =	vmax.f32 v23, $9.999999970e-07;
	v54 =	vsel vm5, $0x0, v49;
	v17 =	vadd.f32 v0, v59  }
0xd6: {  	[tilespmem:$0x12A0] =	vst v33;
	v0 =	vmul.f32 $5.000000000e-01, v56;
	v59 =	vsel vm15, $0x0, v49;
	v1 =	vmul.f32 v55, v52  }
0xd7: {  	[tilespmem:$0x10C0] =	vst v44;
	v44 =	vld [tilespmem:$0x770];
	v61 =	vpop (erf);
	v18 =	vmax.f32 v57, $9.999999970e-07;
	v52 =	vmul.f32 $5.000000000e-01, v21;
	v33 =	vmul.f32 v45, v43  }
0xd8: {  	[tilespmem:$0x1490] =	vst v32;
	v34 =	vld [tilespmem:$0x560];
	v18 =	vsel vm5, v62, v18;
	v0 =	vmul.f32 v61, v0;
	v63 =	vmul.f32 v17, v14  }
0xd9: {  	[tilespmem:$0x12C0] =	vst v41;
	v41 =	vld [tilespmem:$0xF70];
	(erf) = vrcp.f32 v18;
	v31 =	vmul.f32 v60, v58;
	v18 =	vmin.f32 v23, $1.500000000e+01  }
0xda: {  	[tilespmem:$0x10D0] =	vst v42;
	v42 =	vld [tilespmem:$0x760];
	v61 =	vsub.f32 v38, v29;
	v55 =	vmul.f32 v1, v37;
	v32 =	vmul.f32 v53, v25  }
0xdb: {  	[tilespmem:$0x12D0] =	vst v47;
	v47 =	vld [tilespmem:$0x990];
	v56 =	vpop (erf);
	v43 =	vmax.f32 v33, $9.999999970e-07;
	v19 =	vmax.f32 v63, $9.999999770e-03;
	v21 =	vadd.f32 v0, v59  }
0xdc: {  	[tilespmem:$0x1090] =	vst v28;
	v57 =	vld [tilespmem:$0xD50];
	v58 =	vsub.f32 $1.000000000e+00, v31;
	v59 =	vsel vm4, $0x0, v49;
	v1 =	vmul.f32 v56, v52  }
0xdd: {  	[tilespmem:$0x1690] =	vst v48;
	v60 =	vld [tilespmem:$0xF50];
	vm6 =	vlt.f32 v34, v31;
	v62 =	vmax.f32 v31, $9.999999970e-07;
	v31 =	vsub.f32 v34, v31  }
0xde: {  	[tilespmem:$0x10B0] =	vst v46;
	v37 =	vld [tilespmem:$0x570];
	v38 =	vsel vm5, v38, v61;
	v61 =	vsub.f32 $1.000000000e+00, v33;
	v48 =	vsub.f32 v14, v19  }
0xdf: {  	[tilespmem:$0x10E0] =	vst v50;
	v50 =	vld [tilespmem:$0xB90];
	v0 =	vmax.f32 v55, $9.999999970e-07;
	v46 =	vmul.f32 $5.000000000e-01, v38;
	v53 =	vsub.f32 $1.000000000e+00, v32  }
0xe0: {  	[tilespmem:$0x10A0] =	vst v35;
	v55 =	vmax.f32 v32, $9.999999970e-07;
	v38 =	vld [tilespmem:$0x580];
	v28 =	vmax.f32 v58, $9.999999970e-07;
	v63 =	vmul.f32 v21, v18  }
0xe1: {  	[tilespmem:$0x14A0] =	vst v39;
	v23 =	vmin.f32 v0, $1.500000000e+01;
	v25 =	vadd.f32 v1, v59;
	v58 =	vld [tilespmem:$0xD60];
	v29 =	vsel vm6, v62, v28  }
0xe2: {  	[tilespmem:$0x14C0] =	vst v51;
	v59 =	vld [tilespmem:$0xF60];
	v28 =	vmax.f32 v48, $9.999999770e-03;
	v30 =	vmul.f32 v60, v57;
	v62 =	vsel vm6, v34, v31  }
0xe3: {  	[tilespmem:$0x16B0] =	vst v26;
	v48 =	vld [tilespmem:$0x750];
	v26 =	vmax.f32 v63, $9.999999770e-03;
	vm7 =	vlt.f32 v37, v32;
	v57 =	vmul.f32 v25, v23  }
0xe4: {  	[tilespmem:$0x16A0] =	vst v36;
	v60 =	vld [tilespmem:$0xD70];
	v63 =	vsel vm6, $0x0, v49;
	v32 =	vsub.f32 v37, v32;
	v39 =	vsub.f32 v18, v26  }
0xe5: {  	v36 =	vld [tilespmem:$0x780];
	[tilespmem:$0x16C0] =	vst v20;
	v35 =	vsel vm7, $0x0, v49;
	v20 =	vmax.f32 v57, $9.999999770e-03;
	vm8 =	vlt.f32 v38, v33  }
0xe6: {  	[tilespmem:$0x14D0] =	vst v2;
	v32 =	vsel vm7, v37, v32;
	v52 =	vpop (erf);
	(erf) = vrcp.f32 v29;
	v29 =	vmax.f32 v53, $9.999999970e-07;
	v53 =	vld [tilespmem:$0xD80]  }
0xe7: {  	[tilespmem:$0x12E0] =	vst v5;
	v33 =	vsub.f32 v38, v33;
	v45 =	vmul.f32 v59, v58;
	v56 =	vsel vm7, v55, v29;
	v55 =	vld [tilespmem:$0xF80]  }
0xe8: {  	[tilespmem:$0x16D0] =	vst v6;
	v0 =	vmul.f32 v52, v46;
	v1 =	vmul.f32 v30, v48;
	v30 =	vmax.f32 v61, $9.999999970e-07;
	v61 =	vld [tilespmem:$0x9A0]  }
0xe9: {  	[tilespmem:$0x14E0] =	vst v9;
	v48 =	vsub.f32 v23, v20;
	v51 =	vmul.f32 v41, v60;
	v30 =	vsel vm8, v43, v30;
	v43 =	vld [tilespmem:$0x9B0]  }
0xea: {  	[tilespmem:$0x12F0] =	vst v4;
	v60 =	vsel vm8, v38, v33;
	(erf) = vrcp.f32 v56;
	v5 =	vmul.f32 v45, v42;
	v45 =	vld [tilespmem:$0xBB0]  }
0xeb: {  	[tilespmem:$0x14F0] =	vst v12;
	v2 =	vadd.f32 v0, v54;
	v1 =	vmax.f32 v1, $9.999999970e-07;
	v0 =	vmul.f32 $5.000000000e-01, v62;
	v62 =	vld [tilespmem:$0xBA0]  }
0xec: {  	[tilespmem:$0x1120] =	vst v17;
	v17 =	vld [tilespmem:$0x5B0];
	v12 =	vmul.f32 $5.000000000e-01, v60;
	v54 =	vmul.f32 $5.000000000e-01, v32;
	v1 =	vmin.f32 v1, $1.500000000e+01  }
0xed: {  	[tilespmem:$0x16F0] =	vst v16;
	v16 =	vmax.f32 v39, $9.999999770e-03;
	v56 =	vmul.f32 v51, v44;
	v52 =	vmul.f32 v2, v1  }
0xee: {  	[tilespmem:$0x10F0] =	vst v3;
	v40 =	vld [tilespmem:$0x5A0];
	v9 =	vmax.f32 v48, $9.999999770e-03;
	v5 =	vmax.f32 v5, $9.999999970e-07;
	v37 =	vmul.f32 v55, v53  }
0xef: {  	[tilespmem:$0x16E0] =	vst v22;
	v5 =	vmin.f32 v5, $1.500000000e+01;
	v29 =	vmax.f32 v52, $9.999999770e-03;
	v55 =	vmul.f32 v45, v43  }
0xf0: {  	[tilespmem:$0x1100] =	vst v10;
	v58 =	vld [tilespmem:$0x590];
	v59 =	vsub.f32 v1, v29;
	v31 =	vmul.f32 v62, v61;
	v10 =	vmul.f32 v37, v36  }
0xf1: {  	[tilespmem:$0x1300] =	vst v8;
	v46 =	vpop (erf);
	(erf) = vrcp.f32 v30;
	v30 =	vmul.f32 v50, v47;
	vm11 =	vlt.f32 v17, v55  }
0xf2: {  	[tilespmem:$0x1110] =	vst v7;
	v32 =	vmax.f32 v55, $9.999999970e-07;
	v0 =	vmul.f32 v46, v0;
	v6 =	vmax.f32 v59, $9.999999770e-03  }
0xf3: {  	[tilespmem:$0x1500] =	vst v13;
	v46 =	vsel vm8, $0x0, v49;
	v47 =	vsub.f32 $1.000000000e+00, v31;
	vm10 =	vlt.f32 v40, v31  }
0xf4: {  	[tilespmem:$0x1310] =	vst v11;
	v48 =	vld [tilespmem:$0xD90];
	v51 =	vmax.f32 v31, $9.999999970e-07;
	v10 =	vmax.f32 v10, $9.999999970e-07;
	v59 =	vsub.f32 $1.000000000e+00, v55  }
0xf5: {  	[tilespmem:$0x1700] =	vst v27;
	v50 =	vld [tilespmem:$0xF90];
	v57 =	vpop (erf);
	v39 =	vsub.f32 $1.000000000e+00, v30;
	vm9 =	vlt.f32 v58, v30;
	v41 =	vmax.f32 v30, $9.999999970e-07  }
0xf6: {  	[tilespmem:$0x1510] =	vst v15;
	v53 =	vld [tilespmem:$0x790];
	v10 =	vmin.f32 v10, $1.500000000e+01;
	v3 =	vadd.f32 v0, v63;
	v4 =	vmul.f32 v57, v54  }
0xf7: {  	[tilespmem:$0x1320] =	vst v14;
	v62 =	vld [tilespmem:$0x7A0];
	v0 =	vmax.f32 v56, $9.999999970e-07;
	v54 =	vsub.f32 v58, v30;
	v61 =	vsel vm9, $0x0, v49  }
0xf8: {  	[tilespmem:$0x1710] =	vst v24;
	v36 =	vld [tilespmem:$0xDB0];
	v30 =	vmax.f32 v59, $9.999999970e-07;
	v42 =	vmax.f32 v39, $9.999999970e-07;
	v0 =	vmin.f32 v0, $1.500000000e+01  }
0xf9: {  	[tilespmem:$0x1330] =	vst v18;
	v56 =	vld [tilespmem:$0xDA0];
	v30 =	vsel vm11, v32, v30;
	v32 =	vsel vm11, $0x0, v49;
	v63 =	vmul.f32 v3, v5  }
0xfa: {  	[tilespmem:$0x1520] =	vst v19;
	v4 =	vadd.f32 v4, v35;
	v22 =	vsel vm9, v58, v54;
	v58 =	vld [tilespmem:$0xFA0];
	v13 =	vmul.f32 v50, v48  }
0xfb: {  	[tilespmem:$0x1130] =	vst v21;
	v7 =	vsel vm9, v41, v42;
	v35 =	vsub.f32 v40, v31;
	v42 =	vld [tilespmem:$0xBC0];
	v60 =	vmul.f32 $5.000000000e-01, v22  }
0xfc: {  	[tilespmem:$0x1340] =	vst v23;
	v48 =	vld [tilespmem:$0xDC0];
	v8 =	vmax.f32 v63, $9.999999770e-03;
	v52 =	vmul.f32 v4, v0;
	v13 =	vmul.f32 v13, v53  }
0xfd: {  	[tilespmem:$0x1720] =	vst v28;
	v54 =	vld [tilespmem:$0xBD0];
	v19 =	vsel vm10, v40, v35;
	v44 =	vsub.f32 v5, v8;
	v38 =	vpop (erf);
	(erf) = vrcp.f32 v7  }
0xfe: {  	[tilespmem:$0x1140] =	vst v25;
	v40 =	vld [tilespmem:$0x9C0];
	v19 =	vmul.f32 $5.000000000e-01, v19;
	v7 =	vmax.f32 v47, $9.999999970e-07;
	v14 =	vmax.f32 v52, $9.999999770e-03  }
0xff: {  	[tilespmem:$0x1530] =	vst v26;
	v63 =	vld [tilespmem:$0x7B0];
	v43 =	vmax.f32 v13, $9.999999970e-07;
	v12 =	vmul.f32 v38, v12;
	v7 =	vsel vm10, v51, v7  }
0x100: {  	[tilespmem:$0x1540] =	vst v20;
	v52 =	vld [tilespmem:$0x9D0];
	v11 =	vmax.f32 v44, $9.999999770e-03;
	v37 =	vsub.f32 v0, v14;
	v39 =	vmul.f32 v58, v56  }
0x101: {  	[tilespmem:$0x1740] =	vst v9;
	v38 =	vld [tilespmem:$0xFB0];
	v9 =	vmin.f32 v43, $1.500000000e+01;
	(erf) = vrcp.f32 v7;
	v7 =	vsub.f32 v17, v55  }
0x102: {  	[tilespmem:$0x1730] =	vst v16;
	v51 =	vsel vm10, $0x0, v49;
	v56 =	vld [tilespmem:$0xFC0];
	v12 =	vadd.f32 v12, v46;
	v44 =	vmul.f32 v39, v62  }
0x103: {  	[tilespmem:$0x1150] =	vst v2;
	v16 =	vmax.f32 v37, $9.999999770e-03;
	v46 =	vld [tilespmem:$0x5C0];
	v24 =	vmul.f32 v42, v40;
	v7 =	vsel vm11, v17, v7  }
0x104: {  	[tilespmem:$0x1350] =	vst v1;
	v43 =	vld [tilespmem:$0x7C0];
	v57 =	vmul.f32 v12, v10;
	v50 =	vmax.f32 v44, $9.999999970e-07;
	v7 =	vmul.f32 $5.000000000e-01, v7  }
0x105: {  	[tilespmem:$0x1360] =	vst v5;
	v27 =	vsub.f32 $1.000000000e+00, v24;
	v26 =	vmax.f32 v24, $9.999999970e-07;
	v1 =	vmin.f32 v50, $1.500000000e+01  }
0x106: {  	[tilespmem:$0x1550] =	vst v29;
	v62 =	vld [tilespmem:$0x5D0];
	v55 =	vmul.f32 v38, v36;
	v21 =	vmax.f32 v57, $9.999999770e-03;
	v34 =	vpop (erf);
	(erf) = vrcp.f32 v30  }
0x107: {  	[tilespmem:$0x1750] =	vst v6;
	v35 =	vmul.f32 v56, v48;
	v29 =	vmax.f32 v27, $9.999999970e-07;
	v41 =	vsub.f32 v10, v21  }
0x108: {  	[tilespmem:$0x1380] =	vst v10;
	v40 =	vld [tilespmem:$0xBF0];
	v6 =	vmul.f32 v55, v63;
	vm12 =	vlt.f32 v46, v24;
	v63 =	vmul.f32 v54, v52  }
0x109: {  	[tilespmem:$0x1570] =	vst v14;
	v38 =	vld [tilespmem:$0x9F0];
	v36 =	vsub.f32 v46, v24;
	v14 =	vmul.f32 v35, v43;
	v30 =	vsel vm12, v26, v29  }
0x10a: {  	[tilespmem:$0x1160] =	vst v3;
	v44 =	vsel vm12, $0x0, v49;
	v15 =	vmul.f32 v34, v60;
	v47 =	vmax.f32 v41, $9.999999770e-03  }
0x10b: {  	[tilespmem:$0x1370] =	vst v0;
	(erf) = vrcp.f32 v30;
	v34 =	vsub.f32 $1.000000000e+00, v63;
	vm13 =	vlt.f32 v62, v63  }
0x10c: {  	v58 =	vld [tilespmem:$0x9E0];
	[tilespmem:$0x1760] =	vst v11;
	v39 =	vmax.f32 v63, $9.999999970e-07;
	v6 =	vmax.f32 v6, $9.999999970e-07;
	v42 =	vsel vm12, v46, v36  }
0x10d: {  	v50 =	vld [tilespmem:$0x5F0];
	v11 =	vsub.f32 v62, v63;
	v29 =	vmax.f32 v14, $9.999999970e-07;
	v45 =	vpop (erf);
	[tilespmem:$0x1780] =	vst v47;
	v47 =	vmin.f32 v6, $1.500000000e+01  }
0x10e: {  	[tilespmem:$0x1170] =	vst v4;
	v52 =	vmul.f32 v40, v38;
	v13 =	vadd.f32 v15, v61;
	v18 =	vmul.f32 v45, v19;
	v61 =	vld [tilespmem:$0xBE0]  }
0x10f: {  	[tilespmem:$0x1560] =	vst v8;
	v54 =	vmul.f32 $5.000000000e-01, v42;
	v63 =	vsel vm13, $0x0, v49;
	v4 =	vmax.f32 v34, $9.999999970e-07;
	v60 =	vpop (erf)  }
0x110: {  	[tilespmem:$0x1390] =	vst v9;
	v4 =	vsel vm13, v39, v4;
	v15 =	vadd.f32 v18, v51;
	v7 =	vmul.f32 v60, v7  }
0x111: {  	[tilespmem:$0x1770] =	vst v16;
	v62 =	vsel vm13, v62, v11;
	v53 =	vmul.f32 v13, v9;
	(erf) = vrcp.f32 v4  }
0x112: {  	[tilespmem:$0x1180] =	vst v12;
	vm15 =	vlt.f32 v50, v52;
	v57 =	vmul.f32 v15, v1;
	v33 =	vadd.f32 v7, v32;
	v7 =	vld [tilespmem:$0x5E0]  }
0x113: {  	[tilespmem:$0x13A0] =	vst v1;
	v20 =	vmax.f32 v52, $9.999999970e-07;
	v3 =	vmax.f32 v53, $9.999999770e-03;
	v37 =	vmul.f32 v61, v58  }
0x114: {  	[tilespmem:$0x1580] =	vst v21;
	v55 =	vld [tilespmem:$0xDD0];
	v59 =	vsub.f32 v9, v3;
	v9 =	vmul.f32 $5.000000000e-01, v62;
	v8 =	vmax.f32 v57, $9.999999770e-03  }
0x115: {  	[tilespmem:$0x13B0] =	vst v47;
	v58 =	vld [tilespmem:$0xFD0];
	v31 =	vsub.f32 v1, v8;
	v41 =	vsub.f32 $1.000000000e+00, v37;
	v45 =	vmax.f32 v37, $9.999999970e-07;
	v56 =	vpop (erf)  }
0x116: {  	v28 =	vld [tilespmem:$0xFE0];
	[tilespmem:$0x1190] =	vst v13;
	v46 =	vmax.f32 v59, $9.999999770e-03;
	v59 =	vsub.f32 $1.000000000e+00, v52;
	v60 =	vmul.f32 v56, v54  }
0x117: {  	v24 =	vld [tilespmem:$0xDE0];
	[tilespmem:$0x15A0] =	vst v8;
	v8 =	vmin.f32 v29, $1.500000000e+01;
	v12 =	vmax.f32 v41, $9.999999970e-07;
	vm14 =	vlt.f32 v7, v37  }
0x118: {  	[tilespmem:$0x11A0] =	vst v15;
	v61 =	vld [tilespmem:$0x7D0];
	v18 =	vmax.f32 v59, $9.999999970e-07;
	v25 =	vadd.f32 v60, v44;
	v48 =	vsel vm14, v45, v12  }
0x119: {  	[tilespmem:$0x1590] =	vst v3;
	v32 =	vld [tilespmem:$0x7E0];
	v27 =	vsel vm15, v20, v18;
	v53 =	vmul.f32 v33, v47;
	(erf) = vrcp.f32 v48  }
0x11a: {  	v35 =	vld [tilespmem:$0xDF0];
	[tilespmem:$0x1790] =	vst v46;
	v51 =	vmax.f32 v31, $9.999999770e-03;
	v10 =	vmul.f32 v58, v55;
	v31 =	vpop (erf);
	(erf) = vrcp.f32 v27  }
0x11b: {  	v39 =	vld [tilespmem:$0xFF0];
	[tilespmem:$0x11B0] =	vst v33;
	v33 =	vmul.f32 v31, v9;
	v34 =	vmul.f32 v25, v8;
	v57 =	vmax.f32 v53, $9.999999770e-03  }
0x11c: {  	[tilespmem:$0x13C0] =	vst v8;
	v41 =	vmul.f32 v28, v24;
	v26 =	vsub.f32 v47, v57;
	v30 =	vsub.f32 v7, v37  }
0x11d: {  	[tilespmem:$0x17A0] =	vst v51;
	v37 =	vmul.f32 v10, v61;
	v0 =	vadd.f32 v33, v63;
	v42 =	vmax.f32 v34, $9.999999770e-03  }
0x11e: {  	v43 =	vld [tilespmem:$0x7F0];
	[tilespmem:$0x15B0] =	vst v57;
	v3 =	vmul.f32 v41, v32;
	v57 =	vsel vm15, $0x0, v49;
	v36 =	vsel vm14, $0x0, v49  }
0x11f: {  	[tilespmem:$0x11C0] =	vst v25;
	v44 =	vsub.f32 v8, v42;
	v45 =	vsub.f32 v50, v52;
	v7 =	vsel vm14, v7, v30  }
0x120: {  	[tilespmem:$0x15C0] =	vst v42;
	v2 =	vmax.f32 v26, $9.999999770e-03;
	v5 =	vmax.f32 v37, $9.999999970e-07;
	v48 =	vmul.f32 v39, v35  }
0x121: {  	[tilespmem:$0x11D0] =	vst v0;
	v38 =	vmul.f32 $5.000000000e-01, v7;
	v5 =	vmin.f32 v5, $1.500000000e+01;
	v50 =	vsel vm15, v50, v45  }
0x122: {  	[tilespmem:$0x17B0] =	vst v2;
	v1 =	vmax.f32 v44, $9.999999770e-03;
	v47 =	vmul.f32 v0, v5;
	v52 =	vmul.f32 $5.000000000e-01, v50;
	v40 =	vpop (erf)  }
0x123: {  	v3 =	vmax.f32 v3, $9.999999970e-07;
	[tilespmem:$0x17C0] =	vst v1;
	v2 =	vmul.f32 v48, v43;
	v6 =	vmul.f32 v40, v38;
	v54 =	vpop (erf)  }
0x124: {  	v3 =	vmin.f32 v3, $1.500000000e+01;
	[tilespmem:$0x13D0] =	vst v5;
	v51 =	vmax.f32 v47, $9.999999770e-03;
	v55 =	vmul.f32 v54, v52  }
0x125: {  	[tilespmem:$0x13E0] =	vst v3;
	v2 =	vmax.f32 v2, $9.999999970e-07;
	v53 =	vsub.f32 v5, v51;
	v46 =	vadd.f32 v6, v36  }
0x126: {  	[tilespmem:$0x15D0] =	vst v51;
	v2 =	vmin.f32 v2, $1.500000000e+01;
	v1 =	vadd.f32 v55, v57  }
0x127: {  	[tilespmem:$0x13F0] =	vst v2;
	v0 =	vmax.f32 v53, $9.999999770e-03;
	v56 =	vmul.f32 v46, v3  }
0x128: {  	[tilespmem:$0x17D0] =	vst v0;
	v60 =	vmul.f32 v1, v2  }
0x129: {  	[tilespmem:$0x11E0] =	vst v46;
	v58 =	vmax.f32 v56, $9.999999770e-03  }
0x12a: {  	[tilespmem:$0x11F0] =	vst v1;
	v59 =	vsub.f32 v3, v58;
	v62 =	vmax.f32 v60, $9.999999770e-03  }
0x12b: {  	[tilespmem:$0x15E0] =	vst v58;
	v3 =	vsub.f32 v2, v62  }
0x12c: {  	[tilespmem:$0x15F0] =	vst v62;
	v61 =	vmax.f32 v59, $9.999999770e-03  }
0x12d: {  	[tilespmem:$0x17E0] =	vst v61;
	v63 =	vmax.f32 v3, $9.999999770e-03  }
0x12e: {  	[tilespmem:$0x17F0] =	vst v63  }
0x12f: {  	[hbm4b:s10+s2] =	stream.linear.scatter [tilespmem:s28], [sflag:$0x5], $0x200, $0x38;
	[tilespmem:$0x1800] =	vst v63  }
0x130: {  	_ =	swait.ge [sflag:s15], $0x200  }
0x131: {  	[sflag:s15] =	ssyncset.done $0x0  }
0x132: {  	[sflag:s15] =	ssyncadd.s32 $0xFFFFFE00  }
0x133: {  	[hbm4b:s11+s2] =	stream.linear.scatter [tilespmem:s29], [sflag:$0x5], $0x200, $0x38;
	[tilespmem:$0x1800] =	vst v63  }
0x134: {  	_ =	swait.ge [sflag:s15], $0x200  }
0x135: {  	[sflag:s15] =	ssyncset.done $0x0  }
0x136: {  	[sflag:s15] =	ssyncadd.s32 $0xFFFFFE00  }
0x137: {  	[hbm4b:s12+s2] =	stream.linear.scatter [tilespmem:s30], [sflag:$0x5], $0x200, $0x38;
	[tilespmem:$0x1800] =	vst v63  }
0x138: {  	_ =	swait.ge [sflag:s15], $0x200  }
0x139: {  	p0 =	sne.s32 s14, $0x1;
	[sflag:s15] =	ssyncset.done $0x0  }
.Ltmp0:
0x13a: {  	[sflag:s15] =	ssyncadd.s32 $0xFFFFFE00;
	(pc) =	sbr.rel @p0 .LBB2_1-.Ltmp0, $4  }
0x13b: {  	[hbm4b:s13+s2] =	stream.linear.scatter [tilespmem:s31], [sflag:$0x5], $0x200, $0x38;
	[tilespmem:$0x1800] =	vst v63  }
0x13c: {  	_ =	swait.ge [sflag:s15], $0x200  }
0x13d: {  	[sflag:s15] =	ssyncset.done $0x0  }
0x13e: {  	s14 =	sadd.s32 $0xFFFFFFFF, s14;
	[sflag:s15] =	ssyncadd.s32 $0xFFFFFE00  }
0x13f: {  	_ =	sfence.sel $0x180000  }
0x140: {  	[bflag:$0x0] =	sbarrier.arrive $0xFFFF  }
0x141: {  	_ =	strace $0x90000047  }
0x142: {  	[bflag:$0x2] =	sbarrier.arrive $0xFFFF  }
0x143: {  	p0 =	sne.s32 s3, $0x0;
	s0 =	rddreg [dreg:$0x9]  }
0x144: {  	s0 =	sadd.s32 @!p0 $0x100000, s0  }
0x145: {  	[sflag:s0] =	ssyncadd.tile.s32 @!p0 $0x1;
	_ =	shalt  }
.Lfunc_end2:
_tile_overlayer_lowered:
.L_overlay_start_2:
0x146: {  	(tag) =	ssettag $0x2  }
0x147: {  	s0 =	rddreg [dreg:$0x0];
	s2 =	stileid.u32  }
0x148: {  	s1 =	rddreg [dreg:$0x1];
	p0 =	sne.s32 s2, $0x0  }
0x149: {  	s3 =	rddreg [dreg:$0x2];
	[bflag:$0x3] =	sbarrier.arrive $0xFFFF;
	s2 =	simm.s32 @!p0 $0x1C05  }
0x14a: {  	[timem:s3], [sflag:s2] =	dma.local @!p0 [hbm:s0], s1  }
0x14b: {  	s0 =	simm.s32 @!p0 $0x5  }
0x14c: {  	_ =	swait.ge @!p0 [sflag:s0], s1  }
0x14d: {  	s1 =	ssub.s32 @!p0 $0x0, s1;
	[sflag:s0] =	ssyncset.done @!p0 $0x0  }
0x14e: {  	[sflag:s0] =	ssyncadd.s32 @!p0 s1  }
0x14f: {  	[bflag:$0x3] =	sbarrier.arrive $0xFFFF  }
0x150: {  	_ =	shalt  }

</sc_bundles>
